<compile_context>
chip_gen: v7x
topology: tpu7x:2x2x1
jax: 0.10.2.dev20260603
libtpu: 0.0.44.dev20260713+nightly
codegen_flags: <defaults>
</compile_context>

<pallas_src>
import math
import functools

import jax
import jax.numpy as jnp
from jax import lax
from jax.experimental import pallas as pl
from jax.experimental.pallas import tpu as pltpu
from jax.experimental.pallas import tpu_sc as plsc

H = 128
NH = 8
HD = 16
F = 64
NL = 2
KPL = 16
KAA = 16
B, N, T, M = 1, 32, 50, 64
TP = 56
BLK = 800
EPS = 1e-5
SCALE = 1.0 / math.sqrt(HD)

A2_KEYS = ['wq', 'bq', 'wk', 'bk', 'wv', 'bv', 'wrk', 'wrv', 'wo', 'bo',
           's1l', 'g1l', 'w1l', 'b1l', 'w2l', 'b2l', 's2l', 'g2l']
FO_KEYS = ['fr', 'w1c', 'w1s', 'w1l', 'b1', 's1', 'g1', 'w2', 'b2s',
           'so', 'go', 'wo', 'bo']


def _row(a):
    return a.reshape(1, -1)


def _k_ln(h, s_row, g_row):
    m = jnp.mean(h, axis=-1, keepdims=True)
    c = h - m
    v = jnp.mean(c * c, axis=-1, keepdims=True)
    return c * lax.rsqrt(v + EPS) * s_row + g_row


def _mm(a, b):
    return jnp.dot(a, b, preferred_element_type=jnp.float32)


_COS_C = (0.9999999922855516, -19.739205552336067, 64.93917213578796,
          -85.45116383102751, 60.176212682457745, -26.000455681229646,
          6.575502264034935)
_SIN_C = (6.28318530388885, -41.34170085507124, 81.60515474468119,
          -76.70345298880159, 42.02959370037914, -14.913885622758668,
          3.25815356852333)


def _sincos2pi(y):
    r = y - jnp.floor(y + 0.5)
    u = r * r
    c = jnp.float32(_COS_C[6])
    s = jnp.float32(_SIN_C[6])
    for k in (5, 4, 3, 2, 1, 0):
        c = c * u + jnp.float32(_COS_C[k])
        s = s * u + jnp.float32(_SIN_C[k])
    return c, s * r


def _heads_mat():
    j = lax.broadcasted_iota(jnp.int32, (H, NH), 0)
    hcol = lax.broadcasted_iota(jnp.int32, (H, NH), 1)
    return (j // HD == hcol).astype(jnp.float32)



def _branch(x, p, di):
    cf, sf = _sincos2pi(x * p['fr'][di:di + 1, :])
    h = (_mm(cf, p['w1c'][di]) + _mm(sf, p['w1s'][di])
         + x * p['w1l'][di:di + 1, :] + p['b1'][di:di + 1, :])
    h = jax.nn.relu(_k_ln(h, p['s1'][di:di + 1, :], p['g1'][di:di + 1, :]))
    return _mm(h, p['w2'][di])


def _fourier_core(x, p, d, add):
    acc = None
    for di in range(d):
        t = _branch(x[:, di:di + 1], p, di)
        acc = t if acc is None else acc + t
    acc = acc + p['b2s'][...]
    if add is not None:
        acc = acc + add
    acc = jax.nn.relu(_k_ln(acc, p['so'][...], p['go'][...]))
    return _mm(acc, p['wo'][...]) + p['bo'][...]


def _fourier_body(*refs, d, has_cat):
    if has_cat:
        x_ref, cat_ref = refs[0], refs[1]
        w = refs[2:-1]
    else:
        x_ref = refs[0]
        cat_ref = None
        w = refs[1:-1]
    out_ref = refs[-1]
    p = dict(zip(FO_KEYS, w))
    add = cat_ref[...] if cat_ref is not None else None
    out_ref[...] = _fourier_core(x_ref[...], p, d, add)


def _fourier_params(p, d):
    w1 = p['w1']
    return {
        'fr': p['freqs'],
        'w1c': w1[:, :F, :],
        'w1s': w1[:, F:2 * F, :],
        'w1l': w1[:, 2 * F, :],
        'b1': p['b1'], 's1': p['s1'], 'g1': p['g1'],
        'w2': p['w2'],
        'b2s': _row(jnp.sum(p['b2'], axis=0)),
        'so': _row(p['so']), 'go': _row(p['go']),
        'wo': p['wo'], 'bo': _row(p['bo']),
    }


def _fourier(p, x_rows, cat_rows=None):
    P, d = x_rows.shape
    assert P % BLK == 0, P
    wp = _fourier_params(p, d)
    ws = [wp[k] for k in FO_KEYS]
    full = lambda a: pl.BlockSpec(a.shape, lambda i: (0,) * a.ndim)
    in_specs = [pl.BlockSpec((BLK, d), lambda i: (i, 0))]
    args = [x_rows]
    if cat_rows is not None:
        in_specs.append(pl.BlockSpec((BLK, H), lambda i: (i, 0)))
        args.append(cat_rows)
    in_specs += [full(a) for a in ws]
    args += ws
    return pl.pallas_call(
        functools.partial(_fourier_body, d=d, has_cat=cat_rows is not None),
        grid=(P // BLK,),
        in_specs=in_specs,
        out_specs=pl.BlockSpec((BLK, H), lambda i: (i, 0)),
        out_shape=jax.ShapeDtypeStruct((P, H), jnp.float32),
    )(*args)


def _fourier_g_body(x_ref, add_ref, *refs, d):
    out_ref = refs[-1]
    p = dict(zip(FO_KEYS, refs[:-1]))
    out_ref[0] = _fourier_core(x_ref[0], p, d, add_ref[...])


def _fourier_grouped(p, x_g, add_rows, d_used):
    G, R, d = x_g.shape
    wp = _fourier_params(p, None)
    ws = [wp[k] for k in FO_KEYS]
    full = lambda a: pl.BlockSpec(a.shape, lambda i: (0,) * a.ndim)
    return pl.pallas_call(
        functools.partial(_fourier_g_body, d=d_used),
        grid=(G,),
        in_specs=[pl.BlockSpec((1, R, d), lambda i: (i, 0, 0)),
                  pl.BlockSpec((R, H), lambda i: (0, 0))]
                 + [full(a) for a in ws],
        out_specs=pl.BlockSpec((1, R, H), lambda i: (i, 0, 0)),
        out_shape=jax.ShapeDtypeStruct((G, R, H), jnp.float32),
    )(x_g, add_rows, *ws)


def _branch_body(x_ref, *refs, di):
    out_ref = refs[-1]
    p = dict(zip(FO_KEYS, refs[:-1]))
    out_ref[...] = _branch(x_ref[...], p, di)


def _fourier_one_branch(p, x_rows, di):
    R = x_rows.shape[0]
    wp = _fourier_params(p, None)
    ws = [wp[k] for k in FO_KEYS]
    full = lambda a: pl.BlockSpec(a.shape, lambda i: (0,) * a.ndim)
    return pl.pallas_call(
        functools.partial(_branch_body, di=di),
        grid=(1,),
        in_specs=[pl.BlockSpec((R, 1), lambda i: (0, 0))]
                 + [full(a) for a in ws],
        out_specs=pl.BlockSpec((R, H), lambda i: (0, 0)),
        out_shape=jax.ShapeDtypeStruct((R, H), jnp.float32),
    )(x_rows, *ws)



def _a2t_body(xt_ref, rt_ref, *w_refs):
    out_ref = w_refs[-1]
    p = dict(zip(A2_KEYS, w_refs[:-1]))
    S = _heads_mat()
    xt = xt_ref[0]
    q = _mm(xt, p['wq'][...]) + p['bq'][...]
    k0 = _mm(xt, p['wk'][...]) + p['bk'][...]
    v0 = _mm(xt, p['wv'][...]) + p['bv'][...]
    rt2 = rt_ref[0]
    rk = _mm(rt2, p['wrk'][...]).reshape(T, TP, H)
    rv = _mm(rt2, p['wrv'][...]).reshape(T, TP, H)
    kf = rk + k0[None, :, :]
    vf = rv + v0[None, :, :]
    prod = q[:T][:, None, :] * kf
    sc = _mm(prod.reshape(T * TP, H), S).reshape(T, TP, NH) * SCALE
    tk = lax.broadcasted_iota(jnp.int32, (T, TP, NH), 1)
    sc = jnp.where(tk < T, sc, -1e30)
    mx = jnp.max(sc, axis=1, keepdims=True)
    e = jnp.exp(sc - mx)
    a = e / jnp.sum(e, axis=1, keepdims=True)
    aexp = _mm(a.reshape(T * TP, NH), S.T).reshape(T, TP, H)
    o = jnp.sum(aexp * vf, axis=1)
    x1 = _k_ln(xt[:T] + _mm(o, p['wo'][...]) + p['bo'][...], p['s1l'][...], p['g1l'][...])
    hdn = _mm(jax.nn.relu(_mm(x1, p['w1l'][...]) + p['b1l'][...]), p['w2l'][...]) + p['b2l'][...]
    out_ref[0, :T, :] = _k_ln(x1 + hdn, p['s2l'][...], p['g2l'][...])


def _a2t(p, xt_pad, rt2):
    ws = [p[k] if p[k].ndim == 2 else _row(p[k]) for k in A2_KEYS]
    full = lambda a: pl.BlockSpec(a.shape, lambda i: (0,) * a.ndim)
    return pl.pallas_call(
        _a2t_body,
        grid=(B * N,),
        in_specs=[pl.BlockSpec((1, TP, H), lambda i: (i, 0, 0)),
                  pl.BlockSpec((1, T * TP, H), lambda i: (i, 0, 0))]
                 + [full(a) for a in ws],
        out_specs=pl.BlockSpec((1, TP, H), lambda i: (i, 0, 0)),
        out_shape=jax.ShapeDtypeStruct((B * N, TP, H), jnp.float32),
    )(xt_pad, rt2, *ws)



def _attend(xs, table, idx, rp, p, S, tbl_sz, K):
    oh = (idx[:, :, None] == lax.broadcasted_iota(jnp.int32, (N, K, tbl_sz), 2))
    kvg = _mm(oh.astype(jnp.float32).reshape(N * K, tbl_sz), table)
    kf = _mm(kvg, p['wk'][...]) + _mm(rp, p['wrk'][...]) + p['bk'][...]
    vf = (_mm(kvg, p['wv'][...]) + _mm(rp, p['wrv'][...]) + p['bv'][...]).reshape(N, K, H)
    q = _mm(xs, p['wq'][...]) + p['bq'][...]
    prod = q[:, None, :] * kf.reshape(N, K, H)
    sc = _mm(prod.reshape(N * K, H), S).reshape(N, K, NH) * SCALE
    mx = jnp.max(sc, axis=1, keepdims=True)
    e = jnp.exp(sc - mx)
    a = e / jnp.sum(e, axis=1, keepdims=True)
    aexp = _mm(a.reshape(N * K, NH), S.T).reshape(N, K, H)
    o = jnp.sum(aexp * vf, axis=1)
    x1 = _k_ln(xs + _mm(o, p['wo'][...]) + p['bo'][...], p['s1l'][...], p['g1l'][...])
    hdn = _mm(jax.nn.relu(_mm(x1, p['w1l'][...]) + p['b1l'][...]), p['w2l'][...]) + p['b2l'][...]
    return _k_ln(x1 + hdn, p['s2l'][...], p['g2l'][...])


def _a2s_body(xs_ref, xpl_ref, knnpl_ref, rpl_ref, knnaa_ref, raa_ref, *w_refs):
    out_ref = w_refs[-1]
    ppl = dict(zip(A2_KEYS, w_refs[:len(A2_KEYS)]))
    paa = dict(zip(A2_KEYS, w_refs[len(A2_KEYS):2 * len(A2_KEYS)]))
    S = _heads_mat()
    xs = xs_ref[0]
    xs1 = _attend(xs, xpl_ref[...], knnpl_ref[0], rpl_ref[0], ppl, S, M, KPL)
    xs2 = _attend(xs1, xs1, knnaa_ref[0], raa_ref[0], paa, S, N, KAA)
    out_ref[0] = xs2


def _a2s(ppl, paa, xs, xpl, knn_pl, rpl_rows, knn_aa, raa_rows):
    ws = ([ppl[k] if ppl[k].ndim == 2 else _row(ppl[k]) for k in A2_KEYS]
          + [paa[k] if paa[k].ndim == 2 else _row(paa[k]) for k in A2_KEYS])
    full = lambda a: pl.BlockSpec(a.shape, lambda i: (0,) * a.ndim)
    return pl.pallas_call(
        _a2s_body,
        grid=(B * T,),
        in_specs=[pl.BlockSpec((1, N, H), lambda i: (i, 0, 0)),
                  full(xpl),
                  pl.BlockSpec((1, N, KPL), lambda i: (i, 0, 0)),
                  pl.BlockSpec((1, N * KPL, H), lambda i: (i, 0, 0)),
                  pl.BlockSpec((1, N, KAA), lambda i: (i, 0, 0)),
                  pl.BlockSpec((1, N * KAA, H), lambda i: (i, 0, 0))]
                 + [full(a) for a in ws],
        out_specs=pl.BlockSpec((1, N, H), lambda i: (i, 0, 0)),
        out_shape=jax.ShapeDtypeStruct((B * T, N, H), jnp.float32),
    )(xs, xpl, knn_pl, rpl_rows, knn_aa, raa_rows, *ws)



SC_NC = 2
SC_NS = 16
SC_NW = SC_NC * SC_NS
ROWS_W = (B * N * T) // SC_NW


def _take16(v, idx):
    dn = lax.GatherDimensionNumbers(offset_dims=(), collapsed_slice_dims=(0,),
                                    start_index_map=(0,))
    return lax.gather(v, idx[:, None], dn, (1,),
                      mode=lax.GatherScatterMode.PROMISE_IN_BOUNDS)


def _lanes_min(v):
    lanes = jnp.arange(16, dtype=jnp.int32)
    for sh in (8, 4, 2, 1):
        v = jnp.minimum(v, _take16(v, lanes ^ sh))
    return v


def _sc_topk_rows(src_ref, dst_ref, nvec):
    lanes = jnp.arange(16, dtype=jnp.int32)
    big = jnp.float32(3.0e38)

    def row_body(r, c0):
        ks = [src_ref[r, pl.ds(16 * c, 16)] for c in range(nvec)]

        def sel_body(k, carry):
            kv = list(carry[:nvec])
            res = carry[nvec]
            m = kv[0]
            for c in range(1, nvec):
                m = jnp.minimum(m, kv[c])
            kmin = _lanes_min(m)
            cand = None
            for c in range(nvec):
                cc = jnp.where(kv[c] == kmin, lanes + 16 * c, jnp.int32(32767))
                cand = cc if cand is None else jnp.minimum(cand, cc)
            imin = _lanes_min(cand)
            res = jnp.where(lanes == k, imin, res)
            for c in range(nvec):
                kv[c] = jnp.where(lanes + 16 * c == imin, big, kv[c])
            return tuple(kv) + (res,)

        init = tuple(ks) + (jnp.zeros((16,), jnp.int32),)
        out = lax.fori_loop(0, KPL, sel_body, init)
        dst_ref[r, :] = out[nvec]
        return c0

    lax.fori_loop(0, ROWS_W, row_body, 0)


def _knn_sc(dpl, daa):
    mesh = plsc.VectorSubcoreMesh(core_axis_name="c", subcore_axis_name="s")

    @functools.partial(
        pl.kernel, mesh=mesh,
        out_type=(jax.ShapeDtypeStruct((SC_NW, ROWS_W, KPL), jnp.int32),
                  jax.ShapeDtypeStruct((SC_NW, ROWS_W, KAA), jnp.int32)),
        scratch_types=[pltpu.VMEM((ROWS_W, M), jnp.float32),
                       pltpu.VMEM((ROWS_W, N), jnp.float32),
                       pltpu.VMEM((ROWS_W, KPL), jnp.int32),
                       pltpu.VMEM((ROWS_W, KAA), jnp.int32)],
    )
    def knn(dpl_hbm, daa_hbm, opl_hbm, oaa_hbm, dpl_v, daa_v, opl_v, oaa_v):
        wid = lax.axis_index("s") * SC_NC + lax.axis_index("c")
        pltpu.sync_copy(dpl_hbm.at[wid], dpl_v)
        pltpu.sync_copy(daa_hbm.at[wid], daa_v)
        _sc_topk_rows(dpl_v, opl_v, M // 16)
        _sc_topk_rows(daa_v, oaa_v, N // 16)
        pltpu.sync_copy(opl_v, opl_hbm.at[wid])
        pltpu.sync_copy(oaa_v, oaa_hbm.at[wid])

    opl, oaa = knn(dpl.reshape(SC_NW, ROWS_W, M), daa.reshape(SC_NW, ROWS_W, N))
    return opl.reshape(B * N * T, KPL), oaa.reshape(B * T * N, KAA)



def _ang(ctr, nbr):
    return jnp.arctan2(ctr[..., 0] * nbr[..., 1] - ctr[..., 1] * nbr[..., 0],
                       jnp.sum(ctr * nbr, axis=-1))


def _wrap(a):
    return (a + jnp.pi) % (2.0 * jnp.pi) - jnp.pi


def kernel(agent_poses_his, agent_vels_his, pl_poses, x_pl, agent_classes, params):
    prm = params
    poses = agent_poses_his
    pos = poses[..., :2]
    hd = poses[..., 2]
    motion = jnp.concatenate(
        [jnp.zeros((B, N, 1, 2), poses.dtype), pos[:, :, 1:] - pos[:, :, :-1]], axis=2)
    hvec = jnp.stack([jnp.cos(hd), jnp.sin(hd)], axis=-1)
    cont = jnp.stack([
        jnp.linalg.norm(motion, axis=-1),
        _ang(hvec, motion),
        jnp.linalg.norm(agent_vels_his, axis=-1),
        _ang(hvec, agent_vels_his),
    ], axis=-1)
    cat = prm['type_emb'][agent_classes][:, :, None, :]
    cat_rows = jnp.broadcast_to(cat, (B, N, T, H)).reshape(B * N * T, H)
    x = _fourier(prm['x_a'], cont.reshape(B * N * T, 4), cat_rows).reshape(B, N, T, H)

    plp = pl_poses[..., :2]
    plh = pl_poses[..., 2]
    rel_all = pos[:, :, :, None, :] - plp[:, None, None, :, :]
    d2_pl = jnp.sum(rel_all * rel_all, axis=-1)
    pos_t = jnp.transpose(pos, (0, 2, 1, 3))
    rel_aa_all = pos_t[:, :, :, None, :] - pos_t[:, :, None, :, :]
    d2_aa = jnp.sum(rel_aa_all * rel_aa_all, axis=-1)
    idx_flat, idx2_flat = _knn_sc(jnp.sqrt(d2_pl).reshape(B * N * T, M),
                                  jnp.sqrt(d2_aa).reshape(B * T * N, N))
    idx = idx_flat.reshape(B, N, T, KPL)
    idx2 = idx2_flat.reshape(B, T, N, KAA)
    knn_pl = jnp.transpose(idx, (0, 2, 1, 3)).reshape(B * T, N, KPL)
    knn_tn = knn_pl.reshape(B, T, N, KPL)
    hd_t = jnp.transpose(hd, (0, 2, 1))
    hvec_t = jnp.transpose(hvec, (0, 2, 1, 3))
    plp_g = plp[0][knn_tn]
    plh_g = plh[0][knn_tn]
    rel_g = pos_t[:, :, :, None, :] - plp_g
    d_g = jnp.linalg.norm(rel_g, axis=-1)
    r_pl_raw = jnp.stack([
        d_g,
        _ang(hvec_t[:, :, :, None, :], rel_g),
        _wrap(plh_g - hd_t[..., None]),
    ], axis=-1)
    rpl_rows = _fourier(prm['r_a2pl'], r_pl_raw.reshape(-1, 3)).reshape(B * T, N * KPL, H)

    knn_aa = idx2.reshape(B * T, N, KAA)
    pos_g = jnp.take_along_axis(
        jnp.broadcast_to(pos_t[:, :, None, :, :], (B, T, N, N, 2)), idx2[..., None], axis=3)
    hd_g = jnp.take_along_axis(
        jnp.broadcast_to(hd_t[:, :, None, :], (B, T, N, N)), idx2, axis=3)
    rel_g2 = pos_t[:, :, :, None, :] - pos_g
    d_g2 = jnp.linalg.norm(rel_g2, axis=-1)
    r_aa_raw = jnp.stack([
        d_g2,
        _ang(hvec_t[:, :, :, None, :], rel_g2),
        _wrap(hd_t[..., None] - hd_g),
    ], axis=-1)
    raa_rows = _fourier(prm['r_a2a'], r_aa_raw.reshape(-1, 3)).reshape(B * T, N * KAA, H)

    rel_t = pos[:, :, :, None, :] - pos[:, :, None, :, :]
    rel_hv = hvec[:, :, :, None, :] - hvec[:, :, None, :, :]
    r_t_raw3 = jnp.stack([
        jnp.linalg.norm(rel_t, axis=-1),
        _ang(rel_hv, rel_t),
        _wrap(hd[:, :, :, None] - hd[:, :, None, :]),
    ], axis=-1)
    raw3 = jnp.pad(r_t_raw3, ((0, 0), (0, 0), (0, 0), (0, TP - T), (0, 0))
                   ).reshape(B * N, T * TP, 3)
    tib_x = (jnp.arange(T)[:, None] - jnp.arange(TP)[None, :]
             ).astype(jnp.float32).reshape(T * TP, 1)
    tib = _fourier_one_branch(prm['r_t'], tib_x, 3)
    rt2 = _fourier_grouped(prm['r_t'], raw3, tib, 3)

    xpl_t = x_pl[0]
    for i in range(NL):
        xt = jnp.pad(x.reshape(B * N, T, H), ((0, 0), (0, TP - T), (0, 0)))
        xt = _a2t(prm['a2t'][i], xt, rt2)[:, :T]
        xs = jnp.transpose(xt.reshape(B, N, T, H), (0, 2, 1, 3)).reshape(B * T, N, H)
        xs = _a2s(prm['a2pl'][i], prm['a2a'][i], xs, xpl_t,
                  knn_pl, rpl_rows, knn_aa, raa_rows)
        x = jnp.transpose(xs.reshape(B, T, N, H), (0, 2, 1, 3))
    return x

# --- scband reference (transcript-rebuilt; emitter-appended) ---
"""Pipeline reference for scband-qcnet-backbone-43954695307305 (READ-ONLY COPY).

The authoritative reference and input builder live on the scoring server;
editing this copy changes nothing except your own understanding.
"""

import jax, jax.numpy as jnp
import numpy as np
import math

H = 128
NH = 8
HD = 16
F = 64
NL = 2
NCLS = 10
KPL = 16
KAA = 16
B, N, T, M = 1, 32, 50, 64


def _ln(x, s, g, eps=1e-5):
    m = jnp.mean(x, axis=-1, keepdims=True)
    v = jnp.var(x, axis=-1, keepdims=True)
    return (x - m) / jnp.sqrt(v + eps) * s + g


def _ang(ctr, nbr):
    return jnp.arctan2(ctr[..., 0] * nbr[..., 1] - ctr[..., 1] * nbr[..., 0], jnp.sum(ctr * nbr, axis=-1))


def _wrap(a):
    return (a + jnp.pi) % (2.0 * jnp.pi) - jnp.pi


def _fourier(p, x, cat=None):
    f = x[..., None] * p['freqs'] * 2.0 * jnp.pi
    feat = jnp.concatenate([jnp.cos(f), jnp.sin(f), x[..., None]], axis=-1)
    h = jnp.einsum('...df,dfh->...dh', feat, p['w1']) + p['b1']
    h = jax.nn.relu(_ln(h, p['s1'], p['g1']))
    h = jnp.einsum('...dh,dhg->...dg', h, p['w2']) + p['b2']
    h = jnp.sum(h, axis=-2)
    if cat is not None:
        h = h + cat
    h = jax.nn.relu(_ln(h, p['so'], p['go']))
    return h @ p['wo'] + p['bo']


def _rpe_layer(p, xq, kv, rpe):
    q = (xq @ p['wq'] + p['bq']).reshape(xq.shape[:-1] + (NH, HD))
    k = (kv @ p['wk'] + rpe @ p['wrk'] + p['bk']).reshape(kv.shape[:-1] + (NH, HD))
    v = (kv @ p['wv'] + rpe @ p['wrv'] + p['bv']).reshape(kv.shape[:-1] + (NH, HD))
    sc = jnp.einsum('blhd,blkhd->blhk', q, k) / math.sqrt(HD)
    a = jax.nn.softmax(sc, axis=-1)
    o = jnp.einsum('blhk,blkhd->blhd', a, v).reshape(xq.shape[:-1] + (NH * HD,))
    x = _ln(xq + o @ p['wo'] + p['bo'], p['s1l'], p['g1l'])
    hdn = jax.nn.relu(x @ p['w1l'] + p['b1l']) @ p['w2l'] + p['b2l']
    return _ln(x + hdn, p['s2l'], p['g2l'])


def _forward(poses, vels, plposes, xpl, prm, cls):
    pos = poses[..., :2]
    hd = poses[..., 2]
    motion = jnp.concatenate([jnp.zeros((B, N, 1, 2), poses.dtype), pos[:, :, 1:] - pos[:, :, :-1]], axis=2)
    hvec = jnp.stack([jnp.cos(hd), jnp.sin(hd)], axis=-1)
    cont = jnp.stack([jnp.linalg.norm(motion, axis=-1), _ang(hvec, motion), jnp.linalg.norm(vels, axis=-1), _ang(hvec, vels)], axis=-1)
    cat = prm['type_emb'][cls][:, :, None, :]
    x = _fourier(prm['x_a'], cont, cat)
    plp = plposes[..., :2]
    plh = plposes[..., 2]
    rel_pl = pos[:, :, None, :, :] - plp[:, None, :, None, :]
    d_pl = jnp.linalg.norm(rel_pl, axis=-1)
    _, idx = jax.lax.top_k(jnp.transpose(-d_pl, (0, 1, 3, 2)), KPL)
    knn_pl = jnp.transpose(idx, (0, 2, 1, 3)).reshape(B * T, N, KPL)
    r_pl = jnp.stack([d_pl, _ang(hvec[:, :, None, :, :], rel_pl), _wrap(plh[:, None, :, None] - hd[:, :, None, :])], axis=-1)
    r_pl = jnp.transpose(_fourier(prm['r_a2pl'], r_pl), (0, 3, 1, 2, 4)).reshape(B * T, N, M, H)
    rel_aa = pos[:, :, None, :, :] - pos[:, None, :, :, :]
    d_aa = jnp.linalg.norm(rel_aa, axis=-1)
    _, idx2 = jax.lax.top_k(jnp.transpose(-d_aa, (0, 1, 3, 2)), min(KAA, N))
    knn_aa = jnp.transpose(idx2, (0, 2, 1, 3)).reshape(B * T, N, -1)
    r_aa = jnp.stack([d_aa, _ang(hvec[:, :, None, :, :], rel_aa), _wrap(hd[:, :, None, :] - hd[:, None, :, :])], axis=-1)
    r_aa = jnp.transpose(_fourier(prm['r_a2a'], r_aa), (0, 3, 1, 2, 4)).reshape(B * T, N, N, H)
    rel_t = pos[:, :, :, None, :] - pos[:, :, None, :, :]
    rel_hv = hvec[:, :, :, None, :] - hvec[:, :, None, :, :]
    ti = jnp.arange(-T + 1, 1)
    rel_ti = jnp.broadcast_to((ti[:, None] - ti[None, :]).astype(poses.dtype), (B, N, T, T))
    r_t = jnp.stack([jnp.linalg.norm(rel_t, axis=-1), _ang(rel_hv, rel_t), _wrap(hd[:, :, :, None] - hd[:, :, None, :]), rel_ti], axis=-1)
    r_t = _fourier(prm['r_t'], r_t).reshape(B * N, T, T, H)
    bidx = jnp.arange(B * T)[:, None, None]
    for i in range(NL):
        xt = x.reshape(B * N, T, H)
        kvt = jnp.broadcast_to(xt[:, None, :, :], (B * N, T, T, H))
        x = _rpe_layer(prm['a2t'][i], xt, kvt, r_t).reshape(B, N, T, H)
        xs = jnp.transpose(x, (0, 2, 1, 3)).reshape(B * T, N, H)
        kvpl = jnp.broadcast_to(xpl[:, None, :, :], (B, T, M, H)).reshape(B * T, M, H)
        kvg = kvpl[bidx, knn_pl]
        rpg = jnp.take_along_axis(r_pl, knn_pl[..., None], axis=2)
        xs = _rpe_layer(prm['a2pl'][i], xs, kvg, rpg)
        kvg2 = xs[bidx, knn_aa]
        rpg2 = jnp.take_along_axis(r_aa, knn_aa[..., None], axis=2)
        xs = _rpe_layer(prm['a2a'][i], xs, kvg2, rpg2)
        x = jnp.transpose(xs.reshape(B, T, N, H), (0, 2, 1, 3))
    return x


def _fp(key, d):
    ks = jax.random.split(key, 4)
    return {'freqs': jax.random.normal(ks[0], (d, F)), 'w1': 0.05 * jax.random.normal(ks[1], (d, 2 * F + 1, H)), 'b1': jnp.zeros((d, H)), 's1': jnp.ones((d, H)), 'g1': jnp.zeros((d, H)), 'w2': 0.05 * jax.random.normal(ks[2], (d, H, H)), 'b2': jnp.zeros((d, H)), 'so': jnp.ones((H,)), 'go': jnp.zeros((H,)), 'wo': 0.05 * jax.random.normal(ks[3], (H, H)), 'bo': jnp.zeros((H,))}


def _lp(key):
    ks = jax.random.split(key, 7)
    D = NH * HD
    return {'wq': 0.05 * jax.random.normal(ks[0], (H, D)), 'bq': jnp.zeros((D,)), 'wk': 0.05 * jax.random.normal(ks[1], (H, D)), 'bk': jnp.zeros((D,)), 'wv': 0.05 * jax.random.normal(ks[2], (H, D)), 'bv': jnp.zeros((D,)), 'wrk': 0.05 * jax.random.normal(ks[3], (H, D)), 'wrv': 0.05 * jax.random.normal(ks[4], (H, D)), 'wo': 0.05 * jax.random.normal(ks[5], (D, H)), 'bo': jnp.zeros((H,)), 's1l': jnp.ones((H,)), 'g1l': jnp.zeros((H,)), 'w1l': 0.05 * jax.random.normal(ks[6], (H, 4 * H)), 'b1l': jnp.zeros((4 * H,)), 'w2l': 0.05 * jax.random.normal(jax.random.fold_in(ks[6], 1), (4 * H, H)), 'b2l': jnp.zeros((H,)), 's2l': jnp.ones((H,)), 'g2l': jnp.zeros((H,))}


def setup_inputs(seed: int = 0):
    key = jax.random.key(seed)
    ks = jax.random.split(key, 16)
    params = {'type_emb': 0.05 * jax.random.normal(ks[0], (NCLS, H)), 'x_a': _fp(ks[1], 4), 'r_a2pl': _fp(ks[2], 3), 'r_a2a': _fp(ks[3], 3), 'r_t': _fp(ks[4], 4), 'a2t': [_lp(jax.random.fold_in(ks[5], i)) for i in range(NL)], 'a2pl': [_lp(jax.random.fold_in(ks[6], i)) for i in range(NL)], 'a2a': [_lp(jax.random.fold_in(ks[7], i)) for i in range(NL)]}
    return {'agent_poses_his': jax.random.normal(ks[8], (B, N, T, 3)), 'agent_vels_his': jax.random.normal(ks[9], (B, N, T, 2)), 'pl_poses': jax.random.normal(ks[10], (B, M, 3)), 'x_pl': jax.random.normal(ks[11], (B, M, H)), 'agent_classes': jax.random.randint(ks[12], (B, N), 0, NCLS), 'params': params}


def reference(agent_poses_his, agent_vels_his, pl_poses, x_pl, agent_classes, params):
    return _forward(agent_poses_his, agent_vels_his, pl_poses, x_pl, params, agent_classes)

if __name__ == "__main__":
    import jax
    _d = setup_inputs()
    print(jax.jit(kernel)(*tuple(_d.values())))

</pallas_src>

<mosaic_0001>
#map = affine_map<(d0, d1) -> (0, 0, 0)>
module attributes {stable_mosaic.version = 14 : i64} {
  func.func @knn(%arg0: i32, %arg1: i32, %arg2: memref<32x50x64xf32, #tpu.memory_space<hbm>>, %arg3: memref<32x50x32xf32, #tpu.memory_space<hbm>>, %arg4: memref<32x50x16xi32, #tpu.memory_space<hbm>>, %arg5: memref<32x50x16xi32, #tpu.memory_space<hbm>>, %arg6: memref<50x64xf32, #tpu.memory_space<vmem>>, %arg7: memref<50x32xf32, #tpu.memory_space<vmem>>, %arg8: memref<50x16xi32, #tpu.memory_space<vmem>>, %arg9: memref<50x16xi32, #tpu.memory_space<vmem>>) attributes {dimension_semantics = [#tpu.dimension_semantics<core_parallel>, #tpu.dimension_semantics<subcore_parallel>], iteration_bounds = array<i64: 2, 16>, scalar_prefetch = 0 : i64, scratch_operands = 4 : i64, tpu.core_type = #tpu.core_type<sc_vector_subcore>, window_params = [{transform_indices = #map}, {transform_indices = #map}, {transform_indices = #map}, {transform_indices = #map}]} {
    %mul3A = arith.constant 2 : i32
    %mul3A_0 = arith.muli %arg1, %mul3A : i32
    %add3A = arith.addi %mul3A_0, %arg0 : i32
    "tpu.region"() ({
      %run_scoped3A = tpu.sem_alloc : memref<!tpu.dma_semaphore, #tpu.memory_space<semaphore_mem>>
      %dma_start3A = arith.constant 0 : i32
      %dma_start3A_15 = arith.constant 0 : i32
      %dma_start3A_16 = tpu.memref_slice %arg2[%add3A, %dma_start3A, %dma_start3A_15] : memref<32x50x64xf32, #tpu.memory_space<hbm>> -> memref<1x50x64xf32, #tpu.memory_space<hbm>>
      %dma_start3A_17 = tpu.memref_squeeze %dma_start3A_16 : memref<1x50x64xf32, #tpu.memory_space<hbm>> -> memref<50x64xf32, #tpu.memory_space<hbm>>
      %dma_start3A_18 = arith.constant 0 : i32
      %dma_start3A_19 = arith.constant 0 : i32
      %dma_start3A_20 = tpu.memref_slice %arg2[%add3A, %dma_start3A_18, %dma_start3A_19] : memref<32x50x64xf32, #tpu.memory_space<hbm>> -> memref<1x50x64xf32, #tpu.memory_space<hbm>>
      %dma_start3A_21 = tpu.memref_squeeze %dma_start3A_20 : memref<1x50x64xf32, #tpu.memory_space<hbm>> -> memref<50x64xf32, #tpu.memory_space<hbm>>
      tpu.enqueue_dma source(%dma_start3A_21 : memref<50x64xf32, #tpu.memory_space<hbm>>) target(%arg6 : memref<50x64xf32, #tpu.memory_space<vmem>>) target_semaphore(%run_scoped3A : memref<!tpu.dma_semaphore, #tpu.memory_space<semaphore_mem>>)
      %dma_wait3A = arith.constant 0 : i32
      %dma_wait3A_22 = arith.constant 0 : i32
      %dma_wait3A_23 = tpu.memref_slice %arg2[%add3A, %dma_wait3A, %dma_wait3A_22] : memref<32x50x64xf32, #tpu.memory_space<hbm>> -> memref<1x50x64xf32, #tpu.memory_space<hbm>>
      %dma_wait3A_24 = tpu.memref_squeeze %dma_wait3A_23 : memref<1x50x64xf32, #tpu.memory_space<hbm>> -> memref<50x64xf32, #tpu.memory_space<hbm>>
      %dma_wait3A_25 = arith.constant 0 : i32
      %dma_wait3A_26 = arith.constant 0 : i32
      %dma_wait3A_27 = tpu.memref_slice %arg2[%add3A, %dma_wait3A_25, %dma_wait3A_26] : memref<32x50x64xf32, #tpu.memory_space<hbm>> -> memref<1x50x64xf32, #tpu.memory_space<hbm>>
      %dma_wait3A_28 = tpu.memref_squeeze %dma_wait3A_27 : memref<1x50x64xf32, #tpu.memory_space<hbm>> -> memref<50x64xf32, #tpu.memory_space<hbm>>
      tpu.wait_dma2 semaphore(%run_scoped3A : memref<!tpu.dma_semaphore, #tpu.memory_space<semaphore_mem>>) src(%dma_wait3A_28 : memref<50x64xf32, #tpu.memory_space<hbm>>) dst(%arg6 : memref<50x64xf32, #tpu.memory_space<vmem>>)
      tpu.yield
    }) : () -> ()
    "tpu.region"() ({
      %run_scoped3A = tpu.sem_alloc : memref<!tpu.dma_semaphore, #tpu.memory_space<semaphore_mem>>
      %dma_start3A = arith.constant 0 : i32
      %dma_start3A_15 = arith.constant 0 : i32
      %dma_start3A_16 = tpu.memref_slice %arg3[%add3A, %dma_start3A, %dma_start3A_15] : memref<32x50x32xf32, #tpu.memory_space<hbm>> -> memref<1x50x32xf32, #tpu.memory_space<hbm>>
      %dma_start3A_17 = tpu.memref_squeeze %dma_start3A_16 : memref<1x50x32xf32, #tpu.memory_space<hbm>> -> memref<50x32xf32, #tpu.memory_space<hbm>>
      %dma_start3A_18 = arith.constant 0 : i32
      %dma_start3A_19 = arith.constant 0 : i32
      %dma_start3A_20 = tpu.memref_slice %arg3[%add3A, %dma_start3A_18, %dma_start3A_19] : memref<32x50x32xf32, #tpu.memory_space<hbm>> -> memref<1x50x32xf32, #tpu.memory_space<hbm>>
      %dma_start3A_21 = tpu.memref_squeeze %dma_start3A_20 : memref<1x50x32xf32, #tpu.memory_space<hbm>> -> memref<50x32xf32, #tpu.memory_space<hbm>>
      tpu.enqueue_dma source(%dma_start3A_21 : memref<50x32xf32, #tpu.memory_space<hbm>>) target(%arg7 : memref<50x32xf32, #tpu.memory_space<vmem>>) target_semaphore(%run_scoped3A : memref<!tpu.dma_semaphore, #tpu.memory_space<semaphore_mem>>)
      %dma_wait3A = arith.constant 0 : i32
      %dma_wait3A_22 = arith.constant 0 : i32
      %dma_wait3A_23 = tpu.memref_slice %arg3[%add3A, %dma_wait3A, %dma_wait3A_22] : memref<32x50x32xf32, #tpu.memory_space<hbm>> -> memref<1x50x32xf32, #tpu.memory_space<hbm>>
      %dma_wait3A_24 = tpu.memref_squeeze %dma_wait3A_23 : memref<1x50x32xf32, #tpu.memory_space<hbm>> -> memref<50x32xf32, #tpu.memory_space<hbm>>
      %dma_wait3A_25 = arith.constant 0 : i32
      %dma_wait3A_26 = arith.constant 0 : i32
      %dma_wait3A_27 = tpu.memref_slice %arg3[%add3A, %dma_wait3A_25, %dma_wait3A_26] : memref<32x50x32xf32, #tpu.memory_space<hbm>> -> memref<1x50x32xf32, #tpu.memory_space<hbm>>
      %dma_wait3A_28 = tpu.memref_squeeze %dma_wait3A_27 : memref<1x50x32xf32, #tpu.memory_space<hbm>> -> memref<50x32xf32, #tpu.memory_space<hbm>>
      tpu.wait_dma2 semaphore(%run_scoped3A : memref<!tpu.dma_semaphore, #tpu.memory_space<semaphore_mem>>) src(%dma_wait3A_28 : memref<50x32xf32, #tpu.memory_space<hbm>>) dst(%arg7 : memref<50x32xf32, #tpu.memory_space<vmem>>)
      tpu.yield
    }) : () -> ()
    %iota3A = tpu.iota {dimensions = array<i32: 0>} : vector<16xi32>
    %scan3A = arith.constant 0 : i32
    %scan3A_1 = arith.constant 3.000000e+38 : f32
    %scan3A_2 = arith.constant 0 : i32
    %scan3A_3 = arith.constant 50 : i32
    %scan3A_4 = arith.addi %scan3A_2, %scan3A_3 : i32
    %scan3A_5 = arith.constant 1 : i32
    scf.for %scan3A_15 = %scan3A_2 to %scan3A_4 step %scan3A_5  : i32 {
      %get3A = arith.index_cast %scan3A_15 : i32 to index
      %get3A_16 = arith.constant 0 : index
      %get3A_17 = tpu.vector_load %arg6[%get3A, %get3A_16] {strides = array<i32>} : memref<50x64xf32, #tpu.memory_space<vmem>>, vector<1x16xf32>,
      %get3A_18 = vector.shape_cast %get3A_17 : vector<1x16xf32> to vector<16xf32>
      %get3A_19 = arith.index_cast %scan3A_15 : i32 to index
      %get3A_20 = arith.constant 16 : index
      %get3A_21 = tpu.vector_load %arg6[%get3A_19, %get3A_20] {strides = array<i32>} : memref<50x64xf32, #tpu.memory_space<vmem>>, vector<1x16xf32>,
      %get3A_22 = vector.shape_cast %get3A_21 : vector<1x16xf32> to vector<16xf32>
      %get3A_23 = arith.index_cast %scan3A_15 : i32 to index
      %get3A_24 = arith.constant 32 : index
      %get3A_25 = tpu.vector_load %arg6[%get3A_23, %get3A_24] {strides = array<i32>} : memref<50x64xf32, #tpu.memory_space<vmem>>, vector<1x16xf32>,
      %get3A_26 = vector.shape_cast %get3A_25 : vector<1x16xf32> to vector<16xf32>
      %get3A_27 = arith.index_cast %scan3A_15 : i32 to index
      %get3A_28 = arith.constant 48 : index
      %get3A_29 = tpu.vector_load %arg6[%get3A_27, %get3A_28] {strides = array<i32>} : memref<50x64xf32, #tpu.memory_space<vmem>>, vector<1x16xf32>,
      %get3A_30 = vector.shape_cast %get3A_29 : vector<1x16xf32> to vector<16xf32>
      %broadcast_in_dim3A = arith.constant 0 : i32
      %broadcast_in_dim3A_31 = vector.broadcast %broadcast_in_dim3A : i32 to vector<16xi32>
      %scan3A_32 = arith.constant 0 : i32
      %scan3A_33 = arith.constant 16 : i32
      %scan3A_34 = arith.addi %scan3A_32, %scan3A_33 : i32
      %scan3A_35 = arith.constant 1 : i32
      %scan3A_36:5 = scf.for %scan3A_42 = %scan3A_32 to %scan3A_34 step %scan3A_35 iter_args(%scan3A_43 = %get3A_18, %scan3A_44 = %get3A_22, %scan3A_45 = %get3A_26, %scan3A_46 = %get3A_30, %scan3A_47 = %broadcast_in_dim3A_31) -> (vector<16xf32>, vector<16xf32>, vector<16xf32>, vector<16xf32>, vector<16xi32>)  : i32 {
        %min3A = arith.minimumf %scan3A_43, %scan3A_44 : vector<16xf32>
        %min3A_48 = arith.minimumf %min3A, %scan3A_45 : vector<16xf32>
        %min3A_49 = arith.minimumf %min3A_48, %scan3A_46 : vector<16xf32>
        %iota3A_50 = tpu.iota {dimensions = array<i32: 0>} : vector<16xi32>
        %xor3A = arith.constant 8 : i32
        %xor3A_51 = vector.broadcast %xor3A : i32 to vector<16xi32>
        %xor3A_52 = arith.xori %iota3A_50, %xor3A_51 : vector<16xi32>
        %broadcast_in_dim3A_53 = vector.shape_cast %xor3A_52 : vector<16xi32> to vector<16x1xi32>
        %gather3A = vector.shape_cast %broadcast_in_dim3A_53 : vector<16x1xi32> to vector<16xi32>
        %gather3A_54 = tpu.dynamic_gather %min3A_49[%gather3A] in [0] : vector<16xf32>, vector<16xi32> -> vector<16xf32>
        %min3A_55 = arith.minimumf %min3A_49, %gather3A_54 : vector<16xf32>
        %xor3A_56 = arith.constant 4 : i32
        %xor3A_57 = vector.broadcast %xor3A_56 : i32 to vector<16xi32>
        %xor3A_58 = arith.xori %iota3A_50, %xor3A_57 : vector<16xi32>
        %broadcast_in_dim3A_59 = vector.shape_cast %xor3A_58 : vector<16xi32> to vector<16x1xi32>
        %gather3A_60 = vector.shape_cast %broadcast_in_dim3A_59 : vector<16x1xi32> to vector<16xi32>
        %gather3A_61 = tpu.dynamic_gather %min3A_55[%gather3A_60] in [0] : vector<16xf32>, vector<16xi32> -> vector<16xf32>
        %min3A_62 = arith.minimumf %min3A_55, %gather3A_61 : vector<16xf32>
        %xor3A_63 = arith.constant 2 : i32
        %xor3A_64 = vector.broadcast %xor3A_63 : i32 to vector<16xi32>
        %xor3A_65 = arith.xori %iota3A_50, %xor3A_64 : vector<16xi32>
        %broadcast_in_dim3A_66 = vector.shape_cast %xor3A_65 : vector<16xi32> to vector<16x1xi32>
        %gather3A_67 = vector.shape_cast %broadcast_in_dim3A_66 : vector<16x1xi32> to vector<16xi32>
        %gather3A_68 = tpu.dynamic_gather %min3A_62[%gather3A_67] in [0] : vector<16xf32>, vector<16xi32> -> vector<16xf32>
        %min3A_69 = arith.minimumf %min3A_62, %gather3A_68 : vector<16xf32>
        %xor3A_70 = arith.constant 1 : i32
        %xor3A_71 = vector.broadcast %xor3A_70 : i32 to vector<16xi32>
        %xor3A_72 = arith.xori %iota3A_50, %xor3A_71 : vector<16xi32>
        %broadcast_in_dim3A_73 = vector.shape_cast %xor3A_72 : vector<16xi32> to vector<16x1xi32>
        %gather3A_74 = vector.shape_cast %broadcast_in_dim3A_73 : vector<16x1xi32> to vector<16xi32>
        %gather3A_75 = tpu.dynamic_gather %min3A_69[%gather3A_74] in [0] : vector<16xf32>, vector<16xi32> -> vector<16xf32>
        %min3A_76 = arith.minimumf %min3A_69, %gather3A_75 : vector<16xf32>
        %eq3A = arith.cmpf oeq, %scan3A_43, %min3A_76 : vector<16xf32>
        %add3A_77 = arith.constant 0 : i32
        %add3A_78 = vector.broadcast %add3A_77 : i32 to vector<16xi32>
        %add3A_79 = arith.addi %iota3A, %add3A_78 : vector<16xi32>
        %jit3A = arith.constant 32767 : i32
        %broadcast_in_dim3A_80 = vector.broadcast %jit3A : i32 to vector<16xi32>
        %select_n3A = arith.select %eq3A, %add3A_79, %broadcast_in_dim3A_80 : vector<16xi1>, vector<16xi32>
        %eq3A_81 = arith.cmpf oeq, %scan3A_44, %min3A_76 : vector<16xf32>
        %add3A_82 = arith.constant 16 : i32
        %add3A_83 = vector.broadcast %add3A_82 : i32 to vector<16xi32>
        %add3A_84 = arith.addi %iota3A, %add3A_83 : vector<16xi32>
        %jit3A_85 = arith.constant 32767 : i32
        %broadcast_in_dim3A_86 = vector.broadcast %jit3A_85 : i32 to vector<16xi32>
        %select_n3A_87 = arith.select %eq3A_81, %add3A_84, %broadcast_in_dim3A_86 : vector<16xi1>, vector<16xi32>
        %min3A_88 = arith.minsi %select_n3A, %select_n3A_87 : vector<16xi32>
        %eq3A_89 = arith.cmpf oeq, %scan3A_45, %min3A_76 : vector<16xf32>
        %add3A_90 = arith.constant 32 : i32
        %add3A_91 = vector.broadcast %add3A_90 : i32 to vector<16xi32>
        %add3A_92 = arith.addi %iota3A, %add3A_91 : vector<16xi32>
        %jit3A_93 = arith.constant 32767 : i32
        %broadcast_in_dim3A_94 = vector.broadcast %jit3A_93 : i32 to vector<16xi32>
        %select_n3A_95 = arith.select %eq3A_89, %add3A_92, %broadcast_in_dim3A_94 : vector<16xi1>, vector<16xi32>
        %min3A_96 = arith.minsi %min3A_88, %select_n3A_95 : vector<16xi32>
        %eq3A_97 = arith.cmpf oeq, %scan3A_46, %min3A_76 : vector<16xf32>
        %add3A_98 = arith.constant 48 : i32
        %add3A_99 = vector.broadcast %add3A_98 : i32 to vector<16xi32>
        %add3A_100 = arith.addi %iota3A, %add3A_99 : vector<16xi32>
        %jit3A_101 = arith.constant 32767 : i32
        %broadcast_in_dim3A_102 = vector.broadcast %jit3A_101 : i32 to vector<16xi32>
        %select_n3A_103 = arith.select %eq3A_97, %add3A_100, %broadcast_in_dim3A_102 : vector<16xi1>, vector<16xi32>
        %min3A_104 = arith.minsi %min3A_96, %select_n3A_103 : vector<16xi32>
        %iota3A_105 = tpu.iota {dimensions = array<i32: 0>} : vector<16xi32>
        %xor3A_106 = arith.constant 8 : i32
        %xor3A_107 = vector.broadcast %xor3A_106 : i32 to vector<16xi32>
        %xor3A_108 = arith.xori %iota3A_105, %xor3A_107 : vector<16xi32>
        %broadcast_in_dim3A_109 = vector.shape_cast %xor3A_108 : vector<16xi32> to vector<16x1xi32>
        %gather3A_110 = vector.shape_cast %broadcast_in_dim3A_109 : vector<16x1xi32> to vector<16xi32>
        %gather3A_111 = tpu.dynamic_gather %min3A_104[%gather3A_110] in [0] : vector<16xi32>, vector<16xi32> -> vector<16xi32>
        %min3A_112 = arith.minsi %min3A_104, %gather3A_111 : vector<16xi32>
        %xor3A_113 = arith.constant 4 : i32
        %xor3A_114 = vector.broadcast %xor3A_113 : i32 to vector<16xi32>
        %xor3A_115 = arith.xori %iota3A_105, %xor3A_114 : vector<16xi32>
        %broadcast_in_dim3A_116 = vector.shape_cast %xor3A_115 : vector<16xi32> to vector<16x1xi32>
        %gather3A_117 = vector.shape_cast %broadcast_in_dim3A_116 : vector<16x1xi32> to vector<16xi32>
        %gather3A_118 = tpu.dynamic_gather %min3A_112[%gather3A_117] in [0] : vector<16xi32>, vector<16xi32> -> vector<16xi32>
        %min3A_119 = arith.minsi %min3A_112, %gather3A_118 : vector<16xi32>
        %xor3A_120 = arith.constant 2 : i32
        %xor3A_121 = vector.broadcast %xor3A_120 : i32 to vector<16xi32>
        %xor3A_122 = arith.xori %iota3A_105, %xor3A_121 : vector<16xi32>
        %broadcast_in_dim3A_123 = vector.shape_cast %xor3A_122 : vector<16xi32> to vector<16x1xi32>
        %gather3A_124 = vector.shape_cast %broadcast_in_dim3A_123 : vector<16x1xi32> to vector<16xi32>
        %gather3A_125 = tpu.dynamic_gather %min3A_119[%gather3A_124] in [0] : vector<16xi32>, vector<16xi32> -> vector<16xi32>
        %min3A_126 = arith.minsi %min3A_119, %gather3A_125 : vector<16xi32>
        %xor3A_127 = arith.constant 1 : i32
        %xor3A_128 = vector.broadcast %xor3A_127 : i32 to vector<16xi32>
        %xor3A_129 = arith.xori %iota3A_105, %xor3A_128 : vector<16xi32>
        %broadcast_in_dim3A_130 = vector.shape_cast %xor3A_129 : vector<16xi32> to vector<16x1xi32>
        %gather3A_131 = vector.shape_cast %broadcast_in_dim3A_130 : vector<16x1xi32> to vector<16xi32>
        %gather3A_132 = tpu.dynamic_gather %min3A_126[%gather3A_131] in [0] : vector<16xi32>, vector<16xi32> -> vector<16xi32>
        %min3A_133 = arith.minsi %min3A_126, %gather3A_132 : vector<16xi32>
        %eq3A_134 = vector.broadcast %scan3A_42 : i32 to vector<16xi32>
        %eq3A_135 = arith.cmpi eq, %iota3A, %eq3A_134 : vector<16xi32>
        %select_n3A_136 = arith.select %eq3A_135, %min3A_133, %scan3A_47 : vector<16xi1>, vector<16xi32>
        %add3A_137 = arith.constant 0 : i32
        %add3A_138 = vector.broadcast %add3A_137 : i32 to vector<16xi32>
        %add3A_139 = arith.addi %iota3A, %add3A_138 : vector<16xi32>
        %eq3A_140 = arith.cmpi eq, %add3A_139, %min3A_133 : vector<16xi32>
        %broadcast_in_dim3A_141 = vector.broadcast %scan3A_1 : f32 to vector<16xf32>
        %select_n3A_142 = arith.select %eq3A_140, %broadcast_in_dim3A_141, %scan3A_43 : vector<16xi1>, vector<16xf32>
        %add3A_143 = arith.constant 16 : i32
        %add3A_144 = vector.broadcast %add3A_143 : i32 to vector<16xi32>
        %add3A_145 = arith.addi %iota3A, %add3A_144 : vector<16xi32>
        %eq3A_146 = arith.cmpi eq, %add3A_145, %min3A_133 : vector<16xi32>
        %broadcast_in_dim3A_147 = vector.broadcast %scan3A_1 : f32 to vector<16xf32>
        %select_n3A_148 = arith.select %eq3A_146, %broadcast_in_dim3A_147, %scan3A_44 : vector<16xi1>, vector<16xf32>
        %add3A_149 = arith.constant 32 : i32
        %add3A_150 = vector.broadcast %add3A_149 : i32 to vector<16xi32>
        %add3A_151 = arith.addi %iota3A, %add3A_150 : vector<16xi32>
        %eq3A_152 = arith.cmpi eq, %add3A_151, %min3A_133 : vector<16xi32>
        %broadcast_in_dim3A_153 = vector.broadcast %scan3A_1 : f32 to vector<16xf32>
        %select_n3A_154 = arith.select %eq3A_152, %broadcast_in_dim3A_153, %scan3A_45 : vector<16xi1>, vector<16xf32>
        %add3A_155 = arith.constant 48 : i32
        %add3A_156 = vector.broadcast %add3A_155 : i32 to vector<16xi32>
        %add3A_157 = arith.addi %iota3A, %add3A_156 : vector<16xi32>
        %eq3A_158 = arith.cmpi eq, %add3A_157, %min3A_133 : vector<16xi32>
        %broadcast_in_dim3A_159 = vector.broadcast %scan3A_1 : f32 to vector<16xf32>
        %select_n3A_160 = arith.select %eq3A_158, %broadcast_in_dim3A_159, %scan3A_46 : vector<16xi1>, vector<16xf32>
        scf.yield %select_n3A_142, %select_n3A_148, %select_n3A_154, %select_n3A_160, %select_n3A_136 : vector<16xf32>, vector<16xf32>, vector<16xf32>, vector<16xf32>, vector<16xi32>
      }
      %scan3A_37 = arith.constant 16 : i32
      %swap3A = arith.index_cast %scan3A_15 : i32 to index
      %swap3A_38 = arith.constant 0 : index
      %swap3A_39 = tpu.vector_load %arg8[%swap3A, %swap3A_38] {strides = array<i32>} : memref<50x16xi32, #tpu.memory_space<vmem>>, vector<1x16xi32>,
      %swap3A_40 = vector.shape_cast %swap3A_39 : vector<1x16xi32> to vector<16xi32>
      %swap3A_41 = vector.shape_cast %scan3A_36#4 : vector<16xi32> to vector<1x16xi32>
      tpu.vector_store %arg8[%swap3A, %swap3A_38], %swap3A_41 {strides = array<i32>} : memref<50x16xi32, #tpu.memory_space<vmem>>, vector<1x16xi32>,
    }
    %scan3A_6 = arith.constant 50 : i32
    %iota3A_7 = tpu.iota {dimensions = array<i32: 0>} : vector<16xi32>
    %scan3A_8 = arith.constant 0 : i32
    %scan3A_9 = arith.constant 3.000000e+38 : f32
    %scan3A_10 = arith.constant 0 : i32
    %scan3A_11 = arith.constant 50 : i32
    %scan3A_12 = arith.addi %scan3A_10, %scan3A_11 : i32
    %scan3A_13 = arith.constant 1 : i32
    scf.for %scan3A_15 = %scan3A_10 to %scan3A_12 step %scan3A_13  : i32 {
      %get3A = arith.index_cast %scan3A_15 : i32 to index
      %get3A_16 = arith.constant 0 : index
      %get3A_17 = tpu.vector_load %arg7[%get3A, %get3A_16] {strides = array<i32>} : memref<50x32xf32, #tpu.memory_space<vmem>>, vector<1x16xf32>,
      %get3A_18 = vector.shape_cast %get3A_17 : vector<1x16xf32> to vector<16xf32>
      %get3A_19 = arith.index_cast %scan3A_15 : i32 to index
      %get3A_20 = arith.constant 16 : index
      %get3A_21 = tpu.vector_load %arg7[%get3A_19, %get3A_20] {strides = array<i32>} : memref<50x32xf32, #tpu.memory_space<vmem>>, vector<1x16xf32>,
      %get3A_22 = vector.shape_cast %get3A_21 : vector<1x16xf32> to vector<16xf32>
      %broadcast_in_dim3A = arith.constant 0 : i32
      %broadcast_in_dim3A_23 = vector.broadcast %broadcast_in_dim3A : i32 to vector<16xi32>
      %scan3A_24 = arith.constant 0 : i32
      %scan3A_25 = arith.constant 16 : i32
      %scan3A_26 = arith.addi %scan3A_24, %scan3A_25 : i32
      %scan3A_27 = arith.constant 1 : i32
      %scan3A_28:3 = scf.for %scan3A_34 = %scan3A_24 to %scan3A_26 step %scan3A_27 iter_args(%scan3A_35 = %get3A_18, %scan3A_36 = %get3A_22, %scan3A_37 = %broadcast_in_dim3A_23) -> (vector<16xf32>, vector<16xf32>, vector<16xi32>)  : i32 {
        %min3A = arith.minimumf %scan3A_35, %scan3A_36 : vector<16xf32>
        %iota3A_38 = tpu.iota {dimensions = array<i32: 0>} : vector<16xi32>
        %xor3A = arith.constant 8 : i32
        %xor3A_39 = vector.broadcast %xor3A : i32 to vector<16xi32>
        %xor3A_40 = arith.xori %iota3A_38, %xor3A_39 : vector<16xi32>
        %broadcast_in_dim3A_41 = vector.shape_cast %xor3A_40 : vector<16xi32> to vector<16x1xi32>
        %gather3A = vector.shape_cast %broadcast_in_dim3A_41 : vector<16x1xi32> to vector<16xi32>
        %gather3A_42 = tpu.dynamic_gather %min3A[%gather3A] in [0] : vector<16xf32>, vector<16xi32> -> vector<16xf32>
        %min3A_43 = arith.minimumf %min3A, %gather3A_42 : vector<16xf32>
        %xor3A_44 = arith.constant 4 : i32
        %xor3A_45 = vector.broadcast %xor3A_44 : i32 to vector<16xi32>
        %xor3A_46 = arith.xori %iota3A_38, %xor3A_45 : vector<16xi32>
        %broadcast_in_dim3A_47 = vector.shape_cast %xor3A_46 : vector<16xi32> to vector<16x1xi32>
        %gather3A_48 = vector.shape_cast %broadcast_in_dim3A_47 : vector<16x1xi32> to vector<16xi32>
        %gather3A_49 = tpu.dynamic_gather %min3A_43[%gather3A_48] in [0] : vector<16xf32>, vector<16xi32> -> vector<16xf32>
        %min3A_50 = arith.minimumf %min3A_43, %gather3A_49 : vector<16xf32>
        %xor3A_51 = arith.constant 2 : i32
        %xor3A_52 = vector.broadcast %xor3A_51 : i32 to vector<16xi32>
        %xor3A_53 = arith.xori %iota3A_38, %xor3A_52 : vector<16xi32>
        %broadcast_in_dim3A_54 = vector.shape_cast %xor3A_53 : vector<16xi32> to vector<16x1xi32>
        %gather3A_55 = vector.shape_cast %broadcast_in_dim3A_54 : vector<16x1xi32> to vector<16xi32>
        %gather3A_56 = tpu.dynamic_gather %min3A_50[%gather3A_55] in [0] : vector<16xf32>, vector<16xi32> -> vector<16xf32>
        %min3A_57 = arith.minimumf %min3A_50, %gather3A_56 : vector<16xf32>
        %xor3A_58 = arith.constant 1 : i32
        %xor3A_59 = vector.broadcast %xor3A_58 : i32 to vector<16xi32>
        %xor3A_60 = arith.xori %iota3A_38, %xor3A_59 : vector<16xi32>
        %broadcast_in_dim3A_61 = vector.shape_cast %xor3A_60 : vector<16xi32> to vector<16x1xi32>
        %gather3A_62 = vector.shape_cast %broadcast_in_dim3A_61 : vector<16x1xi32> to vector<16xi32>
        %gather3A_63 = tpu.dynamic_gather %min3A_57[%gather3A_62] in [0] : vector<16xf32>, vector<16xi32> -> vector<16xf32>
        %min3A_64 = arith.minimumf %min3A_57, %gather3A_63 : vector<16xf32>
        %eq3A = arith.cmpf oeq, %scan3A_35, %min3A_64 : vector<16xf32>
        %add3A_65 = arith.constant 0 : i32
        %add3A_66 = vector.broadcast %add3A_65 : i32 to vector<16xi32>
        %add3A_67 = arith.addi %iota3A_7, %add3A_66 : vector<16xi32>
        %jit3A = arith.constant 32767 : i32
        %broadcast_in_dim3A_68 = vector.broadcast %jit3A : i32 to vector<16xi32>
        %select_n3A = arith.select %eq3A, %add3A_67, %broadcast_in_dim3A_68 : vector<16xi1>, vector<16xi32>
        %eq3A_69 = arith.cmpf oeq, %scan3A_36, %min3A_64 : vector<16xf32>
        %add3A_70 = arith.constant 16 : i32
        %add3A_71 = vector.broadcast %add3A_70 : i32 to vector<16xi32>
        %add3A_72 = arith.addi %iota3A_7, %add3A_71 : vector<16xi32>
        %jit3A_73 = arith.constant 32767 : i32
        %broadcast_in_dim3A_74 = vector.broadcast %jit3A_73 : i32 to vector<16xi32>
        %select_n3A_75 = arith.select %eq3A_69, %add3A_72, %broadcast_in_dim3A_74 : vector<16xi1>, vector<16xi32>
        %min3A_76 = arith.minsi %select_n3A, %select_n3A_75 : vector<16xi32>
        %iota3A_77 = tpu.iota {dimensions = array<i32: 0>} : vector<16xi32>
        %xor3A_78 = arith.constant 8 : i32
        %xor3A_79 = vector.broadcast %xor3A_78 : i32 to vector<16xi32>
        %xor3A_80 = arith.xori %iota3A_77, %xor3A_79 : vector<16xi32>
        %broadcast_in_dim3A_81 = vector.shape_cast %xor3A_80 : vector<16xi32> to vector<16x1xi32>
        %gather3A_82 = vector.shape_cast %broadcast_in_dim3A_81 : vector<16x1xi32> to vector<16xi32>
        %gather3A_83 = tpu.dynamic_gather %min3A_76[%gather3A_82] in [0] : vector<16xi32>, vector<16xi32> -> vector<16xi32>
        %min3A_84 = arith.minsi %min3A_76, %gather3A_83 : vector<16xi32>
        %xor3A_85 = arith.constant 4 : i32
        %xor3A_86 = vector.broadcast %xor3A_85 : i32 to vector<16xi32>
        %xor3A_87 = arith.xori %iota3A_77, %xor3A_86 : vector<16xi32>
        %broadcast_in_dim3A_88 = vector.shape_cast %xor3A_87 : vector<16xi32> to vector<16x1xi32>
        %gather3A_89 = vector.shape_cast %broadcast_in_dim3A_88 : vector<16x1xi32> to vector<16xi32>
        %gather3A_90 = tpu.dynamic_gather %min3A_84[%gather3A_89] in [0] : vector<16xi32>, vector<16xi32> -> vector<16xi32>
        %min3A_91 = arith.minsi %min3A_84, %gather3A_90 : vector<16xi32>
        %xor3A_92 = arith.constant 2 : i32
        %xor3A_93 = vector.broadcast %xor3A_92 : i32 to vector<16xi32>
        %xor3A_94 = arith.xori %iota3A_77, %xor3A_93 : vector<16xi32>
        %broadcast_in_dim3A_95 = vector.shape_cast %xor3A_94 : vector<16xi32> to vector<16x1xi32>
        %gather3A_96 = vector.shape_cast %broadcast_in_dim3A_95 : vector<16x1xi32> to vector<16xi32>
        %gather3A_97 = tpu.dynamic_gather %min3A_91[%gather3A_96] in [0] : vector<16xi32>, vector<16xi32> -> vector<16xi32>
        %min3A_98 = arith.minsi %min3A_91, %gather3A_97 : vector<16xi32>
        %xor3A_99 = arith.constant 1 : i32
        %xor3A_100 = vector.broadcast %xor3A_99 : i32 to vector<16xi32>
        %xor3A_101 = arith.xori %iota3A_77, %xor3A_100 : vector<16xi32>
        %broadcast_in_dim3A_102 = vector.shape_cast %xor3A_101 : vector<16xi32> to vector<16x1xi32>
        %gather3A_103 = vector.shape_cast %broadcast_in_dim3A_102 : vector<16x1xi32> to vector<16xi32>
        %gather3A_104 = tpu.dynamic_gather %min3A_98[%gather3A_103] in [0] : vector<16xi32>, vector<16xi32> -> vector<16xi32>
        %min3A_105 = arith.minsi %min3A_98, %gather3A_104 : vector<16xi32>
        %eq3A_106 = vector.broadcast %scan3A_34 : i32 to vector<16xi32>
        %eq3A_107 = arith.cmpi eq, %iota3A_7, %eq3A_106 : vector<16xi32>
        %select_n3A_108 = arith.select %eq3A_107, %min3A_105, %scan3A_37 : vector<16xi1>, vector<16xi32>
        %add3A_109 = arith.constant 0 : i32
        %add3A_110 = vector.broadcast %add3A_109 : i32 to vector<16xi32>
        %add3A_111 = arith.addi %iota3A_7, %add3A_110 : vector<16xi32>
        %eq3A_112 = arith.cmpi eq, %add3A_111, %min3A_105 : vector<16xi32>
        %broadcast_in_dim3A_113 = vector.broadcast %scan3A_9 : f32 to vector<16xf32>
        %select_n3A_114 = arith.select %eq3A_112, %broadcast_in_dim3A_113, %scan3A_35 : vector<16xi1>, vector<16xf32>
        %add3A_115 = arith.constant 16 : i32
        %add3A_116 = vector.broadcast %add3A_115 : i32 to vector<16xi32>
        %add3A_117 = arith.addi %iota3A_7, %add3A_116 : vector<16xi32>
        %eq3A_118 = arith.cmpi eq, %add3A_117, %min3A_105 : vector<16xi32>
        %broadcast_in_dim3A_119 = vector.broadcast %scan3A_9 : f32 to vector<16xf32>
        %select_n3A_120 = arith.select %eq3A_118, %broadcast_in_dim3A_119, %scan3A_36 : vector<16xi1>, vector<16xf32>
        scf.yield %select_n3A_114, %select_n3A_120, %select_n3A_108 : vector<16xf32>, vector<16xf32>, vector<16xi32>
      }
      %scan3A_29 = arith.constant 16 : i32
      %swap3A = arith.index_cast %scan3A_15 : i32 to index
      %swap3A_30 = arith.constant 0 : index
      %swap3A_31 = tpu.vector_load %arg9[%swap3A, %swap3A_30] {strides = array<i32>} : memref<50x16xi32, #tpu.memory_space<vmem>>, vector<1x16xi32>,
      %swap3A_32 = vector.shape_cast %swap3A_31 : vector<1x16xi32> to vector<16xi32>
      %swap3A_33 = vector.shape_cast %scan3A_28#2 : vector<16xi32> to vector<1x16xi32>
      tpu.vector_store %arg9[%swap3A, %swap3A_30], %swap3A_33 {strides = array<i32>} : memref<50x16xi32, #tpu.memory_space<vmem>>, vector<1x16xi32>,
    }
    %scan3A_14 = arith.constant 50 : i32
    "tpu.region"() ({
      %run_scoped3A = tpu.sem_alloc : memref<!tpu.dma_semaphore, #tpu.memory_space<semaphore_mem>>
      %dma_start3A = arith.constant 0 : i32
      %dma_start3A_15 = arith.constant 0 : i32
      %dma_start3A_16 = tpu.memref_slice %arg4[%add3A, %dma_start3A, %dma_start3A_15] : memref<32x50x16xi32, #tpu.memory_space<hbm>> -> memref<1x50x16xi32, #tpu.memory_space<hbm>>
      %dma_start3A_17 = tpu.memref_squeeze %dma_start3A_16 : memref<1x50x16xi32, #tpu.memory_space<hbm>> -> memref<50x16xi32, #tpu.memory_space<hbm>>
      %dma_start3A_18 = arith.constant 0 : i32
      %dma_start3A_19 = arith.constant 0 : i32
      %dma_start3A_20 = tpu.memref_slice %arg4[%add3A, %dma_start3A_18, %dma_start3A_19] : memref<32x50x16xi32, #tpu.memory_space<hbm>> -> memref<1x50x16xi32, #tpu.memory_space<hbm>>
      %dma_start3A_21 = tpu.memref_squeeze %dma_start3A_20 : memref<1x50x16xi32, #tpu.memory_space<hbm>> -> memref<50x16xi32, #tpu.memory_space<hbm>>
      tpu.enqueue_dma source(%arg8 : memref<50x16xi32, #tpu.memory_space<vmem>>) target(%dma_start3A_21 : memref<50x16xi32, #tpu.memory_space<hbm>>) target_semaphore(%run_scoped3A : memref<!tpu.dma_semaphore, #tpu.memory_space<semaphore_mem>>)
      %dma_wait3A = arith.constant 0 : i32
      %dma_wait3A_22 = arith.constant 0 : i32
      %dma_wait3A_23 = tpu.memref_slice %arg4[%add3A, %dma_wait3A, %dma_wait3A_22] : memref<32x50x16xi32, #tpu.memory_space<hbm>> -> memref<1x50x16xi32, #tpu.memory_space<hbm>>
      %dma_wait3A_24 = tpu.memref_squeeze %dma_wait3A_23 : memref<1x50x16xi32, #tpu.memory_space<hbm>> -> memref<50x16xi32, #tpu.memory_space<hbm>>
      %dma_wait3A_25 = arith.constant 0 : i32
      %dma_wait3A_26 = arith.constant 0 : i32
      %dma_wait3A_27 = tpu.memref_slice %arg4[%add3A, %dma_wait3A_25, %dma_wait3A_26] : memref<32x50x16xi32, #tpu.memory_space<hbm>> -> memref<1x50x16xi32, #tpu.memory_space<hbm>>
      %dma_wait3A_28 = tpu.memref_squeeze %dma_wait3A_27 : memref<1x50x16xi32, #tpu.memory_space<hbm>> -> memref<50x16xi32, #tpu.memory_space<hbm>>
      tpu.wait_dma2 semaphore(%run_scoped3A : memref<!tpu.dma_semaphore, #tpu.memory_space<semaphore_mem>>) src(%arg8 : memref<50x16xi32, #tpu.memory_space<vmem>>) dst(%dma_wait3A_28 : memref<50x16xi32, #tpu.memory_space<hbm>>)
      tpu.yield
    }) : () -> ()
    "tpu.region"() ({
      %run_scoped3A = tpu.sem_alloc : memref<!tpu.dma_semaphore, #tpu.memory_space<semaphore_mem>>
      %dma_start3A = arith.constant 0 : i32
      %dma_start3A_15 = arith.constant 0 : i32
      %dma_start3A_16 = tpu.memref_slice %arg5[%add3A, %dma_start3A, %dma_start3A_15] : memref<32x50x16xi32, #tpu.memory_space<hbm>> -> memref<1x50x16xi32, #tpu.memory_space<hbm>>
      %dma_start3A_17 = tpu.memref_squeeze %dma_start3A_16 : memref<1x50x16xi32, #tpu.memory_space<hbm>> -> memref<50x16xi32, #tpu.memory_space<hbm>>
      %dma_start3A_18 = arith.constant 0 : i32
      %dma_start3A_19 = arith.constant 0 : i32
      %dma_start3A_20 = tpu.memref_slice %arg5[%add3A, %dma_start3A_18, %dma_start3A_19] : memref<32x50x16xi32, #tpu.memory_space<hbm>> -> memref<1x50x16xi32, #tpu.memory_space<hbm>>
      %dma_start3A_21 = tpu.memref_squeeze %dma_start3A_20 : memref<1x50x16xi32, #tpu.memory_space<hbm>> -> memref<50x16xi32, #tpu.memory_space<hbm>>
      tpu.enqueue_dma source(%arg9 : memref<50x16xi32, #tpu.memory_space<vmem>>) target(%dma_start3A_21 : memref<50x16xi32, #tpu.memory_space<hbm>>) target_semaphore(%run_scoped3A : memref<!tpu.dma_semaphore, #tpu.memory_space<semaphore_mem>>)
      %dma_wait3A = arith.constant 0 : i32
      %dma_wait3A_22 = arith.constant 0 : i32
      %dma_wait3A_23 = tpu.memref_slice %arg5[%add3A, %dma_wait3A, %dma_wait3A_22] : memref<32x50x16xi32, #tpu.memory_space<hbm>> -> memref<1x50x16xi32, #tpu.memory_space<hbm>>
      %dma_wait3A_24 = tpu.memref_squeeze %dma_wait3A_23 : memref<1x50x16xi32, #tpu.memory_space<hbm>> -> memref<50x16xi32, #tpu.memory_space<hbm>>
      %dma_wait3A_25 = arith.constant 0 : i32
      %dma_wait3A_26 = arith.constant 0 : i32
      %dma_wait3A_27 = tpu.memref_slice %arg5[%add3A, %dma_wait3A_25, %dma_wait3A_26] : memref<32x50x16xi32, #tpu.memory_space<hbm>> -> memref<1x50x16xi32, #tpu.memory_space<hbm>>
      %dma_wait3A_28 = tpu.memref_squeeze %dma_wait3A_27 : memref<1x50x16xi32, #tpu.memory_space<hbm>> -> memref<50x16xi32, #tpu.memory_space<hbm>>
      tpu.wait_dma2 semaphore(%run_scoped3A : memref<!tpu.dma_semaphore, #tpu.memory_space<semaphore_mem>>) src(%arg9 : memref<50x16xi32, #tpu.memory_space<vmem>>) dst(%dma_wait3A_28 : memref<50x16xi32, #tpu.memory_space<hbm>>)
      tpu.yield
    }) : () -> ()
    return
  }
}

module attributes {stable_mosaic.version = 14 : i64} {
  func.func @_branch_body(%arg0: i32, %arg1: memref<2800x1xf32, #tpu.memory_space<vmem>>, %arg2: memref<4x64xf32, #tpu.memory_space<vmem>>, %arg3: memref<4x64x128xf32, #tpu.memory_space<vmem>>, %arg4: memref<4x64x128xf32, #tpu.memory_space<vmem>>, %arg5: memref<4x128xf32, #tpu.memory_space<vmem>>, %arg6: memref<4x128xf32, #tpu.memory_space<vmem>>, %arg7: memref<4x128xf32, #tpu.memory_space<vmem>>, %arg8: memref<4x128xf32, #tpu.memory_space<vmem>>, %arg9: memref<4x128x128xf32, #tpu.memory_space<vmem>>, %arg10: memref<1x128xf32, #tpu.memory_space<vmem>>, %arg11: memref<1x128xf32, #tpu.memory_space<vmem>>, %arg12: memref<1x128xf32, #tpu.memory_space<vmem>>, %arg13: memref<128x128xf32, #tpu.memory_space<vmem>>, %arg14: memref<1x128xf32, #tpu.memory_space<vmem>>, %arg15: memref<2800x128xf32, #tpu.memory_space<vmem>>) attributes {dimension_semantics = [#tpu.dimension_semantics<arbitrary>], iteration_bounds = array<i64: 1>, scalar_prefetch = 0 : i64, scratch_operands = 0 : i64, tpu.core_type = #tpu.core_type<tc>, window_params = [{pipeline_mode = #tpu.pipeline_mode<synchronous>, transform_indices = @transform_0, window_bounds = array<i64: 2800, 1>}, {pipeline_mode = #tpu.pipeline_mode<synchronous>, transform_indices = @transform_1, window_bounds = array<i64: 4, 64>}, {pipeline_mode = #tpu.pipeline_mode<synchronous>, transform_indices = @transform_2, window_bounds = array<i64: 4, 64, 128>}, {pipeline_mode = #tpu.pipeline_mode<synchronous>, transform_indices = @transform_3, window_bounds = array<i64: 4, 64, 128>}, {pipeline_mode = #tpu.pipeline_mode<synchronous>, transform_indices = @transform_4, window_bounds = array<i64: 4, 128>}, {pipeline_mode = #tpu.pipeline_mode<synchronous>, transform_indices = @transform_5, window_bounds = array<i64: 4, 128>}, {pipeline_mode = #tpu.pipeline_mode<synchronous>, transform_indices = @transform_6, window_bounds = array<i64: 4, 128>}, {pipeline_mode = #tpu.pipeline_mode<synchronous>, transform_indices = @transform_7, window_bounds = array<i64: 4, 128>}, {pipeline_mode = #tpu.pipeline_mode<synchronous>, transform_indices = @transform_8, window_bounds = array<i64: 4, 128, 128>}, {pipeline_mode = #tpu.pipeline_mode<synchronous>, transform_indices = @transform_9, window_bounds = array<i64: 1, 128>}, {pipeline_mode = #tpu.pipeline_mode<synchronous>, transform_indices = @transform_10, window_bounds = array<i64: 1, 128>}, {pipeline_mode = #tpu.pipeline_mode<synchronous>, transform_indices = @transform_11, window_bounds = array<i64: 1, 128>}, {pipeline_mode = #tpu.pipeline_mode<synchronous>, transform_indices = @transform_12, window_bounds = array<i64: 128, 128>}, {pipeline_mode = #tpu.pipeline_mode<synchronous>, transform_indices = @transform_13, window_bounds = array<i64: 1, 128>}, {pipeline_mode = #tpu.pipeline_mode<synchronous>, transform_indices = @transform_14, window_bounds = array<i64: 2800, 128>}]} {
    %get3A = arith.constant 0 : index
    %get3A_0 = arith.constant 0 : index
    %get3A_1 = vector.load %arg1[%get3A, %get3A_0] : memref<2800x1xf32, #tpu.memory_space<vmem>>, vector<2800x1xf32>
    %get3A_2 = arith.constant 3 : index
    %get3A_3 = arith.constant 0 : index
    %get3A_4 = vector.load %arg2[%get3A_2, %get3A_3] : memref<4x64xf32, #tpu.memory_space<vmem>>, vector<1x64xf32>
    %mul3A = vector.broadcast %get3A_1 : vector<2800x1xf32> to vector<2800x64xf32>
    %mul3A_5 = vector.broadcast %get3A_4 : vector<1x64xf32> to vector<2800x64xf32>
    %mul3A_6 = arith.mulf %mul3A, %mul3A_5 : vector<2800x64xf32>
    %add3A = arith.constant 5.000000e-01 : f32
    %add3A_7 = vector.broadcast %add3A : f32 to vector<2800x64xf32>
    %add3A_8 = arith.addf %mul3A_6, %add3A_7 : vector<2800x64xf32>
    %floor3A = math.floor %add3A_8 : vector<2800x64xf32>
    %sub3A = arith.subf %mul3A_6, %floor3A : vector<2800x64xf32>
    %mul3A_9 = arith.mulf %sub3A, %sub3A : vector<2800x64xf32>
    %mul3A_10 = arith.constant 6.5755024 : f32
    %mul3A_11 = vector.broadcast %mul3A_10 : f32 to vector<2800x64xf32>
    %mul3A_12 = arith.mulf %mul3A_11, %mul3A_9 : vector<2800x64xf32>
    %add3A_13 = arith.constant -26.0004559 : f32
    %add3A_14 = vector.broadcast %add3A_13 : f32 to vector<2800x64xf32>
    %add3A_15 = arith.addf %mul3A_12, %add3A_14 : vector<2800x64xf32>
    %mul3A_16 = arith.constant 3.25815368 : f32
    %mul3A_17 = vector.broadcast %mul3A_16 : f32 to vector<2800x64xf32>
    %mul3A_18 = arith.mulf %mul3A_17, %mul3A_9 : vector<2800x64xf32>
    %add3A_19 = arith.constant -14.9138861 : f32
    %add3A_20 = vector.broadcast %add3A_19 : f32 to vector<2800x64xf32>
    %add3A_21 = arith.addf %mul3A_18, %add3A_20 : vector<2800x64xf32>
    %mul3A_22 = arith.mulf %add3A_15, %mul3A_9 : vector<2800x64xf32>
    %add3A_23 = arith.constant 60.1762123 : f32
    %add3A_24 = vector.broadcast %add3A_23 : f32 to vector<2800x64xf32>
    %add3A_25 = arith.addf %mul3A_22, %add3A_24 : vector<2800x64xf32>
    %mul3A_26 = arith.mulf %add3A_21, %mul3A_9 : vector<2800x64xf32>
    %add3A_27 = arith.constant 42.0295944 : f32
    %add3A_28 = vector.broadcast %add3A_27 : f32 to vector<2800x64xf32>
    %add3A_29 = arith.addf %mul3A_26, %add3A_28 : vector<2800x64xf32>
    %mul3A_30 = arith.mulf %add3A_25, %mul3A_9 : vector<2800x64xf32>
    %add3A_31 = arith.constant -85.4511642 : f32
    %add3A_32 = vector.broadcast %add3A_31 : f32 to vector<2800x64xf32>
    %add3A_33 = arith.addf %mul3A_30, %add3A_32 : vector<2800x64xf32>
    %mul3A_34 = arith.mulf %add3A_29, %mul3A_9 : vector<2800x64xf32>
    %add3A_35 = arith.constant -76.7034531 : f32
    %add3A_36 = vector.broadcast %add3A_35 : f32 to vector<2800x64xf32>
    %add3A_37 = arith.addf %mul3A_34, %add3A_36 : vector<2800x64xf32>
    %mul3A_38 = arith.mulf %add3A_33, %mul3A_9 : vector<2800x64xf32>
    %add3A_39 = arith.constant 64.9391708 : f32
    %add3A_40 = vector.broadcast %add3A_39 : f32 to vector<2800x64xf32>
    %add3A_41 = arith.addf %mul3A_38, %add3A_40 : vector<2800x64xf32>
    %mul3A_42 = arith.mulf %add3A_37, %mul3A_9 : vector<2800x64xf32>
    %add3A_43 = arith.constant 81.6051559 : f32
    %add3A_44 = vector.broadcast %add3A_43 : f32 to vector<2800x64xf32>
    %add3A_45 = arith.addf %mul3A_42, %add3A_44 : vector<2800x64xf32>
    %mul3A_46 = arith.mulf %add3A_41, %mul3A_9 : vector<2800x64xf32>
    %add3A_47 = arith.constant -19.7392063 : f32
    %add3A_48 = vector.broadcast %add3A_47 : f32 to vector<2800x64xf32>
    %add3A_49 = arith.addf %mul3A_46, %add3A_48 : vector<2800x64xf32>
    %mul3A_50 = arith.mulf %add3A_45, %mul3A_9 : vector<2800x64xf32>
    %add3A_51 = arith.constant -4.134170e+01 : f32
    %add3A_52 = vector.broadcast %add3A_51 : f32 to vector<2800x64xf32>
    %add3A_53 = arith.addf %mul3A_50, %add3A_52 : vector<2800x64xf32>
    %mul3A_54 = arith.mulf %add3A_49, %mul3A_9 : vector<2800x64xf32>
    %add3A_55 = arith.constant 1.000000e+00 : f32
    %add3A_56 = vector.broadcast %add3A_55 : f32 to vector<2800x64xf32>
    %add3A_57 = arith.addf %mul3A_54, %add3A_56 : vector<2800x64xf32>
    %mul3A_58 = arith.mulf %add3A_53, %mul3A_9 : vector<2800x64xf32>
    %add3A_59 = arith.constant 6.28318548 : f32
    %add3A_60 = vector.broadcast %add3A_59 : f32 to vector<2800x64xf32>
    %add3A_61 = arith.addf %mul3A_58, %add3A_60 : vector<2800x64xf32>
    %mul3A_62 = arith.mulf %add3A_61, %sub3A : vector<2800x64xf32>
    %get3A_63 = arith.constant 3 : index
    %get3A_64 = arith.constant 0 : index
    %get3A_65 = arith.constant 0 : index
    %get3A_66 = vector.load %arg3[%get3A_63, %get3A_64, %get3A_65] : memref<4x64x128xf32, #tpu.memory_space<vmem>>, vector<1x64x128xf32>
    %get3A_67 = vector.shape_cast %get3A_66 : vector<1x64x128xf32> to vector<64x128xf32>
    %dot_general3A = arith.constant dense<0.000000e+00> : vector<2800x128xf32>
    %dot_general3A_68 = tpu.matmul %add3A_57, %get3A_67, %dot_general3A {dimension_numbers = #tpu.dot_dimension_numbers<[1], [0], [0], [1], [0, 0, 1, 1], [], []>, transpose_lhs_hint = false} : vector<2800x64xf32>, vector<64x128xf32>, vector<2800x128xf32> -> vector<2800x128xf32>
    %get3A_69 = arith.constant 3 : index
    %get3A_70 = arith.constant 0 : index
    %get3A_71 = arith.constant 0 : index
    %get3A_72 = vector.load %arg4[%get3A_69, %get3A_70, %get3A_71] : memref<4x64x128xf32, #tpu.memory_space<vmem>>, vector<1x64x128xf32>
    %get3A_73 = vector.shape_cast %get3A_72 : vector<1x64x128xf32> to vector<64x128xf32>
    %dot_general3A_74 = arith.constant dense<0.000000e+00> : vector<2800x128xf32>
    %dot_general3A_75 = tpu.matmul %mul3A_62, %get3A_73, %dot_general3A_74 {dimension_numbers = #tpu.dot_dimension_numbers<[1], [0], [0], [1], [0, 0, 1, 1], [], []>, transpose_lhs_hint = false} : vector<2800x64xf32>, vector<64x128xf32>, vector<2800x128xf32> -> vector<2800x128xf32>
    %add3A_76 = arith.addf %dot_general3A_68, %dot_general3A_75 : vector<2800x128xf32>
    %get3A_77 = arith.constant 3 : index
    %get3A_78 = arith.constant 0 : index
    %get3A_79 = vector.load %arg5[%get3A_77, %get3A_78] : memref<4x128xf32, #tpu.memory_space<vmem>>, vector<1x128xf32>
    %mul3A_80 = vector.broadcast %get3A_1 : vector<2800x1xf32> to vector<2800x128xf32>
    %mul3A_81 = vector.broadcast %get3A_79 : vector<1x128xf32> to vector<2800x128xf32>
    %mul3A_82 = arith.mulf %mul3A_80, %mul3A_81 : vector<2800x128xf32>
    %add3A_83 = arith.addf %add3A_76, %mul3A_82 : vector<2800x128xf32>
    %get3A_84 = arith.constant 3 : index
    %get3A_85 = arith.constant 0 : index
    %get3A_86 = vector.load %arg6[%get3A_84, %get3A_85] : memref<4x128xf32, #tpu.memory_space<vmem>>, vector<1x128xf32>
    %add3A_87 = vector.broadcast %get3A_86 : vector<1x128xf32> to vector<2800x128xf32>
    %add3A_88 = arith.addf %add3A_83, %add3A_87 : vector<2800x128xf32>
    %get3A_89 = arith.constant 3 : index
    %get3A_90 = arith.constant 0 : index
    %get3A_91 = vector.load %arg7[%get3A_89, %get3A_90] : memref<4x128xf32, #tpu.memory_space<vmem>>, vector<1x128xf32>
    %get3A_92 = arith.constant 3 : index
    %get3A_93 = arith.constant 0 : index
    %get3A_94 = vector.load %arg8[%get3A_92, %get3A_93] : memref<4x128xf32, #tpu.memory_space<vmem>>, vector<1x128xf32>
    %reduce_sum3A = arith.constant dense<0.000000e+00> : vector<2800xf32>
    %reduce_sum3A_95 = vector.multi_reduction <add>, %add3A_88, %reduce_sum3A [1] : vector<2800x128xf32> to vector<2800xf32>
    %broadcast_in_dim3A = vector.shape_cast %reduce_sum3A_95 : vector<2800xf32> to vector<2800x1xf32>
    %div3A = arith.constant 1.280000e+02 : f32
    %div3A_96 = vector.broadcast %div3A : f32 to vector<2800x1xf32>
    %div3A_97 = arith.divf %broadcast_in_dim3A, %div3A_96 : vector<2800x1xf32>
    %sub3A_98 = vector.broadcast %div3A_97 : vector<2800x1xf32> to vector<2800x128xf32>
    %sub3A_99 = arith.subf %add3A_88, %sub3A_98 : vector<2800x128xf32>
    %mul3A_100 = arith.mulf %sub3A_99, %sub3A_99 : vector<2800x128xf32>
    %reduce_sum3A_101 = arith.constant dense<0.000000e+00> : vector<2800xf32>
    %reduce_sum3A_102 = vector.multi_reduction <add>, %mul3A_100, %reduce_sum3A_101 [1] : vector<2800x128xf32> to vector<2800xf32>
    %broadcast_in_dim3A_103 = vector.shape_cast %reduce_sum3A_102 : vector<2800xf32> to vector<2800x1xf32>
    %div3A_104 = arith.constant 1.280000e+02 : f32
    %div3A_105 = vector.broadcast %div3A_104 : f32 to vector<2800x1xf32>
    %div3A_106 = arith.divf %broadcast_in_dim3A_103, %div3A_105 : vector<2800x1xf32>
    %add3A_107 = arith.constant 9.99999974E-6 : f32
    %add3A_108 = vector.broadcast %add3A_107 : f32 to vector<2800x1xf32>
    %add3A_109 = arith.addf %div3A_106, %add3A_108 : vector<2800x1xf32>
    %rsqrt3A = math.rsqrt %add3A_109 : vector<2800x1xf32>
    %mul3A_110 = vector.broadcast %rsqrt3A : vector<2800x1xf32> to vector<2800x128xf32>
    %mul3A_111 = arith.mulf %sub3A_99, %mul3A_110 : vector<2800x128xf32>
    %mul3A_112 = vector.broadcast %get3A_91 : vector<1x128xf32> to vector<2800x128xf32>
    %mul3A_113 = arith.mulf %mul3A_111, %mul3A_112 : vector<2800x128xf32>
    %add3A_114 = vector.broadcast %get3A_94 : vector<1x128xf32> to vector<2800x128xf32>
    %add3A_115 = arith.addf %mul3A_113, %add3A_114 : vector<2800x128xf32>
    %max3A = arith.constant 0.000000e+00 : f32
    %max3A_116 = vector.broadcast %max3A : f32 to vector<2800x128xf32>
    %max3A_117 = arith.maximumf %add3A_115, %max3A_116 : vector<2800x128xf32>
    %get3A_118 = arith.constant 3 : index
    %get3A_119 = arith.constant 0 : index
    %get3A_120 = arith.constant 0 : index
    %get3A_121 = vector.load %arg9[%get3A_118, %get3A_119, %get3A_120] : memref<4x128x128xf32, #tpu.memory_space<vmem>>, vector<1x128x128xf32>
    %get3A_122 = vector.shape_cast %get3A_121 : vector<1x128x128xf32> to vector<128x128xf32>
    %dot_general3A_123 = arith.constant dense<0.000000e+00> : vector<2800x128xf32>
    %dot_general3A_124 = tpu.matmul %max3A_117, %get3A_122, %dot_general3A_123 {dimension_numbers = #tpu.dot_dimension_numbers<[1], [0], [0], [1], [0, 0, 1, 1], [], []>, transpose_lhs_hint = false} : vector<2800x128xf32>, vector<128x128xf32>, vector<2800x128xf32> -> vector<2800x128xf32>
    %swap3A = arith.constant 0 : index
    %swap3A_125 = arith.constant 0 : index
    %swap3A_126 = vector.load %arg15[%swap3A, %swap3A_125] : memref<2800x128xf32, #tpu.memory_space<vmem>>, vector<2800x128xf32>
    tpu.vector_store %arg15[%swap3A, %swap3A_125], %dot_general3A_124 {strides = array<i32>} : memref<2800x128xf32, #tpu.memory_space<vmem>>, vector<2800x128xf32>,
    return
  }
  func.func @transform_0(%arg0: i32) -> (i32, i32) {
    %c0_i32 = arith.constant 0 : i32
    %c0_i32_0 = arith.constant 0 : i32
    %c0_i32_1 = arith.constant 0 : i32
    return %c0_i32, %c0_i32_0 : i32, i32
  }
  func.func @transform_1(%arg0: i32) -> (i32, i32) {
    %c0_i32 = arith.constant 0 : i32
    %c0_i32_0 = arith.constant 0 : i32
    %c0_i32_1 = arith.constant 0 : i32
    return %c0_i32, %c0_i32_0 : i32, i32
  }
  func.func @transform_2(%arg0: i32) -> (i32, i32, i32) {
    %c0_i32 = arith.constant 0 : i32
    %c0_i32_0 = arith.constant 0 : i32
    %c0_i32_1 = arith.constant 0 : i32
    %c0_i32_2 = arith.constant 0 : i32
    return %c0_i32, %c0_i32_0, %c0_i32_1 : i32, i32, i32
  }
  func.func @transform_3(%arg0: i32) -> (i32, i32, i32) {
    %c0_i32 = arith.constant 0 : i32
    %c0_i32_0 = arith.constant 0 : i32
    %c0_i32_1 = arith.constant 0 : i32
    %c0_i32_2 = arith.constant 0 : i32
    return %c0_i32, %c0_i32_0, %c0_i32_1 : i32, i32, i32
  }
  func.func @transform_4(%arg0: i32) -> (i32, i32) {
    %c0_i32 = arith.constant 0 : i32
    %c0_i32_0 = arith.constant 0 : i32
    %c0_i32_1 = arith.constant 0 : i32
    return %c0_i32, %c0_i32_0 : i32, i32
  }
  func.func @transform_5(%arg0: i32) -> (i32, i32) {
    %c0_i32 = arith.constant 0 : i32
    %c0_i32_0 = arith.constant 0 : i32
    %c0_i32_1 = arith.constant 0 : i32
    return %c0_i32, %c0_i32_0 : i32, i32
  }
  func.func @transform_6(%arg0: i32) -> (i32, i32) {
    %c0_i32 = arith.constant 0 : i32
    %c0_i32_0 = arith.constant 0 : i32
    %c0_i32_1 = arith.constant 0 : i32
    return %c0_i32, %c0_i32_0 : i32, i32
  }
  func.func @transform_7(%arg0: i32) -> (i32, i32) {
    %c0_i32 = arith.constant 0 : i32
    %c0_i32_0 = arith.constant 0 : i32
    %c0_i32_1 = arith.constant 0 : i32
    return %c0_i32, %c0_i32_0 : i32, i32
  }
  func.func @transform_8(%arg0: i32) -> (i32, i32, i32) {
    %c0_i32 = arith.constant 0 : i32
    %c0_i32_0 = arith.constant 0 : i32
    %c0_i32_1 = arith.constant 0 : i32
    %c0_i32_2 = arith.constant 0 : i32
    return %c0_i32, %c0_i32_0, %c0_i32_1 : i32, i32, i32
  }
  func.func @transform_9(%arg0: i32) -> (i32, i32) {
    %c0_i32 = arith.constant 0 : i32
    %c0_i32_0 = arith.constant 0 : i32
    %c0_i32_1 = arith.constant 0 : i32
    return %c0_i32, %c0_i32_0 : i32, i32
  }
  func.func @transform_10(%arg0: i32) -> (i32, i32) {
    %c0_i32 = arith.constant 0 : i32
    %c0_i32_0 = arith.constant 0 : i32
    %c0_i32_1 = arith.constant 0 : i32
    return %c0_i32, %c0_i32_0 : i32, i32
  }
  func.func @transform_11(%arg0: i32) -> (i32, i32) {
    %c0_i32 = arith.constant 0 : i32
    %c0_i32_0 = arith.constant 0 : i32
    %c0_i32_1 = arith.constant 0 : i32
    return %c0_i32, %c0_i32_0 : i32, i32
  }
  func.func @transform_12(%arg0: i32) -> (i32, i32) {
    %c0_i32 = arith.constant 0 : i32
    %c0_i32_0 = arith.constant 0 : i32
    %c0_i32_1 = arith.constant 0 : i32
    return %c0_i32, %c0_i32_0 : i32, i32
  }
  func.func @transform_13(%arg0: i32) -> (i32, i32) {
    %c0_i32 = arith.constant 0 : i32
    %c0_i32_0 = arith.constant 0 : i32
    %c0_i32_1 = arith.constant 0 : i32
    return %c0_i32, %c0_i32_0 : i32, i32
  }
  func.func @transform_14(%arg0: i32) -> (i32, i32) {
    %c0_i32 = arith.constant 0 : i32
    %c0_i32_0 = arith.constant 0 : i32
    %c0_i32_1 = arith.constant 0 : i32
    return %c0_i32, %c0_i32_0 : i32, i32
  }
}

module attributes {stable_mosaic.version = 14 : i64} {
  func.func @_fourier_g_body(%arg0: i32, %arg1: memref<1x2800x3xf32, #tpu.memory_space<vmem>>, %arg2: memref<2800x128xf32, #tpu.memory_space<vmem>>, %arg3: memref<4x64xf32, #tpu.memory_space<vmem>>, %arg4: memref<4x64x128xf32, #tpu.memory_space<vmem>>, %arg5: memref<4x64x128xf32, #tpu.memory_space<vmem>>, %arg6: memref<4x128xf32, #tpu.memory_space<vmem>>, %arg7: memref<4x128xf32, #tpu.memory_space<vmem>>, %arg8: memref<4x128xf32, #tpu.memory_space<vmem>>, %arg9: memref<4x128xf32, #tpu.memory_space<vmem>>, %arg10: memref<4x128x128xf32, #tpu.memory_space<vmem>>, %arg11: memref<1x128xf32, #tpu.memory_space<vmem>>, %arg12: memref<1x128xf32, #tpu.memory_space<vmem>>, %arg13: memref<1x128xf32, #tpu.memory_space<vmem>>, %arg14: memref<128x128xf32, #tpu.memory_space<vmem>>, %arg15: memref<1x128xf32, #tpu.memory_space<vmem>>, %arg16: memref<1x2800x128xf32, #tpu.memory_space<vmem>>) attributes {dimension_semantics = [#tpu.dimension_semantics<arbitrary>], iteration_bounds = array<i64: 32>, scalar_prefetch = 0 : i64, scratch_operands = 0 : i64, tpu.core_type = #tpu.core_type<tc>, window_params = [{transform_indices = @transform_0, window_bounds = array<i64: 1, 2800, 3>}, {pipeline_mode = #tpu.pipeline_mode<synchronous>, transform_indices = @transform_1, window_bounds = array<i64: 2800, 128>}, {pipeline_mode = #tpu.pipeline_mode<synchronous>, transform_indices = @transform_2, window_bounds = array<i64: 4, 64>}, {pipeline_mode = #tpu.pipeline_mode<synchronous>, transform_indices = @transform_3, window_bounds = array<i64: 4, 64, 128>}, {pipeline_mode = #tpu.pipeline_mode<synchronous>, transform_indices = @transform_4, window_bounds = array<i64: 4, 64, 128>}, {pipeline_mode = #tpu.pipeline_mode<synchronous>, transform_indices = @transform_5, window_bounds = array<i64: 4, 128>}, {pipeline_mode = #tpu.pipeline_mode<synchronous>, transform_indices = @transform_6, window_bounds = array<i64: 4, 128>}, {pipeline_mode = #tpu.pipeline_mode<synchronous>, transform_indices = @transform_7, window_bounds = array<i64: 4, 128>}, {pipeline_mode = #tpu.pipeline_mode<synchronous>, transform_indices = @transform_8, window_bounds = array<i64: 4, 128>}, {pipeline_mode = #tpu.pipeline_mode<synchronous>, transform_indices = @transform_9, window_bounds = array<i64: 4, 128, 128>}, {pipeline_mode = #tpu.pipeline_mode<synchronous>, transform_indices = @transform_10, window_bounds = array<i64: 1, 128>}, {pipeline_mode = #tpu.pipeline_mode<synchronous>, transform_indices = @transform_11, window_bounds = array<i64: 1, 128>}, {pipeline_mode = #tpu.pipeline_mode<synchronous>, transform_indices = @transform_12, window_bounds = array<i64: 1, 128>}, {pipeline_mode = #tpu.pipeline_mode<synchronous>, transform_indices = @transform_13, window_bounds = array<i64: 128, 128>}, {pipeline_mode = #tpu.pipeline_mode<synchronous>, transform_indices = @transform_14, window_bounds = array<i64: 1, 128>}, {transform_indices = @transform_15, window_bounds = array<i64: 1, 2800, 128>}]} {
    %get3A = arith.constant 0 : index
    %get3A_0 = arith.constant 0 : index
    %get3A_1 = arith.constant 0 : index
    %get3A_2 = vector.load %arg1[%get3A, %get3A_0, %get3A_1] : memref<1x2800x3xf32, #tpu.memory_space<vmem>>, vector<1x2800x3xf32>
    %get3A_3 = vector.shape_cast %get3A_2 : vector<1x2800x3xf32> to vector<2800x3xf32>
    %get3A_4 = arith.constant 0 : index
    %get3A_5 = arith.constant 0 : index
    %get3A_6 = vector.load %arg2[%get3A_4, %get3A_5] : memref<2800x128xf32, #tpu.memory_space<vmem>>, vector<2800x128xf32>
    %slice3A = vector.extract_strided_slice %get3A_3 {offsets = [0, 0], sizes = [2800, 1], strides = [1, 1]} : vector<2800x3xf32> to vector<2800x1xf32>
    %get3A_7 = arith.constant 0 : index
    %get3A_8 = arith.constant 0 : index
    %get3A_9 = vector.load %arg3[%get3A_7, %get3A_8] : memref<4x64xf32, #tpu.memory_space<vmem>>, vector<1x64xf32>
    %mul3A = vector.broadcast %slice3A : vector<2800x1xf32> to vector<2800x64xf32>
    %mul3A_10 = vector.broadcast %get3A_9 : vector<1x64xf32> to vector<2800x64xf32>
    %mul3A_11 = arith.mulf %mul3A, %mul3A_10 : vector<2800x64xf32>
    %add3A = arith.constant 5.000000e-01 : f32
    %add3A_12 = vector.broadcast %add3A : f32 to vector<2800x64xf32>
    %add3A_13 = arith.addf %mul3A_11, %add3A_12 : vector<2800x64xf32>
    %floor3A = math.floor %add3A_13 : vector<2800x64xf32>
    %sub3A = arith.subf %mul3A_11, %floor3A : vector<2800x64xf32>
    %mul3A_14 = arith.mulf %sub3A, %sub3A : vector<2800x64xf32>
    %mul3A_15 = arith.constant 6.5755024 : f32
    %mul3A_16 = vector.broadcast %mul3A_15 : f32 to vector<2800x64xf32>
    %mul3A_17 = arith.mulf %mul3A_16, %mul3A_14 : vector<2800x64xf32>
    %add3A_18 = arith.constant -26.0004559 : f32
    %add3A_19 = vector.broadcast %add3A_18 : f32 to vector<2800x64xf32>
    %add3A_20 = arith.addf %mul3A_17, %add3A_19 : vector<2800x64xf32>
    %mul3A_21 = arith.constant 3.25815368 : f32
    %mul3A_22 = vector.broadcast %mul3A_21 : f32 to vector<2800x64xf32>
    %mul3A_23 = arith.mulf %mul3A_22, %mul3A_14 : vector<2800x64xf32>
    %add3A_24 = arith.constant -14.9138861 : f32
    %add3A_25 = vector.broadcast %add3A_24 : f32 to vector<2800x64xf32>
    %add3A_26 = arith.addf %mul3A_23, %add3A_25 : vector<2800x64xf32>
    %mul3A_27 = arith.mulf %add3A_20, %mul3A_14 : vector<2800x64xf32>
    %add3A_28 = arith.constant 60.1762123 : f32
    %add3A_29 = vector.broadcast %add3A_28 : f32 to vector<2800x64xf32>
    %add3A_30 = arith.addf %mul3A_27, %add3A_29 : vector<2800x64xf32>
    %mul3A_31 = arith.mulf %add3A_26, %mul3A_14 : vector<2800x64xf32>
    %add3A_32 = arith.constant 42.0295944 : f32
    %add3A_33 = vector.broadcast %add3A_32 : f32 to vector<2800x64xf32>
    %add3A_34 = arith.addf %mul3A_31, %add3A_33 : vector<2800x64xf32>
    %mul3A_35 = arith.mulf %add3A_30, %mul3A_14 : vector<2800x64xf32>
    %add3A_36 = arith.constant -85.4511642 : f32
    %add3A_37 = vector.broadcast %add3A_36 : f32 to vector<2800x64xf32>
    %add3A_38 = arith.addf %mul3A_35, %add3A_37 : vector<2800x64xf32>
    %mul3A_39 = arith.mulf %add3A_34, %mul3A_14 : vector<2800x64xf32>
    %add3A_40 = arith.constant -76.7034531 : f32
    %add3A_41 = vector.broadcast %add3A_40 : f32 to vector<2800x64xf32>
    %add3A_42 = arith.addf %mul3A_39, %add3A_41 : vector<2800x64xf32>
    %mul3A_43 = arith.mulf %add3A_38, %mul3A_14 : vector<2800x64xf32>
    %add3A_44 = arith.constant 64.9391708 : f32
    %add3A_45 = vector.broadcast %add3A_44 : f32 to vector<2800x64xf32>
    %add3A_46 = arith.addf %mul3A_43, %add3A_45 : vector<2800x64xf32>
    %mul3A_47 = arith.mulf %add3A_42, %mul3A_14 : vector<2800x64xf32>
    %add3A_48 = arith.constant 81.6051559 : f32
    %add3A_49 = vector.broadcast %add3A_48 : f32 to vector<2800x64xf32>
    %add3A_50 = arith.addf %mul3A_47, %add3A_49 : vector<2800x64xf32>
    %mul3A_51 = arith.mulf %add3A_46, %mul3A_14 : vector<2800x64xf32>
    %add3A_52 = arith.constant -19.7392063 : f32
    %add3A_53 = vector.broadcast %add3A_52 : f32 to vector<2800x64xf32>
    %add3A_54 = arith.addf %mul3A_51, %add3A_53 : vector<2800x64xf32>
    %mul3A_55 = arith.mulf %add3A_50, %mul3A_14 : vector<2800x64xf32>
    %add3A_56 = arith.constant -4.134170e+01 : f32
    %add3A_57 = vector.broadcast %add3A_56 : f32 to vector<2800x64xf32>
    %add3A_58 = arith.addf %mul3A_55, %add3A_57 : vector<2800x64xf32>
    %mul3A_59 = arith.mulf %add3A_54, %mul3A_14 : vector<2800x64xf32>
    %add3A_60 = arith.constant 1.000000e+00 : f32
    %add3A_61 = vector.broadcast %add3A_60 : f32 to vector<2800x64xf32>
    %add3A_62 = arith.addf %mul3A_59, %add3A_61 : vector<2800x64xf32>
    %mul3A_63 = arith.mulf %add3A_58, %mul3A_14 : vector<2800x64xf32>
    %add3A_64 = arith.constant 6.28318548 : f32
    %add3A_65 = vector.broadcast %add3A_64 : f32 to vector<2800x64xf32>
    %add3A_66 = arith.addf %mul3A_63, %add3A_65 : vector<2800x64xf32>
    %mul3A_67 = arith.mulf %add3A_66, %sub3A : vector<2800x64xf32>
    %get3A_68 = arith.constant 0 : index
    %get3A_69 = arith.constant 0 : index
    %get3A_70 = arith.constant 0 : index
    %get3A_71 = vector.load %arg4[%get3A_68, %get3A_69, %get3A_70] : memref<4x64x128xf32, #tpu.memory_space<vmem>>, vector<1x64x128xf32>
    %get3A_72 = vector.shape_cast %get3A_71 : vector<1x64x128xf32> to vector<64x128xf32>
    %dot_general3A = arith.constant dense<0.000000e+00> : vector<2800x128xf32>
    %dot_general3A_73 = tpu.matmul %add3A_62, %get3A_72, %dot_general3A {dimension_numbers = #tpu.dot_dimension_numbers<[1], [0], [0], [1], [0, 0, 1, 1], [], []>, transpose_lhs_hint = false} : vector<2800x64xf32>, vector<64x128xf32>, vector<2800x128xf32> -> vector<2800x128xf32>
    %get3A_74 = arith.constant 0 : index
    %get3A_75 = arith.constant 0 : index
    %get3A_76 = arith.constant 0 : index
    %get3A_77 = vector.load %arg5[%get3A_74, %get3A_75, %get3A_76] : memref<4x64x128xf32, #tpu.memory_space<vmem>>, vector<1x64x128xf32>
    %get3A_78 = vector.shape_cast %get3A_77 : vector<1x64x128xf32> to vector<64x128xf32>
    %dot_general3A_79 = arith.constant dense<0.000000e+00> : vector<2800x128xf32>
    %dot_general3A_80 = tpu.matmul %mul3A_67, %get3A_78, %dot_general3A_79 {dimension_numbers = #tpu.dot_dimension_numbers<[1], [0], [0], [1], [0, 0, 1, 1], [], []>, transpose_lhs_hint = false} : vector<2800x64xf32>, vector<64x128xf32>, vector<2800x128xf32> -> vector<2800x128xf32>
    %add3A_81 = arith.addf %dot_general3A_73, %dot_general3A_80 : vector<2800x128xf32>
    %get3A_82 = arith.constant 0 : index
    %get3A_83 = arith.constant 0 : index
    %get3A_84 = vector.load %arg6[%get3A_82, %get3A_83] : memref<4x128xf32, #tpu.memory_space<vmem>>, vector<1x128xf32>
    %mul3A_85 = vector.broadcast %slice3A : vector<2800x1xf32> to vector<2800x128xf32>
    %mul3A_86 = vector.broadcast %get3A_84 : vector<1x128xf32> to vector<2800x128xf32>
    %mul3A_87 = arith.mulf %mul3A_85, %mul3A_86 : vector<2800x128xf32>
    %add3A_88 = arith.addf %add3A_81, %mul3A_87 : vector<2800x128xf32>
    %get3A_89 = arith.constant 0 : index
    %get3A_90 = arith.constant 0 : index
    %get3A_91 = vector.load %arg7[%get3A_89, %get3A_90] : memref<4x128xf32, #tpu.memory_space<vmem>>, vector<1x128xf32>
    %add3A_92 = vector.broadcast %get3A_91 : vector<1x128xf32> to vector<2800x128xf32>
    %add3A_93 = arith.addf %add3A_88, %add3A_92 : vector<2800x128xf32>
    %get3A_94 = arith.constant 0 : index
    %get3A_95 = arith.constant 0 : index
    %get3A_96 = vector.load %arg8[%get3A_94, %get3A_95] : memref<4x128xf32, #tpu.memory_space<vmem>>, vector<1x128xf32>
    %get3A_97 = arith.constant 0 : index
    %get3A_98 = arith.constant 0 : index
    %get3A_99 = vector.load %arg9[%get3A_97, %get3A_98] : memref<4x128xf32, #tpu.memory_space<vmem>>, vector<1x128xf32>
    %reduce_sum3A = arith.constant dense<0.000000e+00> : vector<2800xf32>
    %reduce_sum3A_100 = vector.multi_reduction <add>, %add3A_93, %reduce_sum3A [1] : vector<2800x128xf32> to vector<2800xf32>
    %broadcast_in_dim3A = vector.shape_cast %reduce_sum3A_100 : vector<2800xf32> to vector<2800x1xf32>
    %div3A = arith.constant 1.280000e+02 : f32
    %div3A_101 = vector.broadcast %div3A : f32 to vector<2800x1xf32>
    %div3A_102 = arith.divf %broadcast_in_dim3A, %div3A_101 : vector<2800x1xf32>
    %sub3A_103 = vector.broadcast %div3A_102 : vector<2800x1xf32> to vector<2800x128xf32>
    %sub3A_104 = arith.subf %add3A_93, %sub3A_103 : vector<2800x128xf32>
    %mul3A_105 = arith.mulf %sub3A_104, %sub3A_104 : vector<2800x128xf32>
    %reduce_sum3A_106 = arith.constant dense<0.000000e+00> : vector<2800xf32>
    %reduce_sum3A_107 = vector.multi_reduction <add>, %mul3A_105, %reduce_sum3A_106 [1] : vector<2800x128xf32> to vector<2800xf32>
    %broadcast_in_dim3A_108 = vector.shape_cast %reduce_sum3A_107 : vector<2800xf32> to vector<2800x1xf32>
    %div3A_109 = arith.constant 1.280000e+02 : f32
    %div3A_110 = vector.broadcast %div3A_109 : f32 to vector<2800x1xf32>
    %div3A_111 = arith.divf %broadcast_in_dim3A_108, %div3A_110 : vector<2800x1xf32>
    %add3A_112 = arith.constant 9.99999974E-6 : f32
    %add3A_113 = vector.broadcast %add3A_112 : f32 to vector<2800x1xf32>
    %add3A_114 = arith.addf %div3A_111, %add3A_113 : vector<2800x1xf32>
    %rsqrt3A = math.rsqrt %add3A_114 : vector<2800x1xf32>
    %mul3A_115 = vector.broadcast %rsqrt3A : vector<2800x1xf32> to vector<2800x128xf32>
    %mul3A_116 = arith.mulf %sub3A_104, %mul3A_115 : vector<2800x128xf32>
    %mul3A_117 = vector.broadcast %get3A_96 : vector<1x128xf32> to vector<2800x128xf32>
    %mul3A_118 = arith.mulf %mul3A_116, %mul3A_117 : vector<2800x128xf32>
    %add3A_119 = vector.broadcast %get3A_99 : vector<1x128xf32> to vector<2800x128xf32>
    %add3A_120 = arith.addf %mul3A_118, %add3A_119 : vector<2800x128xf32>
    %max3A = arith.constant 0.000000e+00 : f32
    %max3A_121 = vector.broadcast %max3A : f32 to vector<2800x128xf32>
    %max3A_122 = arith.maximumf %add3A_120, %max3A_121 : vector<2800x128xf32>
    %get3A_123 = arith.constant 0 : index
    %get3A_124 = arith.constant 0 : index
    %get3A_125 = arith.constant 0 : index
    %get3A_126 = vector.load %arg10[%get3A_123, %get3A_124, %get3A_125] : memref<4x128x128xf32, #tpu.memory_space<vmem>>, vector<1x128x128xf32>
    %get3A_127 = vector.shape_cast %get3A_126 : vector<1x128x128xf32> to vector<128x128xf32>
    %dot_general3A_128 = arith.constant dense<0.000000e+00> : vector<2800x128xf32>
    %dot_general3A_129 = tpu.matmul %max3A_122, %get3A_127, %dot_general3A_128 {dimension_numbers = #tpu.dot_dimension_numbers<[1], [0], [0], [1], [0, 0, 1, 1], [], []>, transpose_lhs_hint = false} : vector<2800x128xf32>, vector<128x128xf32>, vector<2800x128xf32> -> vector<2800x128xf32>
    %slice3A_130 = vector.extract_strided_slice %get3A_3 {offsets = [0, 1], sizes = [2800, 1], strides = [1, 1]} : vector<2800x3xf32> to vector<2800x1xf32>
    %get3A_131 = arith.constant 1 : index
    %get3A_132 = arith.constant 0 : index
    %get3A_133 = vector.load %arg3[%get3A_131, %get3A_132] : memref<4x64xf32, #tpu.memory_space<vmem>>, vector<1x64xf32>
    %mul3A_134 = vector.broadcast %slice3A_130 : vector<2800x1xf32> to vector<2800x64xf32>
    %mul3A_135 = vector.broadcast %get3A_133 : vector<1x64xf32> to vector<2800x64xf32>
    %mul3A_136 = arith.mulf %mul3A_134, %mul3A_135 : vector<2800x64xf32>
    %add3A_137 = arith.constant 5.000000e-01 : f32
    %add3A_138 = vector.broadcast %add3A_137 : f32 to vector<2800x64xf32>
    %add3A_139 = arith.addf %mul3A_136, %add3A_138 : vector<2800x64xf32>
    %floor3A_140 = math.floor %add3A_139 : vector<2800x64xf32>
    %sub3A_141 = arith.subf %mul3A_136, %floor3A_140 : vector<2800x64xf32>
    %mul3A_142 = arith.mulf %sub3A_141, %sub3A_141 : vector<2800x64xf32>
    %mul3A_143 = arith.constant 6.5755024 : f32
    %mul3A_144 = vector.broadcast %mul3A_143 : f32 to vector<2800x64xf32>
    %mul3A_145 = arith.mulf %mul3A_144, %mul3A_142 : vector<2800x64xf32>
    %add3A_146 = arith.constant -26.0004559 : f32
    %add3A_147 = vector.broadcast %add3A_146 : f32 to vector<2800x64xf32>
    %add3A_148 = arith.addf %mul3A_145, %add3A_147 : vector<2800x64xf32>
    %mul3A_149 = arith.constant 3.25815368 : f32
    %mul3A_150 = vector.broadcast %mul3A_149 : f32 to vector<2800x64xf32>
    %mul3A_151 = arith.mulf %mul3A_150, %mul3A_142 : vector<2800x64xf32>
    %add3A_152 = arith.constant -14.9138861 : f32
    %add3A_153 = vector.broadcast %add3A_152 : f32 to vector<2800x64xf32>
    %add3A_154 = arith.addf %mul3A_151, %add3A_153 : vector<2800x64xf32>
    %mul3A_155 = arith.mulf %add3A_148, %mul3A_142 : vector<2800x64xf32>
    %add3A_156 = arith.constant 60.1762123 : f32
    %add3A_157 = vector.broadcast %add3A_156 : f32 to vector<2800x64xf32>
    %add3A_158 = arith.addf %mul3A_155, %add3A_157 : vector<2800x64xf32>
    %mul3A_159 = arith.mulf %add3A_154, %mul3A_142 : vector<2800x64xf32>
    %add3A_160 = arith.constant 42.0295944 : f32
    %add3A_161 = vector.broadcast %add3A_160 : f32 to vector<2800x64xf32>
    %add3A_162 = arith.addf %mul3A_159, %add3A_161 : vector<2800x64xf32>
    %mul3A_163 = arith.mulf %add3A_158, %mul3A_142 : vector<2800x64xf32>
    %add3A_164 = arith.constant -85.4511642 : f32
    %add3A_165 = vector.broadcast %add3A_164 : f32 to vector<2800x64xf32>
    %add3A_166 = arith.addf %mul3A_163, %add3A_165 : vector<2800x64xf32>
    %mul3A_167 = arith.mulf %add3A_162, %mul3A_142 : vector<2800x64xf32>
    %add3A_168 = arith.constant -76.7034531 : f32
    %add3A_169 = vector.broadcast %add3A_168 : f32 to vector<2800x64xf32>
    %add3A_170 = arith.addf %mul3A_167, %add3A_169 : vector<2800x64xf32>
    %mul3A_171 = arith.mulf %add3A_166, %mul3A_142 : vector<2800x64xf32>
    %add3A_172 = arith.constant 64.9391708 : f32
    %add3A_173 = vector.broadcast %add3A_172 : f32 to vector<2800x64xf32>
    %add3A_174 = arith.addf %mul3A_171, %add3A_173 : vector<2800x64xf32>
    %mul3A_175 = arith.mulf %add3A_170, %mul3A_142 : vector<2800x64xf32>
    %add3A_176 = arith.constant 81.6051559 : f32
    %add3A_177 = vector.broadcast %add3A_176 : f32 to vector<2800x64xf32>
    %add3A_178 = arith.addf %mul3A_175, %add3A_177 : vector<2800x64xf32>
    %mul3A_179 = arith.mulf %add3A_174, %mul3A_142 : vector<2800x64xf32>
    %add3A_180 = arith.constant -19.7392063 : f32
    %add3A_181 = vector.broadcast %add3A_180 : f32 to vector<2800x64xf32>
    %add3A_182 = arith.addf %mul3A_179, %add3A_181 : vector<2800x64xf32>
    %mul3A_183 = arith.mulf %add3A_178, %mul3A_142 : vector<2800x64xf32>
    %add3A_184 = arith.constant -4.134170e+01 : f32
    %add3A_185 = vector.broadcast %add3A_184 : f32 to vector<2800x64xf32>
    %add3A_186 = arith.addf %mul3A_183, %add3A_185 : vector<2800x64xf32>
    %mul3A_187 = arith.mulf %add3A_182, %mul3A_142 : vector<2800x64xf32>
    %add3A_188 = arith.constant 1.000000e+00 : f32
    %add3A_189 = vector.broadcast %add3A_188 : f32 to vector<2800x64xf32>
    %add3A_190 = arith.addf %mul3A_187, %add3A_189 : vector<2800x64xf32>
    %mul3A_191 = arith.mulf %add3A_186, %mul3A_142 : vector<2800x64xf32>
    %add3A_192 = arith.constant 6.28318548 : f32
    %add3A_193 = vector.broadcast %add3A_192 : f32 to vector<2800x64xf32>
    %add3A_194 = arith.addf %mul3A_191, %add3A_193 : vector<2800x64xf32>
    %mul3A_195 = arith.mulf %add3A_194, %sub3A_141 : vector<2800x64xf32>
    %get3A_196 = arith.constant 1 : index
    %get3A_197 = arith.constant 0 : index
    %get3A_198 = arith.constant 0 : index
    %get3A_199 = vector.load %arg4[%get3A_196, %get3A_197, %get3A_198] : memref<4x64x128xf32, #tpu.memory_space<vmem>>, vector<1x64x128xf32>
    %get3A_200 = vector.shape_cast %get3A_199 : vector<1x64x128xf32> to vector<64x128xf32>
    %dot_general3A_201 = arith.constant dense<0.000000e+00> : vector<2800x128xf32>
    %dot_general3A_202 = tpu.matmul %add3A_190, %get3A_200, %dot_general3A_201 {dimension_numbers = #tpu.dot_dimension_numbers<[1], [0], [0], [1], [0, 0, 1, 1], [], []>, transpose_lhs_hint = false} : vector<2800x64xf32>, vector<64x128xf32>, vector<2800x128xf32> -> vector<2800x128xf32>
    %get3A_203 = arith.constant 1 : index
    %get3A_204 = arith.constant 0 : index
    %get3A_205 = arith.constant 0 : index
    %get3A_206 = vector.load %arg5[%get3A_203, %get3A_204, %get3A_205] : memref<4x64x128xf32, #tpu.memory_space<vmem>>, vector<1x64x128xf32>
    %get3A_207 = vector.shape_cast %get3A_206 : vector<1x64x128xf32> to vector<64x128xf32>
    %dot_general3A_208 = arith.constant dense<0.000000e+00> : vector<2800x128xf32>
    %dot_general3A_209 = tpu.matmul %mul3A_195, %get3A_207, %dot_general3A_208 {dimension_numbers = #tpu.dot_dimension_numbers<[1], [0], [0], [1], [0, 0, 1, 1], [], []>, transpose_lhs_hint = false} : vector<2800x64xf32>, vector<64x128xf32>, vector<2800x128xf32> -> vector<2800x128xf32>
    %add3A_210 = arith.addf %dot_general3A_202, %dot_general3A_209 : vector<2800x128xf32>
    %get3A_211 = arith.constant 1 : index
    %get3A_212 = arith.constant 0 : index
    %get3A_213 = vector.load %arg6[%get3A_211, %get3A_212] : memref<4x128xf32, #tpu.memory_space<vmem>>, vector<1x128xf32>
    %mul3A_214 = vector.broadcast %slice3A_130 : vector<2800x1xf32> to vector<2800x128xf32>
    %mul3A_215 = vector.broadcast %get3A_213 : vector<1x128xf32> to vector<2800x128xf32>
    %mul3A_216 = arith.mulf %mul3A_214, %mul3A_215 : vector<2800x128xf32>
    %add3A_217 = arith.addf %add3A_210, %mul3A_216 : vector<2800x128xf32>
    %get3A_218 = arith.constant 1 : index
    %get3A_219 = arith.constant 0 : index
    %get3A_220 = vector.load %arg7[%get3A_218, %get3A_219] : memref<4x128xf32, #tpu.memory_space<vmem>>, vector<1x128xf32>
    %add3A_221 = vector.broadcast %get3A_220 : vector<1x128xf32> to vector<2800x128xf32>
    %add3A_222 = arith.addf %add3A_217, %add3A_221 : vector<2800x128xf32>
    %get3A_223 = arith.constant 1 : index
    %get3A_224 = arith.constant 0 : index
    %get3A_225 = vector.load %arg8[%get3A_223, %get3A_224] : memref<4x128xf32, #tpu.memory_space<vmem>>, vector<1x128xf32>
    %get3A_226 = arith.constant 1 : index
    %get3A_227 = arith.constant 0 : index
    %get3A_228 = vector.load %arg9[%get3A_226, %get3A_227] : memref<4x128xf32, #tpu.memory_space<vmem>>, vector<1x128xf32>
    %reduce_sum3A_229 = arith.constant dense<0.000000e+00> : vector<2800xf32>
    %reduce_sum3A_230 = vector.multi_reduction <add>, %add3A_222, %reduce_sum3A_229 [1] : vector<2800x128xf32> to vector<2800xf32>
    %broadcast_in_dim3A_231 = vector.shape_cast %reduce_sum3A_230 : vector<2800xf32> to vector<2800x1xf32>
    %div3A_232 = arith.constant 1.280000e+02 : f32
    %div3A_233 = vector.broadcast %div3A_232 : f32 to vector<2800x1xf32>
    %div3A_234 = arith.divf %broadcast_in_dim3A_231, %div3A_233 : vector<2800x1xf32>
    %sub3A_235 = vector.broadcast %div3A_234 : vector<2800x1xf32> to vector<2800x128xf32>
    %sub3A_236 = arith.subf %add3A_222, %sub3A_235 : vector<2800x128xf32>
    %mul3A_237 = arith.mulf %sub3A_236, %sub3A_236 : vector<2800x128xf32>
    %reduce_sum3A_238 = arith.constant dense<0.000000e+00> : vector<2800xf32>
    %reduce_sum3A_239 = vector.multi_reduction <add>, %mul3A_237, %reduce_sum3A_238 [1] : vector<2800x128xf32> to vector<2800xf32>
    %broadcast_in_dim3A_240 = vector.shape_cast %reduce_sum3A_239 : vector<2800xf32> to vector<2800x1xf32>
    %div3A_241 = arith.constant 1.280000e+02 : f32
    %div3A_242 = vector.broadcast %div3A_241 : f32 to vector<2800x1xf32>
    %div3A_243 = arith.divf %broadcast_in_dim3A_240, %div3A_242 : vector<2800x1xf32>
    %add3A_244 = arith.constant 9.99999974E-6 : f32
    %add3A_245 = vector.broadcast %add3A_244 : f32 to vector<2800x1xf32>
    %add3A_246 = arith.addf %div3A_243, %add3A_245 : vector<2800x1xf32>
    %rsqrt3A_247 = math.rsqrt %add3A_246 : vector<2800x1xf32>
    %mul3A_248 = vector.broadcast %rsqrt3A_247 : vector<2800x1xf32> to vector<2800x128xf32>
    %mul3A_249 = arith.mulf %sub3A_236, %mul3A_248 : vector<2800x128xf32>
    %mul3A_250 = vector.broadcast %get3A_225 : vector<1x128xf32> to vector<2800x128xf32>
    %mul3A_251 = arith.mulf %mul3A_249, %mul3A_250 : vector<2800x128xf32>
    %add3A_252 = vector.broadcast %get3A_228 : vector<1x128xf32> to vector<2800x128xf32>
    %add3A_253 = arith.addf %mul3A_251, %add3A_252 : vector<2800x128xf32>
    %max3A_254 = arith.constant 0.000000e+00 : f32
    %max3A_255 = vector.broadcast %max3A_254 : f32 to vector<2800x128xf32>
    %max3A_256 = arith.maximumf %add3A_253, %max3A_255 : vector<2800x128xf32>
    %get3A_257 = arith.constant 1 : index
    %get3A_258 = arith.constant 0 : index
    %get3A_259 = arith.constant 0 : index
    %get3A_260 = vector.load %arg10[%get3A_257, %get3A_258, %get3A_259] : memref<4x128x128xf32, #tpu.memory_space<vmem>>, vector<1x128x128xf32>
    %get3A_261 = vector.shape_cast %get3A_260 : vector<1x128x128xf32> to vector<128x128xf32>
    %dot_general3A_262 = arith.constant dense<0.000000e+00> : vector<2800x128xf32>
    %dot_general3A_263 = tpu.matmul %max3A_256, %get3A_261, %dot_general3A_262 {dimension_numbers = #tpu.dot_dimension_numbers<[1], [0], [0], [1], [0, 0, 1, 1], [], []>, transpose_lhs_hint = false} : vector<2800x128xf32>, vector<128x128xf32>, vector<2800x128xf32> -> vector<2800x128xf32>
    %add3A_264 = arith.addf %dot_general3A_129, %dot_general3A_263 : vector<2800x128xf32>
    %slice3A_265 = vector.extract_strided_slice %get3A_3 {offsets = [0, 2], sizes = [2800, 1], strides = [1, 1]} : vector<2800x3xf32> to vector<2800x1xf32>
    %get3A_266 = arith.constant 2 : index
    %get3A_267 = arith.constant 0 : index
    %get3A_268 = vector.load %arg3[%get3A_266, %get3A_267] : memref<4x64xf32, #tpu.memory_space<vmem>>, vector<1x64xf32>
    %mul3A_269 = vector.broadcast %slice3A_265 : vector<2800x1xf32> to vector<2800x64xf32>
    %mul3A_270 = vector.broadcast %get3A_268 : vector<1x64xf32> to vector<2800x64xf32>
    %mul3A_271 = arith.mulf %mul3A_269, %mul3A_270 : vector<2800x64xf32>
    %add3A_272 = arith.constant 5.000000e-01 : f32
    %add3A_273 = vector.broadcast %add3A_272 : f32 to vector<2800x64xf32>
    %add3A_274 = arith.addf %mul3A_271, %add3A_273 : vector<2800x64xf32>
    %floor3A_275 = math.floor %add3A_274 : vector<2800x64xf32>
    %sub3A_276 = arith.subf %mul3A_271, %floor3A_275 : vector<2800x64xf32>
    %mul3A_277 = arith.mulf %sub3A_276, %sub3A_276 : vector<2800x64xf32>
    %mul3A_278 = arith.constant 6.5755024 : f32
    %mul3A_279 = vector.broadcast %mul3A_278 : f32 to vector<2800x64xf32>
    %mul3A_280 = arith.mulf %mul3A_279, %mul3A_277 : vector<2800x64xf32>
    %add3A_281 = arith.constant -26.0004559 : f32
    %add3A_282 = vector.broadcast %add3A_281 : f32 to vector<2800x64xf32>
    %add3A_283 = arith.addf %mul3A_280, %add3A_282 : vector<2800x64xf32>
    %mul3A_284 = arith.constant 3.25815368 : f32
    %mul3A_285 = vector.broadcast %mul3A_284 : f32 to vector<2800x64xf32>
    %mul3A_286 = arith.mulf %mul3A_285, %mul3A_277 : vector<2800x64xf32>
    %add3A_287 = arith.constant -14.9138861 : f32
    %add3A_288 = vector.broadcast %add3A_287 : f32 to vector<2800x64xf32>
    %add3A_289 = arith.addf %mul3A_286, %add3A_288 : vector<2800x64xf32>
    %mul3A_290 = arith.mulf %add3A_283, %mul3A_277 : vector<2800x64xf32>
    %add3A_291 = arith.constant 60.1762123 : f32
    %add3A_292 = vector.broadcast %add3A_291 : f32 to vector<2800x64xf32>
    %add3A_293 = arith.addf %mul3A_290, %add3A_292 : vector<2800x64xf32>
    %mul3A_294 = arith.mulf %add3A_289, %mul3A_277 : vector<2800x64xf32>
    %add3A_295 = arith.constant 42.0295944 : f32
    %add3A_296 = vector.broadcast %add3A_295 : f32 to vector<2800x64xf32>
    %add3A_297 = arith.addf %mul3A_294, %add3A_296 : vector<2800x64xf32>
    %mul3A_298 = arith.mulf %add3A_293, %mul3A_277 : vector<2800x64xf32>
    %add3A_299 = arith.constant -85.4511642 : f32
    %add3A_300 = vector.broadcast %add3A_299 : f32 to vector<2800x64xf32>
    %add3A_301 = arith.addf %mul3A_298, %add3A_300 : vector<2800x64xf32>
    %mul3A_302 = arith.mulf %add3A_297, %mul3A_277 : vector<2800x64xf32>
    %add3A_303 = arith.constant -76.7034531 : f32
    %add3A_304 = vector.broadcast %add3A_303 : f32 to vector<2800x64xf32>
    %add3A_305 = arith.addf %mul3A_302, %add3A_304 : vector<2800x64xf32>
    %mul3A_306 = arith.mulf %add3A_301, %mul3A_277 : vector<2800x64xf32>
    %add3A_307 = arith.constant 64.9391708 : f32
    %add3A_308 = vector.broadcast %add3A_307 : f32 to vector<2800x64xf32>
    %add3A_309 = arith.addf %mul3A_306, %add3A_308 : vector<2800x64xf32>
    %mul3A_310 = arith.mulf %add3A_305, %mul3A_277 : vector<2800x64xf32>
    %add3A_311 = arith.constant 81.6051559 : f32
    %add3A_312 = vector.broadcast %add3A_311 : f32 to vector<2800x64xf32>
    %add3A_313 = arith.addf %mul3A_310, %add3A_312 : vector<2800x64xf32>
    %mul3A_314 = arith.mulf %add3A_309, %mul3A_277 : vector<2800x64xf32>
    %add3A_315 = arith.constant -19.7392063 : f32
    %add3A_316 = vector.broadcast %add3A_315 : f32 to vector<2800x64xf32>
    %add3A_317 = arith.addf %mul3A_314, %add3A_316 : vector<2800x64xf32>
    %mul3A_318 = arith.mulf %add3A_313, %mul3A_277 : vector<2800x64xf32>
    %add3A_319 = arith.constant -4.134170e+01 : f32
    %add3A_320 = vector.broadcast %add3A_319 : f32 to vector<2800x64xf32>
    %add3A_321 = arith.addf %mul3A_318, %add3A_320 : vector<2800x64xf32>
    %mul3A_322 = arith.mulf %add3A_317, %mul3A_277 : vector<2800x64xf32>
    %add3A_323 = arith.constant 1.000000e+00 : f32
    %add3A_324 = vector.broadcast %add3A_323 : f32 to vector<2800x64xf32>
    %add3A_325 = arith.addf %mul3A_322, %add3A_324 : vector<2800x64xf32>
    %mul3A_326 = arith.mulf %add3A_321, %mul3A_277 : vector<2800x64xf32>
    %add3A_327 = arith.constant 6.28318548 : f32
    %add3A_328 = vector.broadcast %add3A_327 : f32 to vector<2800x64xf32>
    %add3A_329 = arith.addf %mul3A_326, %add3A_328 : vector<2800x64xf32>
    %mul3A_330 = arith.mulf %add3A_329, %sub3A_276 : vector<2800x64xf32>
    %get3A_331 = arith.constant 2 : index
    %get3A_332 = arith.constant 0 : index
    %get3A_333 = arith.constant 0 : index
    %get3A_334 = vector.load %arg4[%get3A_331, %get3A_332, %get3A_333] : memref<4x64x128xf32, #tpu.memory_space<vmem>>, vector<1x64x128xf32>
    %get3A_335 = vector.shape_cast %get3A_334 : vector<1x64x128xf32> to vector<64x128xf32>
    %dot_general3A_336 = arith.constant dense<0.000000e+00> : vector<2800x128xf32>
    %dot_general3A_337 = tpu.matmul %add3A_325, %get3A_335, %dot_general3A_336 {dimension_numbers = #tpu.dot_dimension_numbers<[1], [0], [0], [1], [0, 0, 1, 1], [], []>, transpose_lhs_hint = false} : vector<2800x64xf32>, vector<64x128xf32>, vector<2800x128xf32> -> vector<2800x128xf32>
    %get3A_338 = arith.constant 2 : index
    %get3A_339 = arith.constant 0 : index
    %get3A_340 = arith.constant 0 : index
    %get3A_341 = vector.load %arg5[%get3A_338, %get3A_339, %get3A_340] : memref<4x64x128xf32, #tpu.memory_space<vmem>>, vector<1x64x128xf32>
    %get3A_342 = vector.shape_cast %get3A_341 : vector<1x64x128xf32> to vector<64x128xf32>
    %dot_general3A_343 = arith.constant dense<0.000000e+00> : vector<2800x128xf32>
    %dot_general3A_344 = tpu.matmul %mul3A_330, %get3A_342, %dot_general3A_343 {dimension_numbers = #tpu.dot_dimension_numbers<[1], [0], [0], [1], [0, 0, 1, 1], [], []>, transpose_lhs_hint = false} : vector<2800x64xf32>, vector<64x128xf32>, vector<2800x128xf32> -> vector<2800x128xf32>
    %add3A_345 = arith.addf %dot_general3A_337, %dot_general3A_344 : vector<2800x128xf32>
    %get3A_346 = arith.constant 2 : index
    %get3A_347 = arith.constant 0 : index
    %get3A_348 = vector.load %arg6[%get3A_346, %get3A_347] : memref<4x128xf32, #tpu.memory_space<vmem>>, vector<1x128xf32>
    %mul3A_349 = vector.broadcast %slice3A_265 : vector<2800x1xf32> to vector<2800x128xf32>
    %mul3A_350 = vector.broadcast %get3A_348 : vector<1x128xf32> to vector<2800x128xf32>
    %mul3A_351 = arith.mulf %mul3A_349, %mul3A_350 : vector<2800x128xf32>
    %add3A_352 = arith.addf %add3A_345, %mul3A_351 : vector<2800x128xf32>
    %get3A_353 = arith.constant 2 : index
    %get3A_354 = arith.constant 0 : index
    %get3A_355 = vector.load %arg7[%get3A_353, %get3A_354] : memref<4x128xf32, #tpu.memory_space<vmem>>, vector<1x128xf32>
    %add3A_356 = vector.broadcast %get3A_355 : vector<1x128xf32> to vector<2800x128xf32>
    %add3A_357 = arith.addf %add3A_352, %add3A_356 : vector<2800x128xf32>
    %get3A_358 = arith.constant 2 : index
    %get3A_359 = arith.constant 0 : index
    %get3A_360 = vector.load %arg8[%get3A_358, %get3A_359] : memref<4x128xf32, #tpu.memory_space<vmem>>, vector<1x128xf32>
    %get3A_361 = arith.constant 2 : index
    %get3A_362 = arith.constant 0 : index
    %get3A_363 = vector.load %arg9[%get3A_361, %get3A_362] : memref<4x128xf32, #tpu.memory_space<vmem>>, vector<1x128xf32>
    %reduce_sum3A_364 = arith.constant dense<0.000000e+00> : vector<2800xf32>
    %reduce_sum3A_365 = vector.multi_reduction <add>, %add3A_357, %reduce_sum3A_364 [1] : vector<2800x128xf32> to vector<2800xf32>
    %broadcast_in_dim3A_366 = vector.shape_cast %reduce_sum3A_365 : vector<2800xf32> to vector<2800x1xf32>
    %div3A_367 = arith.constant 1.280000e+02 : f32
    %div3A_368 = vector.broadcast %div3A_367 : f32 to vector<2800x1xf32>
    %div3A_369 = arith.divf %broadcast_in_dim3A_366, %div3A_368 : vector<2800x1xf32>
    %sub3A_370 = vector.broadcast %div3A_369 : vector<2800x1xf32> to vector<2800x128xf32>
    %sub3A_371 = arith.subf %add3A_357, %sub3A_370 : vector<2800x128xf32>
    %mul3A_372 = arith.mulf %sub3A_371, %sub3A_371 : vector<2800x128xf32>
    %reduce_sum3A_373 = arith.constant dense<0.000000e+00> : vector<2800xf32>
    %reduce_sum3A_374 = vector.multi_reduction <add>, %mul3A_372, %reduce_sum3A_373 [1] : vector<2800x128xf32> to vector<2800xf32>
    %broadcast_in_dim3A_375 = vector.shape_cast %reduce_sum3A_374 : vector<2800xf32> to vector<2800x1xf32>
    %div3A_376 = arith.constant 1.280000e+02 : f32
    %div3A_377 = vector.broadcast %div3A_376 : f32 to vector<2800x1xf32>
    %div3A_378 = arith.divf %broadcast_in_dim3A_375, %div3A_377 : vector<2800x1xf32>
    %add3A_379 = arith.constant 9.99999974E-6 : f32
    %add3A_380 = vector.broadcast %add3A_379 : f32 to vector<2800x1xf32>
    %add3A_381 = arith.addf %div3A_378, %add3A_380 : vector<2800x1xf32>
    %rsqrt3A_382 = math.rsqrt %add3A_381 : vector<2800x1xf32>
    %mul3A_383 = vector.broadcast %rsqrt3A_382 : vector<2800x1xf32> to vector<2800x128xf32>
    %mul3A_384 = arith.mulf %sub3A_371, %mul3A_383 : vector<2800x128xf32>
    %mul3A_385 = vector.broadcast %get3A_360 : vector<1x128xf32> to vector<2800x128xf32>
    %mul3A_386 = arith.mulf %mul3A_384, %mul3A_385 : vector<2800x128xf32>
    %add3A_387 = vector.broadcast %get3A_363 : vector<1x128xf32> to vector<2800x128xf32>
    %add3A_388 = arith.addf %mul3A_386, %add3A_387 : vector<2800x128xf32>
    %max3A_389 = arith.constant 0.000000e+00 : f32
    %max3A_390 = vector.broadcast %max3A_389 : f32 to vector<2800x128xf32>
    %max3A_391 = arith.maximumf %add3A_388, %max3A_390 : vector<2800x128xf32>
    %get3A_392 = arith.constant 2 : index
    %get3A_393 = arith.constant 0 : index
    %get3A_394 = arith.constant 0 : index
    %get3A_395 = vector.load %arg10[%get3A_392, %get3A_393, %get3A_394] : memref<4x128x128xf32, #tpu.memory_space<vmem>>, vector<1x128x128xf32>
    %get3A_396 = vector.shape_cast %get3A_395 : vector<1x128x128xf32> to vector<128x128xf32>
    %dot_general3A_397 = arith.constant dense<0.000000e+00> : vector<2800x128xf32>
    %dot_general3A_398 = tpu.matmul %max3A_391, %get3A_396, %dot_general3A_397 {dimension_numbers = #tpu.dot_dimension_numbers<[1], [0], [0], [1], [0, 0, 1, 1], [], []>, transpose_lhs_hint = false} : vector<2800x128xf32>, vector<128x128xf32>, vector<2800x128xf32> -> vector<2800x128xf32>
    %add3A_399 = arith.addf %add3A_264, %dot_general3A_398 : vector<2800x128xf32>
    %get3A_400 = arith.constant 0 : index
    %get3A_401 = arith.constant 0 : index
    %get3A_402 = vector.load %arg11[%get3A_400, %get3A_401] : memref<1x128xf32, #tpu.memory_space<vmem>>, vector<1x128xf32>
    %add3A_403 = vector.broadcast %get3A_402 : vector<1x128xf32> to vector<2800x128xf32>
    %add3A_404 = arith.addf %add3A_399, %add3A_403 : vector<2800x128xf32>
    %add3A_405 = arith.addf %add3A_404, %get3A_6 : vector<2800x128xf32>
    %get3A_406 = arith.constant 0 : index
    %get3A_407 = arith.constant 0 : index
    %get3A_408 = vector.load %arg12[%get3A_406, %get3A_407] : memref<1x128xf32, #tpu.memory_space<vmem>>, vector<1x128xf32>
    %get3A_409 = arith.constant 0 : index
    %get3A_410 = arith.constant 0 : index
    %get3A_411 = vector.load %arg13[%get3A_409, %get3A_410] : memref<1x128xf32, #tpu.memory_space<vmem>>, vector<1x128xf32>
    %reduce_sum3A_412 = arith.constant dense<0.000000e+00> : vector<2800xf32>
    %reduce_sum3A_413 = vector.multi_reduction <add>, %add3A_405, %reduce_sum3A_412 [1] : vector<2800x128xf32> to vector<2800xf32>
    %broadcast_in_dim3A_414 = vector.shape_cast %reduce_sum3A_413 : vector<2800xf32> to vector<2800x1xf32>
    %div3A_415 = arith.constant 1.280000e+02 : f32
    %div3A_416 = vector.broadcast %div3A_415 : f32 to vector<2800x1xf32>
    %div3A_417 = arith.divf %broadcast_in_dim3A_414, %div3A_416 : vector<2800x1xf32>
    %sub3A_418 = vector.broadcast %div3A_417 : vector<2800x1xf32> to vector<2800x128xf32>
    %sub3A_419 = arith.subf %add3A_405, %sub3A_418 : vector<2800x128xf32>
    %mul3A_420 = arith.mulf %sub3A_419, %sub3A_419 : vector<2800x128xf32>
    %reduce_sum3A_421 = arith.constant dense<0.000000e+00> : vector<2800xf32>
    %reduce_sum3A_422 = vector.multi_reduction <add>, %mul3A_420, %reduce_sum3A_421 [1] : vector<2800x128xf32> to vector<2800xf32>
    %broadcast_in_dim3A_423 = vector.shape_cast %reduce_sum3A_422 : vector<2800xf32> to vector<2800x1xf32>
    %div3A_424 = arith.constant 1.280000e+02 : f32
    %div3A_425 = vector.broadcast %div3A_424 : f32 to vector<2800x1xf32>
    %div3A_426 = arith.divf %broadcast_in_dim3A_423, %div3A_425 : vector<2800x1xf32>
    %add3A_427 = arith.constant 9.99999974E-6 : f32
    %add3A_428 = vector.broadcast %add3A_427 : f32 to vector<2800x1xf32>
    %add3A_429 = arith.addf %div3A_426, %add3A_428 : vector<2800x1xf32>
    %rsqrt3A_430 = math.rsqrt %add3A_429 : vector<2800x1xf32>
    %mul3A_431 = vector.broadcast %rsqrt3A_430 : vector<2800x1xf32> to vector<2800x128xf32>
    %mul3A_432 = arith.mulf %sub3A_419, %mul3A_431 : vector<2800x128xf32>
    %mul3A_433 = vector.broadcast %get3A_408 : vector<1x128xf32> to vector<2800x128xf32>
    %mul3A_434 = arith.mulf %mul3A_432, %mul3A_433 : vector<2800x128xf32>
    %add3A_435 = vector.broadcast %get3A_411 : vector<1x128xf32> to vector<2800x128xf32>
    %add3A_436 = arith.addf %mul3A_434, %add3A_435 : vector<2800x128xf32>
    %max3A_437 = arith.constant 0.000000e+00 : f32
    %max3A_438 = vector.broadcast %max3A_437 : f32 to vector<2800x128xf32>
    %max3A_439 = arith.maximumf %add3A_436, %max3A_438 : vector<2800x128xf32>
    %get3A_440 = arith.constant 0 : index
    %get3A_441 = arith.constant 0 : index
    %get3A_442 = vector.load %arg14[%get3A_440, %get3A_441] : memref<128x128xf32, #tpu.memory_space<vmem>>, vector<128x128xf32>
    %dot_general3A_443 = arith.constant dense<0.000000e+00> : vector<2800x128xf32>
    %dot_general3A_444 = tpu.matmul %max3A_439, %get3A_442, %dot_general3A_443 {dimension_numbers = #tpu.dot_dimension_numbers<[1], [0], [0], [1], [0, 0, 1, 1], [], []>, transpose_lhs_hint = false} : vector<2800x128xf32>, vector<128x128xf32>, vector<2800x128xf32> -> vector<2800x128xf32>
    %get3A_445 = arith.constant 0 : index
    %get3A_446 = arith.constant 0 : index
    %get3A_447 = vector.load %arg15[%get3A_445, %get3A_446] : memref<1x128xf32, #tpu.memory_space<vmem>>, vector<1x128xf32>
    %add3A_448 = vector.broadcast %get3A_447 : vector<1x128xf32> to vector<2800x128xf32>
    %add3A_449 = arith.addf %dot_general3A_444, %add3A_448 : vector<2800x128xf32>
    %swap3A = arith.constant 0 : index
    %swap3A_450 = arith.constant 0 : index
    %swap3A_451 = arith.constant 0 : index
    %swap3A_452 = vector.load %arg16[%swap3A, %swap3A_450, %swap3A_451] : memref<1x2800x128xf32, #tpu.memory_space<vmem>>, vector<1x2800x128xf32>
    %swap3A_453 = vector.shape_cast %swap3A_452 : vector<1x2800x128xf32> to vector<2800x128xf32>
    %swap3A_454 = vector.shape_cast %add3A_449 : vector<2800x128xf32> to vector<1x2800x128xf32>
    tpu.vector_store %arg16[%swap3A, %swap3A_450, %swap3A_451], %swap3A_454 {strides = array<i32>} : memref<1x2800x128xf32, #tpu.memory_space<vmem>>, vector<1x2800x128xf32>,
    return
  }
  func.func @transform_0(%arg0: i32) -> (i32, i32, i32) {
    %c0_i32 = arith.constant 0 : i32
    %c0_i32_0 = arith.constant 0 : i32
    %c0_i32_1 = arith.constant 0 : i32
    return %arg0, %c0_i32, %c0_i32_0 : i32, i32, i32
  }
  func.func @transform_1(%arg0: i32) -> (i32, i32) {
    %c0_i32 = arith.constant 0 : i32
    %c0_i32_0 = arith.constant 0 : i32
    %c0_i32_1 = arith.constant 0 : i32
    return %c0_i32, %c0_i32_0 : i32, i32
  }
  func.func @transform_2(%arg0: i32) -> (i32, i32) {
    %c0_i32 = arith.constant 0 : i32
    %c0_i32_0 = arith.constant 0 : i32
    %c0_i32_1 = arith.constant 0 : i32
    return %c0_i32, %c0_i32_0 : i32, i32
  }
  func.func @transform_3(%arg0: i32) -> (i32, i32, i32) {
    %c0_i32 = arith.constant 0 : i32
    %c0_i32_0 = arith.constant 0 : i32
    %c0_i32_1 = arith.constant 0 : i32
    %c0_i32_2 = arith.constant 0 : i32
    return %c0_i32, %c0_i32_0, %c0_i32_1 : i32, i32, i32
  }
  func.func @transform_4(%arg0: i32) -> (i32, i32, i32) {
    %c0_i32 = arith.constant 0 : i32
    %c0_i32_0 = arith.constant 0 : i32
    %c0_i32_1 = arith.constant 0 : i32
    %c0_i32_2 = arith.constant 0 : i32
    return %c0_i32, %c0_i32_0, %c0_i32_1 : i32, i32, i32
  }
  func.func @transform_5(%arg0: i32) -> (i32, i32) {
    %c0_i32 = arith.constant 0 : i32
    %c0_i32_0 = arith.constant 0 : i32
    %c0_i32_1 = arith.constant 0 : i32
    return %c0_i32, %c0_i32_0 : i32, i32
  }
  func.func @transform_6(%arg0: i32) -> (i32, i32) {
    %c0_i32 = arith.constant 0 : i32
    %c0_i32_0 = arith.constant 0 : i32
    %c0_i32_1 = arith.constant 0 : i32
    return %c0_i32, %c0_i32_0 : i32, i32
  }
  func.func @transform_7(%arg0: i32) -> (i32, i32) {
    %c0_i32 = arith.constant 0 : i32
    %c0_i32_0 = arith.constant 0 : i32
    %c0_i32_1 = arith.constant 0 : i32
    return %c0_i32, %c0_i32_0 : i32, i32
  }
  func.func @transform_8(%arg0: i32) -> (i32, i32) {
    %c0_i32 = arith.constant 0 : i32
    %c0_i32_0 = arith.constant 0 : i32
    %c0_i32_1 = arith.constant 0 : i32
    return %c0_i32, %c0_i32_0 : i32, i32
  }
  func.func @transform_9(%arg0: i32) -> (i32, i32, i32) {
    %c0_i32 = arith.constant 0 : i32
    %c0_i32_0 = arith.constant 0 : i32
    %c0_i32_1 = arith.constant 0 : i32
    %c0_i32_2 = arith.constant 0 : i32
    return %c0_i32, %c0_i32_0, %c0_i32_1 : i32, i32, i32
  }
  func.func @transform_10(%arg0: i32) -> (i32, i32) {
    %c0_i32 = arith.constant 0 : i32
    %c0_i32_0 = arith.constant 0 : i32
    %c0_i32_1 = arith.constant 0 : i32
    return %c0_i32, %c0_i32_0 : i32, i32
  }
  func.func @transform_11(%arg0: i32) -> (i32, i32) {
    %c0_i32 = arith.constant 0 : i32
    %c0_i32_0 = arith.constant 0 : i32
    %c0_i32_1 = arith.constant 0 : i32
    return %c0_i32, %c0_i32_0 : i32, i32
  }
  func.func @transform_12(%arg0: i32) -> (i32, i32) {
    %c0_i32 = arith.constant 0 : i32
    %c0_i32_0 = arith.constant 0 : i32
    %c0_i32_1 = arith.constant 0 : i32
    return %c0_i32, %c0_i32_0 : i32, i32
  }
  func.func @transform_13(%arg0: i32) -> (i32, i32) {
    %c0_i32 = arith.constant 0 : i32
    %c0_i32_0 = arith.constant 0 : i32
    %c0_i32_1 = arith.constant 0 : i32
    return %c0_i32, %c0_i32_0 : i32, i32
  }
  func.func @transform_14(%arg0: i32) -> (i32, i32) {
    %c0_i32 = arith.constant 0 : i32
    %c0_i32_0 = arith.constant 0 : i32
    %c0_i32_1 = arith.constant 0 : i32
    return %c0_i32, %c0_i32_0 : i32, i32
  }
  func.func @transform_15(%arg0: i32) -> (i32, i32, i32) {
    %c0_i32 = arith.constant 0 : i32
    %c0_i32_0 = arith.constant 0 : i32
    %c0_i32_1 = arith.constant 0 : i32
    return %arg0, %c0_i32, %c0_i32_0 : i32, i32, i32
  }
}

module attributes {stable_mosaic.version = 14 : i64} {
  func.func @_a2t_body(%arg0: i32, %arg1: memref<1x56x128xf32, #tpu.memory_space<vmem>>, %arg2: memref<1x2800x128xf32, #tpu.memory_space<vmem>>, %arg3: memref<128x128xf32, #tpu.memory_space<vmem>>, %arg4: memref<1x128xf32, #tpu.memory_space<vmem>>, %arg5: memref<128x128xf32, #tpu.memory_space<vmem>>, %arg6: memref<1x128xf32, #tpu.memory_space<vmem>>, %arg7: memref<128x128xf32, #tpu.memory_space<vmem>>, %arg8: memref<1x128xf32, #tpu.memory_space<vmem>>, %arg9: memref<128x128xf32, #tpu.memory_space<vmem>>, %arg10: memref<128x128xf32, #tpu.memory_space<vmem>>, %arg11: memref<128x128xf32, #tpu.memory_space<vmem>>, %arg12: memref<1x128xf32, #tpu.memory_space<vmem>>, %arg13: memref<1x128xf32, #tpu.memory_space<vmem>>, %arg14: memref<1x128xf32, #tpu.memory_space<vmem>>, %arg15: memref<128x512xf32, #tpu.memory_space<vmem>>, %arg16: memref<1x512xf32, #tpu.memory_space<vmem>>, %arg17: memref<512x128xf32, #tpu.memory_space<vmem>>, %arg18: memref<1x128xf32, #tpu.memory_space<vmem>>, %arg19: memref<1x128xf32, #tpu.memory_space<vmem>>, %arg20: memref<1x128xf32, #tpu.memory_space<vmem>>, %arg21: memref<1x56x128xf32, #tpu.memory_space<vmem>>) attributes {dimension_semantics = [#tpu.dimension_semantics<arbitrary>], iteration_bounds = array<i64: 32>, scalar_prefetch = 0 : i64, scratch_operands = 0 : i64, tpu.core_type = #tpu.core_type<tc>, window_params = [{transform_indices = @transform_0, window_bounds = array<i64: 1, 56, 128>}, {transform_indices = @transform_1, window_bounds = array<i64: 1, 2800, 128>}, {pipeline_mode = #tpu.pipeline_mode<synchronous>, transform_indices = @transform_2, window_bounds = array<i64: 128, 128>}, {pipeline_mode = #tpu.pipeline_mode<synchronous>, transform_indices = @transform_3, window_bounds = array<i64: 1, 128>}, {pipeline_mode = #tpu.pipeline_mode<synchronous>, transform_indices = @transform_4, window_bounds = array<i64: 128, 128>}, {pipeline_mode = #tpu.pipeline_mode<synchronous>, transform_indices = @transform_5, window_bounds = array<i64: 1, 128>}, {pipeline_mode = #tpu.pipeline_mode<synchronous>, transform_indices = @transform_6, window_bounds = array<i64: 128, 128>}, {pipeline_mode = #tpu.pipeline_mode<synchronous>, transform_indices = @transform_7, window_bounds = array<i64: 1, 128>}, {pipeline_mode = #tpu.pipeline_mode<synchronous>, transform_indices = @transform_8, window_bounds = array<i64: 128, 128>}, {pipeline_mode = #tpu.pipeline_mode<synchronous>, transform_indices = @transform_9, window_bounds = array<i64: 128, 128>}, {pipeline_mode = #tpu.pipeline_mode<synchronous>, transform_indices = @transform_10, window_bounds = array<i64: 128, 128>}, {pipeline_mode = #tpu.pipeline_mode<synchronous>, transform_indices = @transform_11, window_bounds = array<i64: 1, 128>}, {pipeline_mode = #tpu.pipeline_mode<synchronous>, transform_indices = @transform_12, window_bounds = array<i64: 1, 128>}, {pipeline_mode = #tpu.pipeline_mode<synchronous>, transform_indices = @transform_13, window_bounds = array<i64: 1, 128>}, {pipeline_mode = #tpu.pipeline_mode<synchronous>, transform_indices = @transform_14, window_bounds = array<i64: 128, 512>}, {pipeline_mode = #tpu.pipeline_mode<synchronous>, transform_indices = @transform_15, window_bounds = array<i64: 1, 512>}, {pipeline_mode = #tpu.pipeline_mode<synchronous>, transform_indices = @transform_16, window_bounds = array<i64: 512, 128>}, {pipeline_mode = #tpu.pipeline_mode<synchronous>, transform_indices = @transform_17, window_bounds = array<i64: 1, 128>}, {pipeline_mode = #tpu.pipeline_mode<synchronous>, transform_indices = @transform_18, window_bounds = array<i64: 1, 128>}, {pipeline_mode = #tpu.pipeline_mode<synchronous>, transform_indices = @transform_19, window_bounds = array<i64: 1, 128>}, {transform_indices = @transform_20, window_bounds = array<i64: 1, 56, 128>}]} {
    %iota3A = tpu.iota {dimensions = array<i32: 0>} : vector<128x8xi32>
    %iota3A_0 = tpu.iota {dimensions = array<i32: 1>} : vector<128x8xi32>
    %jit3A = arith.constant 16 : i32
    %div3A = vector.broadcast %jit3A : i32 to vector<128x8xi32>
    %div3A_1 = arith.divsi %iota3A, %div3A : vector<128x8xi32>
    %sign3A = arith.constant 0 : i32
    %sign3A_2 = vector.broadcast %sign3A : i32 to vector<128x8xi32>
    %sign3A_3 = arith.cmpi sgt, %iota3A, %sign3A_2 : vector<128x8xi32>
    %sign3A_4 = arith.extui %sign3A_3 : vector<128x8xi1> to vector<128x8xi32>
    %sign3A_5 = arith.constant 0 : i32
    %sign3A_6 = vector.broadcast %sign3A_5 : i32 to vector<128x8xi32>
    %sign3A_7 = arith.cmpi slt, %iota3A, %sign3A_6 : vector<128x8xi32>
    %sign3A_8 = arith.extui %sign3A_7 : vector<128x8xi1> to vector<128x8xi32>
    %sign3A_9 = arith.subi %sign3A_4, %sign3A_8 : vector<128x8xi32>
    %sign3A_10 = arith.constant 0 : i32
    %sign3A_11 = arith.cmpi sgt, %jit3A, %sign3A_10 : i32
    %sign3A_12 = arith.extui %sign3A_11 : i1 to i32
    %sign3A_13 = arith.constant 0 : i32
    %sign3A_14 = arith.cmpi slt, %jit3A, %sign3A_13 : i32
    %sign3A_15 = arith.extui %sign3A_14 : i1 to i32
    %sign3A_16 = arith.subi %sign3A_12, %sign3A_15 : i32
    %ne3A = vector.broadcast %sign3A_16 : i32 to vector<128x8xi32>
    %ne3A_17 = arith.cmpi ne, %sign3A_9, %ne3A : vector<128x8xi32>
    %rem3A = vector.broadcast %jit3A : i32 to vector<128x8xi32>
    %rem3A_18 = arith.remsi %iota3A, %rem3A : vector<128x8xi32>
    %ne3A_19 = arith.constant 0 : i32
    %ne3A_20 = vector.broadcast %ne3A_19 : i32 to vector<128x8xi32>
    %ne3A_21 = arith.cmpi ne, %rem3A_18, %ne3A_20 : vector<128x8xi32>
    %and3A = arith.andi %ne3A_17, %ne3A_21 : vector<128x8xi1>
    %sub3A = arith.constant 1 : i32
    %sub3A_22 = vector.broadcast %sub3A : i32 to vector<128x8xi32>
    %sub3A_23 = arith.subi %div3A_1, %sub3A_22 : vector<128x8xi32>
    %select_n3A = arith.select %and3A, %sub3A_23, %div3A_1 : vector<128x8xi1>, vector<128x8xi32>
    %eq3A = arith.cmpi eq, %select_n3A, %iota3A_0 : vector<128x8xi32>
    %convert_element_type3A = arith.extui %eq3A : vector<128x8xi1> to vector<128x8xi32>
    %convert_element_type3A_24 = arith.sitofp %convert_element_type3A : vector<128x8xi32> to vector<128x8xf32>
    %get3A = arith.constant 0 : index
    %get3A_25 = arith.constant 0 : index
    %get3A_26 = arith.constant 0 : index
    %get3A_27 = vector.load %arg1[%get3A, %get3A_25, %get3A_26] : memref<1x56x128xf32, #tpu.memory_space<vmem>>, vector<1x56x128xf32>
    %get3A_28 = vector.shape_cast %get3A_27 : vector<1x56x128xf32> to vector<56x128xf32>
    %get3A_29 = arith.constant 0 : index
    %get3A_30 = arith.constant 0 : index
    %get3A_31 = vector.load %arg3[%get3A_29, %get3A_30] : memref<128x128xf32, #tpu.memory_space<vmem>>, vector<128x128xf32>
    %dot_general3A = arith.constant dense<0.000000e+00> : vector<56x128xf32>
    %dot_general3A_32 = tpu.matmul %get3A_28, %get3A_31, %dot_general3A {dimension_numbers = #tpu.dot_dimension_numbers<[1], [0], [0], [1], [0, 0, 1, 1], [], []>, transpose_lhs_hint = false} : vector<56x128xf32>, vector<128x128xf32>, vector<56x128xf32> -> vector<56x128xf32>
    %get3A_33 = arith.constant 0 : index
    %get3A_34 = arith.constant 0 : index
    %get3A_35 = vector.load %arg4[%get3A_33, %get3A_34] : memref<1x128xf32, #tpu.memory_space<vmem>>, vector<1x128xf32>
    %add3A = vector.broadcast %get3A_35 : vector<1x128xf32> to vector<56x128xf32>
    %add3A_36 = arith.addf %dot_general3A_32, %add3A : vector<56x128xf32>
    %get3A_37 = arith.constant 0 : index
    %get3A_38 = arith.constant 0 : index
    %get3A_39 = vector.load %arg5[%get3A_37, %get3A_38] : memref<128x128xf32, #tpu.memory_space<vmem>>, vector<128x128xf32>
    %dot_general3A_40 = arith.constant dense<0.000000e+00> : vector<56x128xf32>
    %dot_general3A_41 = tpu.matmul %get3A_28, %get3A_39, %dot_general3A_40 {dimension_numbers = #tpu.dot_dimension_numbers<[1], [0], [0], [1], [0, 0, 1, 1], [], []>, transpose_lhs_hint = false} : vector<56x128xf32>, vector<128x128xf32>, vector<56x128xf32> -> vector<56x128xf32>
    %get3A_42 = arith.constant 0 : index
    %get3A_43 = arith.constant 0 : index
    %get3A_44 = vector.load %arg6[%get3A_42, %get3A_43] : memref<1x128xf32, #tpu.memory_space<vmem>>, vector<1x128xf32>
    %add3A_45 = vector.broadcast %get3A_44 : vector<1x128xf32> to vector<56x128xf32>
    %add3A_46 = arith.addf %dot_general3A_41, %add3A_45 : vector<56x128xf32>
    %get3A_47 = arith.constant 0 : index
    %get3A_48 = arith.constant 0 : index
    %get3A_49 = vector.load %arg7[%get3A_47, %get3A_48] : memref<128x128xf32, #tpu.memory_space<vmem>>, vector<128x128xf32>
    %dot_general3A_50 = arith.constant dense<0.000000e+00> : vector<56x128xf32>
    %dot_general3A_51 = tpu.matmul %get3A_28, %get3A_49, %dot_general3A_50 {dimension_numbers = #tpu.dot_dimension_numbers<[1], [0], [0], [1], [0, 0, 1, 1], [], []>, transpose_lhs_hint = false} : vector<56x128xf32>, vector<128x128xf32>, vector<56x128xf32> -> vector<56x128xf32>
    %get3A_52 = arith.constant 0 : index
    %get3A_53 = arith.constant 0 : index
    %get3A_54 = vector.load %arg8[%get3A_52, %get3A_53] : memref<1x128xf32, #tpu.memory_space<vmem>>, vector<1x128xf32>
    %add3A_55 = vector.broadcast %get3A_54 : vector<1x128xf32> to vector<56x128xf32>
    %add3A_56 = arith.addf %dot_general3A_51, %add3A_55 : vector<56x128xf32>
    %get3A_57 = arith.constant 0 : index
    %get3A_58 = arith.constant 0 : index
    %get3A_59 = arith.constant 0 : index
    %get3A_60 = vector.load %arg2[%get3A_57, %get3A_58, %get3A_59] : memref<1x2800x128xf32, #tpu.memory_space<vmem>>, vector<1x2800x128xf32>
    %get3A_61 = vector.shape_cast %get3A_60 : vector<1x2800x128xf32> to vector<2800x128xf32>
    %get3A_62 = arith.constant 0 : index
    %get3A_63 = arith.constant 0 : index
    %get3A_64 = vector.load %arg9[%get3A_62, %get3A_63] : memref<128x128xf32, #tpu.memory_space<vmem>>, vector<128x128xf32>
    %dot_general3A_65 = arith.constant dense<0.000000e+00> : vector<2800x128xf32>
    %dot_general3A_66 = tpu.matmul %get3A_61, %get3A_64, %dot_general3A_65 {dimension_numbers = #tpu.dot_dimension_numbers<[1], [0], [0], [1], [0, 0, 1, 1], [], []>, transpose_lhs_hint = false} : vector<2800x128xf32>, vector<128x128xf32>, vector<2800x128xf32> -> vector<2800x128xf32>
    %reshape3A = vector.shape_cast %dot_general3A_66 : vector<2800x128xf32> to vector<50x56x128xf32>
    %get3A_67 = arith.constant 0 : index
    %get3A_68 = arith.constant 0 : index
    %get3A_69 = vector.load %arg10[%get3A_67, %get3A_68] : memref<128x128xf32, #tpu.memory_space<vmem>>, vector<128x128xf32>
    %dot_general3A_70 = arith.constant dense<0.000000e+00> : vector<2800x128xf32>
    %dot_general3A_71 = tpu.matmul %get3A_61, %get3A_69, %dot_general3A_70 {dimension_numbers = #tpu.dot_dimension_numbers<[1], [0], [0], [1], [0, 0, 1, 1], [], []>, transpose_lhs_hint = false} : vector<2800x128xf32>, vector<128x128xf32>, vector<2800x128xf32> -> vector<2800x128xf32>
    %reshape3A_72 = vector.shape_cast %dot_general3A_71 : vector<2800x128xf32> to vector<50x56x128xf32>
    %broadcast_in_dim3A = vector.shape_cast %add3A_46 : vector<56x128xf32> to vector<1x56x128xf32>
    %add3A_73 = vector.broadcast %broadcast_in_dim3A : vector<1x56x128xf32> to vector<50x56x128xf32>
    %add3A_74 = arith.addf %reshape3A, %add3A_73 : vector<50x56x128xf32>
    %broadcast_in_dim3A_75 = vector.shape_cast %add3A_56 : vector<56x128xf32> to vector<1x56x128xf32>
    %add3A_76 = vector.broadcast %broadcast_in_dim3A_75 : vector<1x56x128xf32> to vector<50x56x128xf32>
    %add3A_77 = arith.addf %reshape3A_72, %add3A_76 : vector<50x56x128xf32>
    %slice3A = vector.extract_strided_slice %add3A_36 {offsets = [0, 0], sizes = [50, 128], strides = [1, 1]} : vector<56x128xf32> to vector<50x128xf32>
    %broadcast_in_dim3A_78 = vector.shape_cast %slice3A : vector<50x128xf32> to vector<50x1x128xf32>
    %mul3A = vector.broadcast %broadcast_in_dim3A_78 : vector<50x1x128xf32> to vector<50x56x128xf32>
    %mul3A_79 = arith.mulf %mul3A, %add3A_74 : vector<50x56x128xf32>
    %reshape3A_80 = vector.shape_cast %mul3A_79 : vector<50x56x128xf32> to vector<2800x128xf32>
    %dot_general3A_81 = arith.constant dense<0.000000e+00> : vector<2800x8xf32>
    %dot_general3A_82 = tpu.matmul %reshape3A_80, %convert_element_type3A_24, %dot_general3A_81 {dimension_numbers = #tpu.dot_dimension_numbers<[1], [0], [0], [1], [0, 0, 1, 1], [], []>, transpose_lhs_hint = false} : vector<2800x128xf32>, vector<128x8xf32>, vector<2800x8xf32> -> vector<2800x8xf32>
    %reshape3A_83 = vector.shape_cast %dot_general3A_82 : vector<2800x8xf32> to vector<50x56x8xf32>
    %mul3A_84 = arith.constant 2.500000e-01 : f32
    %mul3A_85 = vector.broadcast %mul3A_84 : f32 to vector<50x56x8xf32>
    %mul3A_86 = arith.mulf %reshape3A_83, %mul3A_85 : vector<50x56x8xf32>
    %iota3A_87 = tpu.iota {dimensions = array<i32: 1>} : vector<50x56x8xi32>
    %lt3A = arith.constant 50 : i32
    %lt3A_88 = vector.broadcast %lt3A : i32 to vector<50x56x8xi32>
    %lt3A_89 = arith.cmpi slt, %iota3A_87, %lt3A_88 : vector<50x56x8xi32>
    %jit3A_90 = arith.constant -1.000000e+30 : f32
    %broadcast_in_dim3A_91 = vector.broadcast %jit3A_90 : f32 to vector<50x56x8xf32>
    %select_n3A_92 = arith.select %lt3A_89, %mul3A_86, %broadcast_in_dim3A_91 : vector<50x56x8xi1>, vector<50x56x8xf32>
    %reduce_max3A = arith.constant dense<0xFF800000> : vector<50x8xf32>
    %reduce_max3A_93 = vector.multi_reduction <maximumf>, %select_n3A_92, %reduce_max3A [1] : vector<50x56x8xf32> to vector<50x8xf32>
    %broadcast_in_dim3A_94 = vector.shape_cast %reduce_max3A_93 : vector<50x8xf32> to vector<50x1x8xf32>
    %sub3A_95 = vector.broadcast %broadcast_in_dim3A_94 : vector<50x1x8xf32> to vector<50x56x8xf32>
    %sub3A_96 = arith.subf %select_n3A_92, %sub3A_95 : vector<50x56x8xf32>
    %exp3A = math.exp %sub3A_96 : vector<50x56x8xf32>
    %reduce_sum3A = arith.constant dense<0.000000e+00> : vector<50x8xf32>
    %reduce_sum3A_97 = vector.multi_reduction <add>, %exp3A, %reduce_sum3A [1] : vector<50x56x8xf32> to vector<50x8xf32>
    %broadcast_in_dim3A_98 = vector.shape_cast %reduce_sum3A_97 : vector<50x8xf32> to vector<50x1x8xf32>
    %div3A_99 = vector.broadcast %broadcast_in_dim3A_98 : vector<50x1x8xf32> to vector<50x56x8xf32>
    %div3A_100 = arith.divf %exp3A, %div3A_99 : vector<50x56x8xf32>
    %reshape3A_101 = vector.shape_cast %div3A_100 : vector<50x56x8xf32> to vector<2800x8xf32>
    %transpose3A = tpu.transpose %convert_element_type3A_24, [1, 0] : vector<128x8xf32> -> vector<8x128xf32>
    %dot_general3A_102 = arith.constant dense<0.000000e+00> : vector<2800x128xf32>
    %dot_general3A_103 = tpu.matmul %reshape3A_101, %transpose3A, %dot_general3A_102 {dimension_numbers = #tpu.dot_dimension_numbers<[1], [0], [0], [1], [0, 0, 1, 1], [], []>, transpose_lhs_hint = false} : vector<2800x8xf32>, vector<8x128xf32>, vector<2800x128xf32> -> vector<2800x128xf32>
    %reshape3A_104 = vector.shape_cast %dot_general3A_103 : vector<2800x128xf32> to vector<50x56x128xf32>
    %mul3A_105 = arith.mulf %reshape3A_104, %add3A_77 : vector<50x56x128xf32>
    %reduce_sum3A_106 = arith.constant dense<0.000000e+00> : vector<50x128xf32>
    %reduce_sum3A_107 = vector.multi_reduction <add>, %mul3A_105, %reduce_sum3A_106 [1] : vector<50x56x128xf32> to vector<50x128xf32>
    %slice3A_108 = vector.extract_strided_slice %get3A_28 {offsets = [0, 0], sizes = [50, 128], strides = [1, 1]} : vector<56x128xf32> to vector<50x128xf32>
    %get3A_109 = arith.constant 0 : index
    %get3A_110 = arith.constant 0 : index
    %get3A_111 = vector.load %arg11[%get3A_109, %get3A_110] : memref<128x128xf32, #tpu.memory_space<vmem>>, vector<128x128xf32>
    %dot_general3A_112 = arith.constant dense<0.000000e+00> : vector<50x128xf32>
    %dot_general3A_113 = tpu.matmul %reduce_sum3A_107, %get3A_111, %dot_general3A_112 {dimension_numbers = #tpu.dot_dimension_numbers<[1], [0], [0], [1], [0, 0, 1, 1], [], []>, transpose_lhs_hint = false} : vector<50x128xf32>, vector<128x128xf32>, vector<50x128xf32> -> vector<50x128xf32>
    %add3A_114 = arith.addf %slice3A_108, %dot_general3A_113 : vector<50x128xf32>
    %get3A_115 = arith.constant 0 : index
    %get3A_116 = arith.constant 0 : index
    %get3A_117 = vector.load %arg12[%get3A_115, %get3A_116] : memref<1x128xf32, #tpu.memory_space<vmem>>, vector<1x128xf32>
    %add3A_118 = vector.broadcast %get3A_117 : vector<1x128xf32> to vector<50x128xf32>
    %add3A_119 = arith.addf %add3A_114, %add3A_118 : vector<50x128xf32>
    %get3A_120 = arith.constant 0 : index
    %get3A_121 = arith.constant 0 : index
    %get3A_122 = vector.load %arg13[%get3A_120, %get3A_121] : memref<1x128xf32, #tpu.memory_space<vmem>>, vector<1x128xf32>
    %get3A_123 = arith.constant 0 : index
    %get3A_124 = arith.constant 0 : index
    %get3A_125 = vector.load %arg14[%get3A_123, %get3A_124] : memref<1x128xf32, #tpu.memory_space<vmem>>, vector<1x128xf32>
    %reduce_sum3A_126 = arith.constant dense<0.000000e+00> : vector<50xf32>
    %reduce_sum3A_127 = vector.multi_reduction <add>, %add3A_119, %reduce_sum3A_126 [1] : vector<50x128xf32> to vector<50xf32>
    %broadcast_in_dim3A_128 = vector.shape_cast %reduce_sum3A_127 : vector<50xf32> to vector<50x1xf32>
    %div3A_129 = arith.constant 1.280000e+02 : f32
    %div3A_130 = vector.broadcast %div3A_129 : f32 to vector<50x1xf32>
    %div3A_131 = arith.divf %broadcast_in_dim3A_128, %div3A_130 : vector<50x1xf32>
    %sub3A_132 = vector.broadcast %div3A_131 : vector<50x1xf32> to vector<50x128xf32>
    %sub3A_133 = arith.subf %add3A_119, %sub3A_132 : vector<50x128xf32>
    %mul3A_134 = arith.mulf %sub3A_133, %sub3A_133 : vector<50x128xf32>
    %reduce_sum3A_135 = arith.constant dense<0.000000e+00> : vector<50xf32>
    %reduce_sum3A_136 = vector.multi_reduction <add>, %mul3A_134, %reduce_sum3A_135 [1] : vector<50x128xf32> to vector<50xf32>
    %broadcast_in_dim3A_137 = vector.shape_cast %reduce_sum3A_136 : vector<50xf32> to vector<50x1xf32>
    %div3A_138 = arith.constant 1.280000e+02 : f32
    %div3A_139 = vector.broadcast %div3A_138 : f32 to vector<50x1xf32>
    %div3A_140 = arith.divf %broadcast_in_dim3A_137, %div3A_139 : vector<50x1xf32>
    %add3A_141 = arith.constant 9.99999974E-6 : f32
    %add3A_142 = vector.broadcast %add3A_141 : f32 to vector<50x1xf32>
    %add3A_143 = arith.addf %div3A_140, %add3A_142 : vector<50x1xf32>
    %rsqrt3A = math.rsqrt %add3A_143 : vector<50x1xf32>
    %mul3A_144 = vector.broadcast %rsqrt3A : vector<50x1xf32> to vector<50x128xf32>
    %mul3A_145 = arith.mulf %sub3A_133, %mul3A_144 : vector<50x128xf32>
    %mul3A_146 = vector.broadcast %get3A_122 : vector<1x128xf32> to vector<50x128xf32>
    %mul3A_147 = arith.mulf %mul3A_145, %mul3A_146 : vector<50x128xf32>
    %add3A_148 = vector.broadcast %get3A_125 : vector<1x128xf32> to vector<50x128xf32>
    %add3A_149 = arith.addf %mul3A_147, %add3A_148 : vector<50x128xf32>
    %get3A_150 = arith.constant 0 : index
    %get3A_151 = arith.constant 0 : index
    %get3A_152 = vector.load %arg15[%get3A_150, %get3A_151] : memref<128x512xf32, #tpu.memory_space<vmem>>, vector<128x512xf32>
    %dot_general3A_153 = arith.constant dense<0.000000e+00> : vector<50x512xf32>
    %dot_general3A_154 = tpu.matmul %add3A_149, %get3A_152, %dot_general3A_153 {dimension_numbers = #tpu.dot_dimension_numbers<[1], [0], [0], [1], [0, 0, 1, 1], [], []>, transpose_lhs_hint = false} : vector<50x128xf32>, vector<128x512xf32>, vector<50x512xf32> -> vector<50x512xf32>
    %get3A_155 = arith.constant 0 : index
    %get3A_156 = arith.constant 0 : index
    %get3A_157 = vector.load %arg16[%get3A_155, %get3A_156] : memref<1x512xf32, #tpu.memory_space<vmem>>, vector<1x512xf32>
    %add3A_158 = vector.broadcast %get3A_157 : vector<1x512xf32> to vector<50x512xf32>
    %add3A_159 = arith.addf %dot_general3A_154, %add3A_158 : vector<50x512xf32>
    %max3A = arith.constant 0.000000e+00 : f32
    %max3A_160 = vector.broadcast %max3A : f32 to vector<50x512xf32>
    %max3A_161 = arith.maximumf %add3A_159, %max3A_160 : vector<50x512xf32>
    %get3A_162 = arith.constant 0 : index
    %get3A_163 = arith.constant 0 : index
    %get3A_164 = vector.load %arg17[%get3A_162, %get3A_163] : memref<512x128xf32, #tpu.memory_space<vmem>>, vector<512x128xf32>
    %dot_general3A_165 = arith.constant dense<0.000000e+00> : vector<50x128xf32>
    %dot_general3A_166 = tpu.matmul %max3A_161, %get3A_164, %dot_general3A_165 {dimension_numbers = #tpu.dot_dimension_numbers<[1], [0], [0], [1], [0, 0, 1, 1], [], []>, transpose_lhs_hint = false} : vector<50x512xf32>, vector<512x128xf32>, vector<50x128xf32> -> vector<50x128xf32>
    %get3A_167 = arith.constant 0 : index
    %get3A_168 = arith.constant 0 : index
    %get3A_169 = vector.load %arg18[%get3A_167, %get3A_168] : memref<1x128xf32, #tpu.memory_space<vmem>>, vector<1x128xf32>
    %add3A_170 = vector.broadcast %get3A_169 : vector<1x128xf32> to vector<50x128xf32>
    %add3A_171 = arith.addf %dot_general3A_166, %add3A_170 : vector<50x128xf32>
    %add3A_172 = arith.addf %add3A_149, %add3A_171 : vector<50x128xf32>
    %get3A_173 = arith.constant 0 : index
    %get3A_174 = arith.constant 0 : index
    %get3A_175 = vector.load %arg19[%get3A_173, %get3A_174] : memref<1x128xf32, #tpu.memory_space<vmem>>, vector<1x128xf32>
    %get3A_176 = arith.constant 0 : index
    %get3A_177 = arith.constant 0 : index
    %get3A_178 = vector.load %arg20[%get3A_176, %get3A_177] : memref<1x128xf32, #tpu.memory_space<vmem>>, vector<1x128xf32>
    %reduce_sum3A_179 = arith.constant dense<0.000000e+00> : vector<50xf32>
    %reduce_sum3A_180 = vector.multi_reduction <add>, %add3A_172, %reduce_sum3A_179 [1] : vector<50x128xf32> to vector<50xf32>
    %broadcast_in_dim3A_181 = vector.shape_cast %reduce_sum3A_180 : vector<50xf32> to vector<50x1xf32>
    %div3A_182 = arith.constant 1.280000e+02 : f32
    %div3A_183 = vector.broadcast %div3A_182 : f32 to vector<50x1xf32>
    %div3A_184 = arith.divf %broadcast_in_dim3A_181, %div3A_183 : vector<50x1xf32>
    %sub3A_185 = vector.broadcast %div3A_184 : vector<50x1xf32> to vector<50x128xf32>
    %sub3A_186 = arith.subf %add3A_172, %sub3A_185 : vector<50x128xf32>
    %mul3A_187 = arith.mulf %sub3A_186, %sub3A_186 : vector<50x128xf32>
    %reduce_sum3A_188 = arith.constant dense<0.000000e+00> : vector<50xf32>
    %reduce_sum3A_189 = vector.multi_reduction <add>, %mul3A_187, %reduce_sum3A_188 [1] : vector<50x128xf32> to vector<50xf32>
    %broadcast_in_dim3A_190 = vector.shape_cast %reduce_sum3A_189 : vector<50xf32> to vector<50x1xf32>
    %div3A_191 = arith.constant 1.280000e+02 : f32
    %div3A_192 = vector.broadcast %div3A_191 : f32 to vector<50x1xf32>
    %div3A_193 = arith.divf %broadcast_in_dim3A_190, %div3A_192 : vector<50x1xf32>
    %add3A_194 = arith.constant 9.99999974E-6 : f32
    %add3A_195 = vector.broadcast %add3A_194 : f32 to vector<50x1xf32>
    %add3A_196 = arith.addf %div3A_193, %add3A_195 : vector<50x1xf32>
    %rsqrt3A_197 = math.rsqrt %add3A_196 : vector<50x1xf32>
    %mul3A_198 = vector.broadcast %rsqrt3A_197 : vector<50x1xf32> to vector<50x128xf32>
    %mul3A_199 = arith.mulf %sub3A_186, %mul3A_198 : vector<50x128xf32>
    %mul3A_200 = vector.broadcast %get3A_175 : vector<1x128xf32> to vector<50x128xf32>
    %mul3A_201 = arith.mulf %mul3A_199, %mul3A_200 : vector<50x128xf32>
    %add3A_202 = vector.broadcast %get3A_178 : vector<1x128xf32> to vector<50x128xf32>
    %add3A_203 = arith.addf %mul3A_201, %add3A_202 : vector<50x128xf32>
    %swap3A = arith.constant 0 : index
    %swap3A_204 = arith.constant 0 : index
    %swap3A_205 = arith.constant 0 : index
    %swap3A_206 = vector.load %arg21[%swap3A, %swap3A_204, %swap3A_205] : memref<1x56x128xf32, #tpu.memory_space<vmem>>, vector<1x50x128xf32>
    %swap3A_207 = vector.shape_cast %swap3A_206 : vector<1x50x128xf32> to vector<50x128xf32>
    %swap3A_208 = vector.shape_cast %add3A_203 : vector<50x128xf32> to vector<1x50x128xf32>
    tpu.vector_store %arg21[%swap3A, %swap3A_204, %swap3A_205], %swap3A_208 {strides = array<i32>} : memref<1x56x128xf32, #tpu.memory_space<vmem>>, vector<1x50x128xf32>,
    return
  }
  func.func @transform_0(%arg0: i32) -> (i32, i32, i32) {
    %c0_i32 = arith.constant 0 : i32
    %c0_i32_0 = arith.constant 0 : i32
    %c0_i32_1 = arith.constant 0 : i32
    return %arg0, %c0_i32, %c0_i32_0 : i32, i32, i32
  }
  func.func @transform_1(%arg0: i32) -> (i32, i32, i32) {
    %c0_i32 = arith.constant 0 : i32
    %c0_i32_0 = arith.constant 0 : i32
    %c0_i32_1 = arith.constant 0 : i32
    return %arg0, %c0_i32, %c0_i32_0 : i32, i32, i32
  }
  func.func @transform_2(%arg0: i32) -> (i32, i32) {
    %c0_i32 = arith.constant 0 : i32
    %c0_i32_0 = arith.constant 0 : i32
    %c0_i32_1 = arith.constant 0 : i32
    return %c0_i32, %c0_i32_0 : i32, i32
  }
  func.func @transform_3(%arg0: i32) -> (i32, i32) {
    %c0_i32 = arith.constant 0 : i32
    %c0_i32_0 = arith.constant 0 : i32
    %c0_i32_1 = arith.constant 0 : i32
    return %c0_i32, %c0_i32_0 : i32, i32
  }
  func.func @transform_4(%arg0: i32) -> (i32, i32) {
    %c0_i32 = arith.constant 0 : i32
    %c0_i32_0 = arith.constant 0 : i32
    %c0_i32_1 = arith.constant 0 : i32
    return %c0_i32, %c0_i32_0 : i32, i32
  }
  func.func @transform_5(%arg0: i32) -> (i32, i32) {
    %c0_i32 = arith.constant 0 : i32
    %c0_i32_0 = arith.constant 0 : i32
    %c0_i32_1 = arith.constant 0 : i32
    return %c0_i32, %c0_i32_0 : i32, i32
  }
  func.func @transform_6(%arg0: i32) -> (i32, i32) {
    %c0_i32 = arith.constant 0 : i32
    %c0_i32_0 = arith.constant 0 : i32
    %c0_i32_1 = arith.constant 0 : i32
    return %c0_i32, %c0_i32_0 : i32, i32
  }
  func.func @transform_7(%arg0: i32) -> (i32, i32) {
    %c0_i32 = arith.constant 0 : i32
    %c0_i32_0 = arith.constant 0 : i32
    %c0_i32_1 = arith.constant 0 : i32
    return %c0_i32, %c0_i32_0 : i32, i32
  }
  func.func @transform_8(%arg0: i32) -> (i32, i32) {
    %c0_i32 = arith.constant 0 : i32
    %c0_i32_0 = arith.constant 0 : i32
    %c0_i32_1 = arith.constant 0 : i32
    return %c0_i32, %c0_i32_0 : i32, i32
  }
  func.func @transform_9(%arg0: i32) -> (i32, i32) {
    %c0_i32 = arith.constant 0 : i32
    %c0_i32_0 = arith.constant 0 : i32
    %c0_i32_1 = arith.constant 0 : i32
    return %c0_i32, %c0_i32_0 : i32, i32
  }
  func.func @transform_10(%arg0: i32) -> (i32, i32) {
    %c0_i32 = arith.constant 0 : i32
    %c0_i32_0 = arith.constant 0 : i32
    %c0_i32_1 = arith.constant 0 : i32
    return %c0_i32, %c0_i32_0 : i32, i32
  }
  func.func @transform_11(%arg0: i32) -> (i32, i32) {
    %c0_i32 = arith.constant 0 : i32
    %c0_i32_0 = arith.constant 0 : i32
    %c0_i32_1 = arith.constant 0 : i32
    return %c0_i32, %c0_i32_0 : i32, i32
  }
  func.func @transform_12(%arg0: i32) -> (i32, i32) {
    %c0_i32 = arith.constant 0 : i32
    %c0_i32_0 = arith.constant 0 : i32
    %c0_i32_1 = arith.constant 0 : i32
    return %c0_i32, %c0_i32_0 : i32, i32
  }
  func.func @transform_13(%arg0: i32) -> (i32, i32) {
    %c0_i32 = arith.constant 0 : i32
    %c0_i32_0 = arith.constant 0 : i32
    %c0_i32_1 = arith.constant 0 : i32
    return %c0_i32, %c0_i32_0 : i32, i32
  }
  func.func @transform_14(%arg0: i32) -> (i32, i32) {
    %c0_i32 = arith.constant 0 : i32
    %c0_i32_0 = arith.constant 0 : i32
    %c0_i32_1 = arith.constant 0 : i32
    return %c0_i32, %c0_i32_0 : i32, i32
  }
  func.func @transform_15(%arg0: i32) -> (i32, i32) {
    %c0_i32 = arith.constant 0 : i32
    %c0_i32_0 = arith.constant 0 : i32
    %c0_i32_1 = arith.constant 0 : i32
    return %c0_i32, %c0_i32_0 : i32, i32
  }
  func.func @transform_16(%arg0: i32) -> (i32, i32) {
    %c0_i32 = arith.constant 0 : i32
    %c0_i32_0 = arith.constant 0 : i32
    %c0_i32_1 = arith.constant 0 : i32
    return %c0_i32, %c0_i32_0 : i32, i32
  }
  func.func @transform_17(%arg0: i32) -> (i32, i32) {
    %c0_i32 = arith.constant 0 : i32
    %c0_i32_0 = arith.constant 0 : i32
    %c0_i32_1 = arith.constant 0 : i32
    return %c0_i32, %c0_i32_0 : i32, i32
  }
  func.func @transform_18(%arg0: i32) -> (i32, i32) {
    %c0_i32 = arith.constant 0 : i32
    %c0_i32_0 = arith.constant 0 : i32
    %c0_i32_1 = arith.constant 0 : i32
    return %c0_i32, %c0_i32_0 : i32, i32
  }
  func.func @transform_19(%arg0: i32) -> (i32, i32) {
    %c0_i32 = arith.constant 0 : i32
    %c0_i32_0 = arith.constant 0 : i32
    %c0_i32_1 = arith.constant 0 : i32
    return %c0_i32, %c0_i32_0 : i32, i32
  }
  func.func @transform_20(%arg0: i32) -> (i32, i32, i32) {
    %c0_i32 = arith.constant 0 : i32
    %c0_i32_0 = arith.constant 0 : i32
    %c0_i32_1 = arith.constant 0 : i32
    return %arg0, %c0_i32, %c0_i32_0 : i32, i32, i32
  }
}

module attributes {stable_mosaic.version = 14 : i64} {
  func.func @_a2s_body(%arg0: i32, %arg1: memref<1x32x128xf32, #tpu.memory_space<vmem>>, %arg2: memref<64x128xf32, #tpu.memory_space<vmem>>, %arg3: memref<1x32x16xi32, #tpu.memory_space<vmem>>, %arg4: memref<1x512x128xf32, #tpu.memory_space<vmem>>, %arg5: memref<1x32x16xi32, #tpu.memory_space<vmem>>, %arg6: memref<1x512x128xf32, #tpu.memory_space<vmem>>, %arg7: memref<128x128xf32, #tpu.memory_space<vmem>>, %arg8: memref<1x128xf32, #tpu.memory_space<vmem>>, %arg9: memref<128x128xf32, #tpu.memory_space<vmem>>, %arg10: memref<1x128xf32, #tpu.memory_space<vmem>>, %arg11: memref<128x128xf32, #tpu.memory_space<vmem>>, %arg12: memref<1x128xf32, #tpu.memory_space<vmem>>, %arg13: memref<128x128xf32, #tpu.memory_space<vmem>>, %arg14: memref<128x128xf32, #tpu.memory_space<vmem>>, %arg15: memref<128x128xf32, #tpu.memory_space<vmem>>, %arg16: memref<1x128xf32, #tpu.memory_space<vmem>>, %arg17: memref<1x128xf32, #tpu.memory_space<vmem>>, %arg18: memref<1x128xf32, #tpu.memory_space<vmem>>, %arg19: memref<128x512xf32, #tpu.memory_space<vmem>>, %arg20: memref<1x512xf32, #tpu.memory_space<vmem>>, %arg21: memref<512x128xf32, #tpu.memory_space<vmem>>, %arg22: memref<1x128xf32, #tpu.memory_space<vmem>>, %arg23: memref<1x128xf32, #tpu.memory_space<vmem>>, %arg24: memref<1x128xf32, #tpu.memory_space<vmem>>, %arg25: memref<128x128xf32, #tpu.memory_space<vmem>>, %arg26: memref<1x128xf32, #tpu.memory_space<vmem>>, %arg27: memref<128x128xf32, #tpu.memory_space<vmem>>, %arg28: memref<1x128xf32, #tpu.memory_space<vmem>>, %arg29: memref<128x128xf32, #tpu.memory_space<vmem>>, %arg30: memref<1x128xf32, #tpu.memory_space<vmem>>, %arg31: memref<128x128xf32, #tpu.memory_space<vmem>>, %arg32: memref<128x128xf32, #tpu.memory_space<vmem>>, %arg33: memref<128x128xf32, #tpu.memory_space<vmem>>, %arg34: memref<1x128xf32, #tpu.memory_space<vmem>>, %arg35: memref<1x128xf32, #tpu.memory_space<vmem>>, %arg36: memref<1x128xf32, #tpu.memory_space<vmem>>, %arg37: memref<128x512xf32, #tpu.memory_space<vmem>>, %arg38: memref<1x512xf32, #tpu.memory_space<vmem>>, %arg39: memref<512x128xf32, #tpu.memory_space<vmem>>, %arg40: memref<1x128xf32, #tpu.memory_space<vmem>>, %arg41: memref<1x128xf32, #tpu.memory_space<vmem>>, %arg42: memref<1x128xf32, #tpu.memory_space<vmem>>, %arg43: memref<1x32x128xf32, #tpu.memory_space<vmem>>) attributes {dimension_semantics = [#tpu.dimension_semantics<arbitrary>], iteration_bounds = array<i64: 50>, scalar_prefetch = 0 : i64, scratch_operands = 0 : i64, tpu.core_type = #tpu.core_type<tc>, window_params = [{transform_indices = @transform_0, window_bounds = array<i64: 1, 32, 128>}, {pipeline_mode = #tpu.pipeline_mode<synchronous>, transform_indices = @transform_1, window_bounds = array<i64: 64, 128>}, {transform_indices = @transform_2, window_bounds = array<i64: 1, 32, 16>}, {transform_indices = @transform_3, window_bounds = array<i64: 1, 512, 128>}, {transform_indices = @transform_4, window_bounds = array<i64: 1, 32, 16>}, {transform_indices = @transform_5, window_bounds = array<i64: 1, 512, 128>}, {pipeline_mode = #tpu.pipeline_mode<synchronous>, transform_indices = @transform_6, window_bounds = array<i64: 128, 128>}, {pipeline_mode = #tpu.pipeline_mode<synchronous>, transform_indices = @transform_7, window_bounds = array<i64: 1, 128>}, {pipeline_mode = #tpu.pipeline_mode<synchronous>, transform_indices = @transform_8, window_bounds = array<i64: 128, 128>}, {pipeline_mode = #tpu.pipeline_mode<synchronous>, transform_indices = @transform_9, window_bounds = array<i64: 1, 128>}, {pipeline_mode = #tpu.pipeline_mode<synchronous>, transform_indices = @transform_10, window_bounds = array<i64: 128, 128>}, {pipeline_mode = #tpu.pipeline_mode<synchronous>, transform_indices = @transform_11, window_bounds = array<i64: 1, 128>}, {pipeline_mode = #tpu.pipeline_mode<synchronous>, transform_indices = @transform_12, window_bounds = array<i64: 128, 128>}, {pipeline_mode = #tpu.pipeline_mode<synchronous>, transform_indices = @transform_13, window_bounds = array<i64: 128, 128>}, {pipeline_mode = #tpu.pipeline_mode<synchronous>, transform_indices = @transform_14, window_bounds = array<i64: 128, 128>}, {pipeline_mode = #tpu.pipeline_mode<synchronous>, transform_indices = @transform_15, window_bounds = array<i64: 1, 128>}, {pipeline_mode = #tpu.pipeline_mode<synchronous>, transform_indices = @transform_16, window_bounds = array<i64: 1, 128>}, {pipeline_mode = #tpu.pipeline_mode<synchronous>, transform_indices = @transform_17, window_bounds = array<i64: 1, 128>}, {pipeline_mode = #tpu.pipeline_mode<synchronous>, transform_indices = @transform_18, window_bounds = array<i64: 128, 512>}, {pipeline_mode = #tpu.pipeline_mode<synchronous>, transform_indices = @transform_19, window_bounds = array<i64: 1, 512>}, {pipeline_mode = #tpu.pipeline_mode<synchronous>, transform_indices = @transform_20, window_bounds = array<i64: 512, 128>}, {pipeline_mode = #tpu.pipeline_mode<synchronous>, transform_indices = @transform_21, window_bounds = array<i64: 1, 128>}, {pipeline_mode = #tpu.pipeline_mode<synchronous>, transform_indices = @transform_22, window_bounds = array<i64: 1, 128>}, {pipeline_mode = #tpu.pipeline_mode<synchronous>, transform_indices = @transform_23, window_bounds = array<i64: 1, 128>}, {pipeline_mode = #tpu.pipeline_mode<synchronous>, transform_indices = @transform_24, window_bounds = array<i64: 128, 128>}, {pipeline_mode = #tpu.pipeline_mode<synchronous>, transform_indices = @transform_25, window_bounds = array<i64: 1, 128>}, {pipeline_mode = #tpu.pipeline_mode<synchronous>, transform_indices = @transform_26, window_bounds = array<i64: 128, 128>}, {pipeline_mode = #tpu.pipeline_mode<synchronous>, transform_indices = @transform_27, window_bounds = array<i64: 1, 128>}, {pipeline_mode = #tpu.pipeline_mode<synchronous>, transform_indices = @transform_28, window_bounds = array<i64: 128, 128>}, {pipeline_mode = #tpu.pipeline_mode<synchronous>, transform_indices = @transform_29, window_bounds = array<i64: 1, 128>}, {pipeline_mode = #tpu.pipeline_mode<synchronous>, transform_indices = @transform_30, window_bounds = array<i64: 128, 128>}, {pipeline_mode = #tpu.pipeline_mode<synchronous>, transform_indices = @transform_31, window_bounds = array<i64: 128, 128>}, {pipeline_mode = #tpu.pipeline_mode<synchronous>, transform_indices = @transform_32, window_bounds = array<i64: 128, 128>}, {pipeline_mode = #tpu.pipeline_mode<synchronous>, transform_indices = @transform_33, window_bounds = array<i64: 1, 128>}, {pipeline_mode = #tpu.pipeline_mode<synchronous>, transform_indices = @transform_34, window_bounds = array<i64: 1, 128>}, {pipeline_mode = #tpu.pipeline_mode<synchronous>, transform_indices = @transform_35, window_bounds = array<i64: 1, 128>}, {pipeline_mode = #tpu.pipeline_mode<synchronous>, transform_indices = @transform_36, window_bounds = array<i64: 128, 512>}, {pipeline_mode = #tpu.pipeline_mode<synchronous>, transform_indices = @transform_37, window_bounds = array<i64: 1, 512>}, {pipeline_mode = #tpu.pipeline_mode<synchronous>, transform_indices = @transform_38, window_bounds = array<i64: 512, 128>}, {pipeline_mode = #tpu.pipeline_mode<synchronous>, transform_indices = @transform_39, window_bounds = array<i64: 1, 128>}, {pipeline_mode = #tpu.pipeline_mode<synchronous>, transform_indices = @transform_40, window_bounds = array<i64: 1, 128>}, {pipeline_mode = #tpu.pipeline_mode<synchronous>, transform_indices = @transform_41, window_bounds = array<i64: 1, 128>}, {transform_indices = @transform_42, window_bounds = array<i64: 1, 32, 128>}]} {
    %iota3A = tpu.iota {dimensions = array<i32: 0>} : vector<128x8xi32>
    %iota3A_0 = tpu.iota {dimensions = array<i32: 1>} : vector<128x8xi32>
    %jit3A = arith.constant 16 : i32
    %div3A = vector.broadcast %jit3A : i32 to vector<128x8xi32>
    %div3A_1 = arith.divsi %iota3A, %div3A : vector<128x8xi32>
    %sign3A = arith.constant 0 : i32
    %sign3A_2 = vector.broadcast %sign3A : i32 to vector<128x8xi32>
    %sign3A_3 = arith.cmpi sgt, %iota3A, %sign3A_2 : vector<128x8xi32>
    %sign3A_4 = arith.extui %sign3A_3 : vector<128x8xi1> to vector<128x8xi32>
    %sign3A_5 = arith.constant 0 : i32
    %sign3A_6 = vector.broadcast %sign3A_5 : i32 to vector<128x8xi32>
    %sign3A_7 = arith.cmpi slt, %iota3A, %sign3A_6 : vector<128x8xi32>
    %sign3A_8 = arith.extui %sign3A_7 : vector<128x8xi1> to vector<128x8xi32>
    %sign3A_9 = arith.subi %sign3A_4, %sign3A_8 : vector<128x8xi32>
    %sign3A_10 = arith.constant 0 : i32
    %sign3A_11 = arith.cmpi sgt, %jit3A, %sign3A_10 : i32
    %sign3A_12 = arith.extui %sign3A_11 : i1 to i32
    %sign3A_13 = arith.constant 0 : i32
    %sign3A_14 = arith.cmpi slt, %jit3A, %sign3A_13 : i32
    %sign3A_15 = arith.extui %sign3A_14 : i1 to i32
    %sign3A_16 = arith.subi %sign3A_12, %sign3A_15 : i32
    %ne3A = vector.broadcast %sign3A_16 : i32 to vector<128x8xi32>
    %ne3A_17 = arith.cmpi ne, %sign3A_9, %ne3A : vector<128x8xi32>
    %rem3A = vector.broadcast %jit3A : i32 to vector<128x8xi32>
    %rem3A_18 = arith.remsi %iota3A, %rem3A : vector<128x8xi32>
    %ne3A_19 = arith.constant 0 : i32
    %ne3A_20 = vector.broadcast %ne3A_19 : i32 to vector<128x8xi32>
    %ne3A_21 = arith.cmpi ne, %rem3A_18, %ne3A_20 : vector<128x8xi32>
    %and3A = arith.andi %ne3A_17, %ne3A_21 : vector<128x8xi1>
    %sub3A = arith.constant 1 : i32
    %sub3A_22 = vector.broadcast %sub3A : i32 to vector<128x8xi32>
    %sub3A_23 = arith.subi %div3A_1, %sub3A_22 : vector<128x8xi32>
    %select_n3A = arith.select %and3A, %sub3A_23, %div3A_1 : vector<128x8xi1>, vector<128x8xi32>
    %eq3A = arith.cmpi eq, %select_n3A, %iota3A_0 : vector<128x8xi32>
    %convert_element_type3A = arith.extui %eq3A : vector<128x8xi1> to vector<128x8xi32>
    %convert_element_type3A_24 = arith.sitofp %convert_element_type3A : vector<128x8xi32> to vector<128x8xf32>
    %get3A = arith.constant 0 : index
    %get3A_25 = arith.constant 0 : index
    %get3A_26 = arith.constant 0 : index
    %get3A_27 = vector.load %arg1[%get3A, %get3A_25, %get3A_26] : memref<1x32x128xf32, #tpu.memory_space<vmem>>, vector<1x32x128xf32>
    %get3A_28 = vector.shape_cast %get3A_27 : vector<1x32x128xf32> to vector<32x128xf32>
    %get3A_29 = arith.constant 0 : index
    %get3A_30 = arith.constant 0 : index
    %get3A_31 = vector.load %arg2[%get3A_29, %get3A_30] : memref<64x128xf32, #tpu.memory_space<vmem>>, vector<64x128xf32>
    %get3A_32 = arith.constant 0 : index
    %get3A_33 = arith.constant 0 : index
    %get3A_34 = arith.constant 0 : index
    %get3A_35 = vector.load %arg3[%get3A_32, %get3A_33, %get3A_34] : memref<1x32x16xi32, #tpu.memory_space<vmem>>, vector<1x32x16xi32>
    %get3A_36 = vector.shape_cast %get3A_35 : vector<1x32x16xi32> to vector<32x16xi32>
    %get3A_37 = arith.constant 0 : index
    %get3A_38 = arith.constant 0 : index
    %get3A_39 = arith.constant 0 : index
    %get3A_40 = vector.load %arg4[%get3A_37, %get3A_38, %get3A_39] : memref<1x512x128xf32, #tpu.memory_space<vmem>>, vector<1x512x128xf32>
    %get3A_41 = vector.shape_cast %get3A_40 : vector<1x512x128xf32> to vector<512x128xf32>
    %broadcast_in_dim3A = vector.shape_cast %get3A_36 : vector<32x16xi32> to vector<32x16x1xi32>
    %iota3A_42 = tpu.iota {dimensions = array<i32: 2>} : vector<32x16x64xi32>
    %eq3A_43 = vector.broadcast %broadcast_in_dim3A : vector<32x16x1xi32> to vector<32x16x64xi32>
    %eq3A_44 = arith.cmpi eq, %eq3A_43, %iota3A_42 : vector<32x16x64xi32>
    %convert_element_type3A_45 = arith.extui %eq3A_44 : vector<32x16x64xi1> to vector<32x16x64xi32>
    %convert_element_type3A_46 = arith.sitofp %convert_element_type3A_45 : vector<32x16x64xi32> to vector<32x16x64xf32>
    %reshape3A = vector.shape_cast %convert_element_type3A_46 : vector<32x16x64xf32> to vector<512x64xf32>
    %dot_general3A = arith.constant dense<0.000000e+00> : vector<512x128xf32>
    %dot_general3A_47 = tpu.matmul %reshape3A, %get3A_31, %dot_general3A {dimension_numbers = #tpu.dot_dimension_numbers<[1], [0], [0], [1], [0, 0, 1, 1], [], []>, transpose_lhs_hint = false} : vector<512x64xf32>, vector<64x128xf32>, vector<512x128xf32> -> vector<512x128xf32>
    %get3A_48 = arith.constant 0 : index
    %get3A_49 = arith.constant 0 : index
    %get3A_50 = vector.load %arg9[%get3A_48, %get3A_49] : memref<128x128xf32, #tpu.memory_space<vmem>>, vector<128x128xf32>
    %dot_general3A_51 = arith.constant dense<0.000000e+00> : vector<512x128xf32>
    %dot_general3A_52 = tpu.matmul %dot_general3A_47, %get3A_50, %dot_general3A_51 {dimension_numbers = #tpu.dot_dimension_numbers<[1], [0], [0], [1], [0, 0, 1, 1], [], []>, transpose_lhs_hint = false} : vector<512x128xf32>, vector<128x128xf32>, vector<512x128xf32> -> vector<512x128xf32>
    %get3A_53 = arith.constant 0 : index
    %get3A_54 = arith.constant 0 : index
    %get3A_55 = vector.load %arg13[%get3A_53, %get3A_54] : memref<128x128xf32, #tpu.memory_space<vmem>>, vector<128x128xf32>
    %dot_general3A_56 = arith.constant dense<0.000000e+00> : vector<512x128xf32>
    %dot_general3A_57 = tpu.matmul %get3A_41, %get3A_55, %dot_general3A_56 {dimension_numbers = #tpu.dot_dimension_numbers<[1], [0], [0], [1], [0, 0, 1, 1], [], []>, transpose_lhs_hint = false} : vector<512x128xf32>, vector<128x128xf32>, vector<512x128xf32> -> vector<512x128xf32>
    %add3A = arith.addf %dot_general3A_52, %dot_general3A_57 : vector<512x128xf32>
    %get3A_58 = arith.constant 0 : index
    %get3A_59 = arith.constant 0 : index
    %get3A_60 = vector.load %arg10[%get3A_58, %get3A_59] : memref<1x128xf32, #tpu.memory_space<vmem>>, vector<1x128xf32>
    %add3A_61 = vector.broadcast %get3A_60 : vector<1x128xf32> to vector<512x128xf32>
    %add3A_62 = arith.addf %add3A, %add3A_61 : vector<512x128xf32>
    %get3A_63 = arith.constant 0 : index
    %get3A_64 = arith.constant 0 : index
    %get3A_65 = vector.load %arg11[%get3A_63, %get3A_64] : memref<128x128xf32, #tpu.memory_space<vmem>>, vector<128x128xf32>
    %dot_general3A_66 = arith.constant dense<0.000000e+00> : vector<512x128xf32>
    %dot_general3A_67 = tpu.matmul %dot_general3A_47, %get3A_65, %dot_general3A_66 {dimension_numbers = #tpu.dot_dimension_numbers<[1], [0], [0], [1], [0, 0, 1, 1], [], []>, transpose_lhs_hint = false} : vector<512x128xf32>, vector<128x128xf32>, vector<512x128xf32> -> vector<512x128xf32>
    %get3A_68 = arith.constant 0 : index
    %get3A_69 = arith.constant 0 : index
    %get3A_70 = vector.load %arg14[%get3A_68, %get3A_69] : memref<128x128xf32, #tpu.memory_space<vmem>>, vector<128x128xf32>
    %dot_general3A_71 = arith.constant dense<0.000000e+00> : vector<512x128xf32>
    %dot_general3A_72 = tpu.matmul %get3A_41, %get3A_70, %dot_general3A_71 {dimension_numbers = #tpu.dot_dimension_numbers<[1], [0], [0], [1], [0, 0, 1, 1], [], []>, transpose_lhs_hint = false} : vector<512x128xf32>, vector<128x128xf32>, vector<512x128xf32> -> vector<512x128xf32>
    %add3A_73 = arith.addf %dot_general3A_67, %dot_general3A_72 : vector<512x128xf32>
    %get3A_74 = arith.constant 0 : index
    %get3A_75 = arith.constant 0 : index
    %get3A_76 = vector.load %arg12[%get3A_74, %get3A_75] : memref<1x128xf32, #tpu.memory_space<vmem>>, vector<1x128xf32>
    %add3A_77 = vector.broadcast %get3A_76 : vector<1x128xf32> to vector<512x128xf32>
    %add3A_78 = arith.addf %add3A_73, %add3A_77 : vector<512x128xf32>
    %reshape3A_79 = vector.shape_cast %add3A_78 : vector<512x128xf32> to vector<32x16x128xf32>
    %get3A_80 = arith.constant 0 : index
    %get3A_81 = arith.constant 0 : index
    %get3A_82 = vector.load %arg7[%get3A_80, %get3A_81] : memref<128x128xf32, #tpu.memory_space<vmem>>, vector<128x128xf32>
    %dot_general3A_83 = arith.constant dense<0.000000e+00> : vector<32x128xf32>
    %dot_general3A_84 = tpu.matmul %get3A_28, %get3A_82, %dot_general3A_83 {dimension_numbers = #tpu.dot_dimension_numbers<[1], [0], [0], [1], [0, 0, 1, 1], [], []>, transpose_lhs_hint = false} : vector<32x128xf32>, vector<128x128xf32>, vector<32x128xf32> -> vector<32x128xf32>
    %get3A_85 = arith.constant 0 : index
    %get3A_86 = arith.constant 0 : index
    %get3A_87 = vector.load %arg8[%get3A_85, %get3A_86] : memref<1x128xf32, #tpu.memory_space<vmem>>, vector<1x128xf32>
    %add3A_88 = vector.broadcast %get3A_87 : vector<1x128xf32> to vector<32x128xf32>
    %add3A_89 = arith.addf %dot_general3A_84, %add3A_88 : vector<32x128xf32>
    %broadcast_in_dim3A_90 = vector.shape_cast %add3A_89 : vector<32x128xf32> to vector<32x1x128xf32>
    %reshape3A_91 = vector.shape_cast %add3A_62 : vector<512x128xf32> to vector<32x16x128xf32>
    %mul3A = vector.broadcast %broadcast_in_dim3A_90 : vector<32x1x128xf32> to vector<32x16x128xf32>
    %mul3A_92 = arith.mulf %mul3A, %reshape3A_91 : vector<32x16x128xf32>
    %reshape3A_93 = vector.shape_cast %mul3A_92 : vector<32x16x128xf32> to vector<512x128xf32>
    %dot_general3A_94 = arith.constant dense<0.000000e+00> : vector<512x8xf32>
    %dot_general3A_95 = tpu.matmul %reshape3A_93, %convert_element_type3A_24, %dot_general3A_94 {dimension_numbers = #tpu.dot_dimension_numbers<[1], [0], [0], [1], [0, 0, 1, 1], [], []>, transpose_lhs_hint = false} : vector<512x128xf32>, vector<128x8xf32>, vector<512x8xf32> -> vector<512x8xf32>
    %reshape3A_96 = vector.shape_cast %dot_general3A_95 : vector<512x8xf32> to vector<32x16x8xf32>
    %mul3A_97 = arith.constant 2.500000e-01 : f32
    %mul3A_98 = vector.broadcast %mul3A_97 : f32 to vector<32x16x8xf32>
    %mul3A_99 = arith.mulf %reshape3A_96, %mul3A_98 : vector<32x16x8xf32>
    %reduce_max3A = arith.constant dense<0xFF800000> : vector<32x8xf32>
    %reduce_max3A_100 = vector.multi_reduction <maximumf>, %mul3A_99, %reduce_max3A [1] : vector<32x16x8xf32> to vector<32x8xf32>
    %broadcast_in_dim3A_101 = vector.shape_cast %reduce_max3A_100 : vector<32x8xf32> to vector<32x1x8xf32>
    %sub3A_102 = vector.broadcast %broadcast_in_dim3A_101 : vector<32x1x8xf32> to vector<32x16x8xf32>
    %sub3A_103 = arith.subf %mul3A_99, %sub3A_102 : vector<32x16x8xf32>
    %exp3A = math.exp %sub3A_103 : vector<32x16x8xf32>
    %reduce_sum3A = arith.constant dense<0.000000e+00> : vector<32x8xf32>
    %reduce_sum3A_104 = vector.multi_reduction <add>, %exp3A, %reduce_sum3A [1] : vector<32x16x8xf32> to vector<32x8xf32>
    %broadcast_in_dim3A_105 = vector.shape_cast %reduce_sum3A_104 : vector<32x8xf32> to vector<32x1x8xf32>
    %div3A_106 = vector.broadcast %broadcast_in_dim3A_105 : vector<32x1x8xf32> to vector<32x16x8xf32>
    %div3A_107 = arith.divf %exp3A, %div3A_106 : vector<32x16x8xf32>
    %reshape3A_108 = vector.shape_cast %div3A_107 : vector<32x16x8xf32> to vector<512x8xf32>
    %transpose3A = tpu.transpose %convert_element_type3A_24, [1, 0] : vector<128x8xf32> -> vector<8x128xf32>
    %dot_general3A_109 = arith.constant dense<0.000000e+00> : vector<512x128xf32>
    %dot_general3A_110 = tpu.matmul %reshape3A_108, %transpose3A, %dot_general3A_109 {dimension_numbers = #tpu.dot_dimension_numbers<[1], [0], [0], [1], [0, 0, 1, 1], [], []>, transpose_lhs_hint = false} : vector<512x8xf32>, vector<8x128xf32>, vector<512x128xf32> -> vector<512x128xf32>
    %reshape3A_111 = vector.shape_cast %dot_general3A_110 : vector<512x128xf32> to vector<32x16x128xf32>
    %mul3A_112 = arith.mulf %reshape3A_111, %reshape3A_79 : vector<32x16x128xf32>
    %reduce_sum3A_113 = arith.constant dense<0.000000e+00> : vector<32x128xf32>
    %reduce_sum3A_114 = vector.multi_reduction <add>, %mul3A_112, %reduce_sum3A_113 [1] : vector<32x16x128xf32> to vector<32x128xf32>
    %get3A_115 = arith.constant 0 : index
    %get3A_116 = arith.constant 0 : index
    %get3A_117 = vector.load %arg15[%get3A_115, %get3A_116] : memref<128x128xf32, #tpu.memory_space<vmem>>, vector<128x128xf32>
    %dot_general3A_118 = arith.constant dense<0.000000e+00> : vector<32x128xf32>
    %dot_general3A_119 = tpu.matmul %reduce_sum3A_114, %get3A_117, %dot_general3A_118 {dimension_numbers = #tpu.dot_dimension_numbers<[1], [0], [0], [1], [0, 0, 1, 1], [], []>, transpose_lhs_hint = false} : vector<32x128xf32>, vector<128x128xf32>, vector<32x128xf32> -> vector<32x128xf32>
    %add3A_120 = arith.addf %get3A_28, %dot_general3A_119 : vector<32x128xf32>
    %get3A_121 = arith.constant 0 : index
    %get3A_122 = arith.constant 0 : index
    %get3A_123 = vector.load %arg16[%get3A_121, %get3A_122] : memref<1x128xf32, #tpu.memory_space<vmem>>, vector<1x128xf32>
    %add3A_124 = vector.broadcast %get3A_123 : vector<1x128xf32> to vector<32x128xf32>
    %add3A_125 = arith.addf %add3A_120, %add3A_124 : vector<32x128xf32>
    %get3A_126 = arith.constant 0 : index
    %get3A_127 = arith.constant 0 : index
    %get3A_128 = vector.load %arg17[%get3A_126, %get3A_127] : memref<1x128xf32, #tpu.memory_space<vmem>>, vector<1x128xf32>
    %get3A_129 = arith.constant 0 : index
    %get3A_130 = arith.constant 0 : index
    %get3A_131 = vector.load %arg18[%get3A_129, %get3A_130] : memref<1x128xf32, #tpu.memory_space<vmem>>, vector<1x128xf32>
    %reduce_sum3A_132 = arith.constant dense<0.000000e+00> : vector<32xf32>
    %reduce_sum3A_133 = vector.multi_reduction <add>, %add3A_125, %reduce_sum3A_132 [1] : vector<32x128xf32> to vector<32xf32>
    %broadcast_in_dim3A_134 = vector.shape_cast %reduce_sum3A_133 : vector<32xf32> to vector<32x1xf32>
    %div3A_135 = arith.constant 1.280000e+02 : f32
    %div3A_136 = vector.broadcast %div3A_135 : f32 to vector<32x1xf32>
    %div3A_137 = arith.divf %broadcast_in_dim3A_134, %div3A_136 : vector<32x1xf32>
    %sub3A_138 = vector.broadcast %div3A_137 : vector<32x1xf32> to vector<32x128xf32>
    %sub3A_139 = arith.subf %add3A_125, %sub3A_138 : vector<32x128xf32>
    %mul3A_140 = arith.mulf %sub3A_139, %sub3A_139 : vector<32x128xf32>
    %reduce_sum3A_141 = arith.constant dense<0.000000e+00> : vector<32xf32>
    %reduce_sum3A_142 = vector.multi_reduction <add>, %mul3A_140, %reduce_sum3A_141 [1] : vector<32x128xf32> to vector<32xf32>
    %broadcast_in_dim3A_143 = vector.shape_cast %reduce_sum3A_142 : vector<32xf32> to vector<32x1xf32>
    %div3A_144 = arith.constant 1.280000e+02 : f32
    %div3A_145 = vector.broadcast %div3A_144 : f32 to vector<32x1xf32>
    %div3A_146 = arith.divf %broadcast_in_dim3A_143, %div3A_145 : vector<32x1xf32>
    %add3A_147 = arith.constant 9.99999974E-6 : f32
    %add3A_148 = vector.broadcast %add3A_147 : f32 to vector<32x1xf32>
    %add3A_149 = arith.addf %div3A_146, %add3A_148 : vector<32x1xf32>
    %rsqrt3A = math.rsqrt %add3A_149 : vector<32x1xf32>
    %mul3A_150 = vector.broadcast %rsqrt3A : vector<32x1xf32> to vector<32x128xf32>
    %mul3A_151 = arith.mulf %sub3A_139, %mul3A_150 : vector<32x128xf32>
    %mul3A_152 = vector.broadcast %get3A_128 : vector<1x128xf32> to vector<32x128xf32>
    %mul3A_153 = arith.mulf %mul3A_151, %mul3A_152 : vector<32x128xf32>
    %add3A_154 = vector.broadcast %get3A_131 : vector<1x128xf32> to vector<32x128xf32>
    %add3A_155 = arith.addf %mul3A_153, %add3A_154 : vector<32x128xf32>
    %get3A_156 = arith.constant 0 : index
    %get3A_157 = arith.constant 0 : index
    %get3A_158 = vector.load %arg19[%get3A_156, %get3A_157] : memref<128x512xf32, #tpu.memory_space<vmem>>, vector<128x512xf32>
    %dot_general3A_159 = arith.constant dense<0.000000e+00> : vector<32x512xf32>
    %dot_general3A_160 = tpu.matmul %add3A_155, %get3A_158, %dot_general3A_159 {dimension_numbers = #tpu.dot_dimension_numbers<[1], [0], [0], [1], [0, 0, 1, 1], [], []>, transpose_lhs_hint = false} : vector<32x128xf32>, vector<128x512xf32>, vector<32x512xf32> -> vector<32x512xf32>
    %get3A_161 = arith.constant 0 : index
    %get3A_162 = arith.constant 0 : index
    %get3A_163 = vector.load %arg20[%get3A_161, %get3A_162] : memref<1x512xf32, #tpu.memory_space<vmem>>, vector<1x512xf32>
    %add3A_164 = vector.broadcast %get3A_163 : vector<1x512xf32> to vector<32x512xf32>
    %add3A_165 = arith.addf %dot_general3A_160, %add3A_164 : vector<32x512xf32>
    %max3A = arith.constant 0.000000e+00 : f32
    %max3A_166 = vector.broadcast %max3A : f32 to vector<32x512xf32>
    %max3A_167 = arith.maximumf %add3A_165, %max3A_166 : vector<32x512xf32>
    %get3A_168 = arith.constant 0 : index
    %get3A_169 = arith.constant 0 : index
    %get3A_170 = vector.load %arg21[%get3A_168, %get3A_169] : memref<512x128xf32, #tpu.memory_space<vmem>>, vector<512x128xf32>
    %dot_general3A_171 = arith.constant dense<0.000000e+00> : vector<32x128xf32>
    %dot_general3A_172 = tpu.matmul %max3A_167, %get3A_170, %dot_general3A_171 {dimension_numbers = #tpu.dot_dimension_numbers<[1], [0], [0], [1], [0, 0, 1, 1], [], []>, transpose_lhs_hint = false} : vector<32x512xf32>, vector<512x128xf32>, vector<32x128xf32> -> vector<32x128xf32>
    %get3A_173 = arith.constant 0 : index
    %get3A_174 = arith.constant 0 : index
    %get3A_175 = vector.load %arg22[%get3A_173, %get3A_174] : memref<1x128xf32, #tpu.memory_space<vmem>>, vector<1x128xf32>
    %add3A_176 = vector.broadcast %get3A_175 : vector<1x128xf32> to vector<32x128xf32>
    %add3A_177 = arith.addf %dot_general3A_172, %add3A_176 : vector<32x128xf32>
    %add3A_178 = arith.addf %add3A_155, %add3A_177 : vector<32x128xf32>
    %get3A_179 = arith.constant 0 : index
    %get3A_180 = arith.constant 0 : index
    %get3A_181 = vector.load %arg23[%get3A_179, %get3A_180] : memref<1x128xf32, #tpu.memory_space<vmem>>, vector<1x128xf32>
    %get3A_182 = arith.constant 0 : index
    %get3A_183 = arith.constant 0 : index
    %get3A_184 = vector.load %arg24[%get3A_182, %get3A_183] : memref<1x128xf32, #tpu.memory_space<vmem>>, vector<1x128xf32>
    %reduce_sum3A_185 = arith.constant dense<0.000000e+00> : vector<32xf32>
    %reduce_sum3A_186 = vector.multi_reduction <add>, %add3A_178, %reduce_sum3A_185 [1] : vector<32x128xf32> to vector<32xf32>
    %broadcast_in_dim3A_187 = vector.shape_cast %reduce_sum3A_186 : vector<32xf32> to vector<32x1xf32>
    %div3A_188 = arith.constant 1.280000e+02 : f32
    %div3A_189 = vector.broadcast %div3A_188 : f32 to vector<32x1xf32>
    %div3A_190 = arith.divf %broadcast_in_dim3A_187, %div3A_189 : vector<32x1xf32>
    %sub3A_191 = vector.broadcast %div3A_190 : vector<32x1xf32> to vector<32x128xf32>
    %sub3A_192 = arith.subf %add3A_178, %sub3A_191 : vector<32x128xf32>
    %mul3A_193 = arith.mulf %sub3A_192, %sub3A_192 : vector<32x128xf32>
    %reduce_sum3A_194 = arith.constant dense<0.000000e+00> : vector<32xf32>
    %reduce_sum3A_195 = vector.multi_reduction <add>, %mul3A_193, %reduce_sum3A_194 [1] : vector<32x128xf32> to vector<32xf32>
    %broadcast_in_dim3A_196 = vector.shape_cast %reduce_sum3A_195 : vector<32xf32> to vector<32x1xf32>
    %div3A_197 = arith.constant 1.280000e+02 : f32
    %div3A_198 = vector.broadcast %div3A_197 : f32 to vector<32x1xf32>
    %div3A_199 = arith.divf %broadcast_in_dim3A_196, %div3A_198 : vector<32x1xf32>
    %add3A_200 = arith.constant 9.99999974E-6 : f32
    %add3A_201 = vector.broadcast %add3A_200 : f32 to vector<32x1xf32>
    %add3A_202 = arith.addf %div3A_199, %add3A_201 : vector<32x1xf32>
    %rsqrt3A_203 = math.rsqrt %add3A_202 : vector<32x1xf32>
    %mul3A_204 = vector.broadcast %rsqrt3A_203 : vector<32x1xf32> to vector<32x128xf32>
    %mul3A_205 = arith.mulf %sub3A_192, %mul3A_204 : vector<32x128xf32>
    %mul3A_206 = vector.broadcast %get3A_181 : vector<1x128xf32> to vector<32x128xf32>
    %mul3A_207 = arith.mulf %mul3A_205, %mul3A_206 : vector<32x128xf32>
    %add3A_208 = vector.broadcast %get3A_184 : vector<1x128xf32> to vector<32x128xf32>
    %add3A_209 = arith.addf %mul3A_207, %add3A_208 : vector<32x128xf32>
    %get3A_210 = arith.constant 0 : index
    %get3A_211 = arith.constant 0 : index
    %get3A_212 = arith.constant 0 : index
    %get3A_213 = vector.load %arg5[%get3A_210, %get3A_211, %get3A_212] : memref<1x32x16xi32, #tpu.memory_space<vmem>>, vector<1x32x16xi32>
    %get3A_214 = vector.shape_cast %get3A_213 : vector<1x32x16xi32> to vector<32x16xi32>
    %get3A_215 = arith.constant 0 : index
    %get3A_216 = arith.constant 0 : index
    %get3A_217 = arith.constant 0 : index
    %get3A_218 = vector.load %arg6[%get3A_215, %get3A_216, %get3A_217] : memref<1x512x128xf32, #tpu.memory_space<vmem>>, vector<1x512x128xf32>
    %get3A_219 = vector.shape_cast %get3A_218 : vector<1x512x128xf32> to vector<512x128xf32>
    %broadcast_in_dim3A_220 = vector.shape_cast %get3A_214 : vector<32x16xi32> to vector<32x16x1xi32>
    %iota3A_221 = tpu.iota {dimensions = array<i32: 2>} : vector<32x16x32xi32>
    %eq3A_222 = vector.broadcast %broadcast_in_dim3A_220 : vector<32x16x1xi32> to vector<32x16x32xi32>
    %eq3A_223 = arith.cmpi eq, %eq3A_222, %iota3A_221 : vector<32x16x32xi32>
    %convert_element_type3A_224 = arith.extui %eq3A_223 : vector<32x16x32xi1> to vector<32x16x32xi32>
    %convert_element_type3A_225 = arith.sitofp %convert_element_type3A_224 : vector<32x16x32xi32> to vector<32x16x32xf32>
    %reshape3A_226 = vector.shape_cast %convert_element_type3A_225 : vector<32x16x32xf32> to vector<512x32xf32>
    %dot_general3A_227 = arith.constant dense<0.000000e+00> : vector<512x128xf32>
    %dot_general3A_228 = tpu.matmul %reshape3A_226, %add3A_209, %dot_general3A_227 {dimension_numbers = #tpu.dot_dimension_numbers<[1], [0], [0], [1], [0, 0, 1, 1], [], []>, transpose_lhs_hint = false} : vector<512x32xf32>, vector<32x128xf32>, vector<512x128xf32> -> vector<512x128xf32>
    %get3A_229 = arith.constant 0 : index
    %get3A_230 = arith.constant 0 : index
    %get3A_231 = vector.load %arg27[%get3A_229, %get3A_230] : memref<128x128xf32, #tpu.memory_space<vmem>>, vector<128x128xf32>
    %dot_general3A_232 = arith.constant dense<0.000000e+00> : vector<512x128xf32>
    %dot_general3A_233 = tpu.matmul %dot_general3A_228, %get3A_231, %dot_general3A_232 {dimension_numbers = #tpu.dot_dimension_numbers<[1], [0], [0], [1], [0, 0, 1, 1], [], []>, transpose_lhs_hint = false} : vector<512x128xf32>, vector<128x128xf32>, vector<512x128xf32> -> vector<512x128xf32>
    %get3A_234 = arith.constant 0 : index
    %get3A_235 = arith.constant 0 : index
    %get3A_236 = vector.load %arg31[%get3A_234, %get3A_235] : memref<128x128xf32, #tpu.memory_space<vmem>>, vector<128x128xf32>
    %dot_general3A_237 = arith.constant dense<0.000000e+00> : vector<512x128xf32>
    %dot_general3A_238 = tpu.matmul %get3A_219, %get3A_236, %dot_general3A_237 {dimension_numbers = #tpu.dot_dimension_numbers<[1], [0], [0], [1], [0, 0, 1, 1], [], []>, transpose_lhs_hint = false} : vector<512x128xf32>, vector<128x128xf32>, vector<512x128xf32> -> vector<512x128xf32>
    %add3A_239 = arith.addf %dot_general3A_233, %dot_general3A_238 : vector<512x128xf32>
    %get3A_240 = arith.constant 0 : index
    %get3A_241 = arith.constant 0 : index
    %get3A_242 = vector.load %arg28[%get3A_240, %get3A_241] : memref<1x128xf32, #tpu.memory_space<vmem>>, vector<1x128xf32>
    %add3A_243 = vector.broadcast %get3A_242 : vector<1x128xf32> to vector<512x128xf32>
    %add3A_244 = arith.addf %add3A_239, %add3A_243 : vector<512x128xf32>
    %get3A_245 = arith.constant 0 : index
    %get3A_246 = arith.constant 0 : index
    %get3A_247 = vector.load %arg29[%get3A_245, %get3A_246] : memref<128x128xf32, #tpu.memory_space<vmem>>, vector<128x128xf32>
    %dot_general3A_248 = arith.constant dense<0.000000e+00> : vector<512x128xf32>
    %dot_general3A_249 = tpu.matmul %dot_general3A_228, %get3A_247, %dot_general3A_248 {dimension_numbers = #tpu.dot_dimension_numbers<[1], [0], [0], [1], [0, 0, 1, 1], [], []>, transpose_lhs_hint = false} : vector<512x128xf32>, vector<128x128xf32>, vector<512x128xf32> -> vector<512x128xf32>
    %get3A_250 = arith.constant 0 : index
    %get3A_251 = arith.constant 0 : index
    %get3A_252 = vector.load %arg32[%get3A_250, %get3A_251] : memref<128x128xf32, #tpu.memory_space<vmem>>, vector<128x128xf32>
    %dot_general3A_253 = arith.constant dense<0.000000e+00> : vector<512x128xf32>
    %dot_general3A_254 = tpu.matmul %get3A_219, %get3A_252, %dot_general3A_253 {dimension_numbers = #tpu.dot_dimension_numbers<[1], [0], [0], [1], [0, 0, 1, 1], [], []>, transpose_lhs_hint = false} : vector<512x128xf32>, vector<128x128xf32>, vector<512x128xf32> -> vector<512x128xf32>
    %add3A_255 = arith.addf %dot_general3A_249, %dot_general3A_254 : vector<512x128xf32>
    %get3A_256 = arith.constant 0 : index
    %get3A_257 = arith.constant 0 : index
    %get3A_258 = vector.load %arg30[%get3A_256, %get3A_257] : memref<1x128xf32, #tpu.memory_space<vmem>>, vector<1x128xf32>
    %add3A_259 = vector.broadcast %get3A_258 : vector<1x128xf32> to vector<512x128xf32>
    %add3A_260 = arith.addf %add3A_255, %add3A_259 : vector<512x128xf32>
    %reshape3A_261 = vector.shape_cast %add3A_260 : vector<512x128xf32> to vector<32x16x128xf32>
    %get3A_262 = arith.constant 0 : index
    %get3A_263 = arith.constant 0 : index
    %get3A_264 = vector.load %arg25[%get3A_262, %get3A_263] : memref<128x128xf32, #tpu.memory_space<vmem>>, vector<128x128xf32>
    %dot_general3A_265 = arith.constant dense<0.000000e+00> : vector<32x128xf32>
    %dot_general3A_266 = tpu.matmul %add3A_209, %get3A_264, %dot_general3A_265 {dimension_numbers = #tpu.dot_dimension_numbers<[1], [0], [0], [1], [0, 0, 1, 1], [], []>, transpose_lhs_hint = false} : vector<32x128xf32>, vector<128x128xf32>, vector<32x128xf32> -> vector<32x128xf32>
    %get3A_267 = arith.constant 0 : index
    %get3A_268 = arith.constant 0 : index
    %get3A_269 = vector.load %arg26[%get3A_267, %get3A_268] : memref<1x128xf32, #tpu.memory_space<vmem>>, vector<1x128xf32>
    %add3A_270 = vector.broadcast %get3A_269 : vector<1x128xf32> to vector<32x128xf32>
    %add3A_271 = arith.addf %dot_general3A_266, %add3A_270 : vector<32x128xf32>
    %broadcast_in_dim3A_272 = vector.shape_cast %add3A_271 : vector<32x128xf32> to vector<32x1x128xf32>
    %reshape3A_273 = vector.shape_cast %add3A_244 : vector<512x128xf32> to vector<32x16x128xf32>
    %mul3A_274 = vector.broadcast %broadcast_in_dim3A_272 : vector<32x1x128xf32> to vector<32x16x128xf32>
    %mul3A_275 = arith.mulf %mul3A_274, %reshape3A_273 : vector<32x16x128xf32>
    %reshape3A_276 = vector.shape_cast %mul3A_275 : vector<32x16x128xf32> to vector<512x128xf32>
    %dot_general3A_277 = arith.constant dense<0.000000e+00> : vector<512x8xf32>
    %dot_general3A_278 = tpu.matmul %reshape3A_276, %convert_element_type3A_24, %dot_general3A_277 {dimension_numbers = #tpu.dot_dimension_numbers<[1], [0], [0], [1], [0, 0, 1, 1], [], []>, transpose_lhs_hint = false} : vector<512x128xf32>, vector<128x8xf32>, vector<512x8xf32> -> vector<512x8xf32>
    %reshape3A_279 = vector.shape_cast %dot_general3A_278 : vector<512x8xf32> to vector<32x16x8xf32>
    %mul3A_280 = arith.constant 2.500000e-01 : f32
    %mul3A_281 = vector.broadcast %mul3A_280 : f32 to vector<32x16x8xf32>
    %mul3A_282 = arith.mulf %reshape3A_279, %mul3A_281 : vector<32x16x8xf32>
    %reduce_max3A_283 = arith.constant dense<0xFF800000> : vector<32x8xf32>
    %reduce_max3A_284 = vector.multi_reduction <maximumf>, %mul3A_282, %reduce_max3A_283 [1] : vector<32x16x8xf32> to vector<32x8xf32>
    %broadcast_in_dim3A_285 = vector.shape_cast %reduce_max3A_284 : vector<32x8xf32> to vector<32x1x8xf32>
    %sub3A_286 = vector.broadcast %broadcast_in_dim3A_285 : vector<32x1x8xf32> to vector<32x16x8xf32>
    %sub3A_287 = arith.subf %mul3A_282, %sub3A_286 : vector<32x16x8xf32>
    %exp3A_288 = math.exp %sub3A_287 : vector<32x16x8xf32>
    %reduce_sum3A_289 = arith.constant dense<0.000000e+00> : vector<32x8xf32>
    %reduce_sum3A_290 = vector.multi_reduction <add>, %exp3A_288, %reduce_sum3A_289 [1] : vector<32x16x8xf32> to vector<32x8xf32>
    %broadcast_in_dim3A_291 = vector.shape_cast %reduce_sum3A_290 : vector<32x8xf32> to vector<32x1x8xf32>
    %div3A_292 = vector.broadcast %broadcast_in_dim3A_291 : vector<32x1x8xf32> to vector<32x16x8xf32>
    %div3A_293 = arith.divf %exp3A_288, %div3A_292 : vector<32x16x8xf32>
    %reshape3A_294 = vector.shape_cast %div3A_293 : vector<32x16x8xf32> to vector<512x8xf32>
    %transpose3A_295 = tpu.transpose %convert_element_type3A_24, [1, 0] : vector<128x8xf32> -> vector<8x128xf32>
    %dot_general3A_296 = arith.constant dense<0.000000e+00> : vector<512x128xf32>
    %dot_general3A_297 = tpu.matmul %reshape3A_294, %transpose3A_295, %dot_general3A_296 {dimension_numbers = #tpu.dot_dimension_numbers<[1], [0], [0], [1], [0, 0, 1, 1], [], []>, transpose_lhs_hint = false} : vector<512x8xf32>, vector<8x128xf32>, vector<512x128xf32> -> vector<512x128xf32>
    %reshape3A_298 = vector.shape_cast %dot_general3A_297 : vector<512x128xf32> to vector<32x16x128xf32>
    %mul3A_299 = arith.mulf %reshape3A_298, %reshape3A_261 : vector<32x16x128xf32>
    %reduce_sum3A_300 = arith.constant dense<0.000000e+00> : vector<32x128xf32>
    %reduce_sum3A_301 = vector.multi_reduction <add>, %mul3A_299, %reduce_sum3A_300 [1] : vector<32x16x128xf32> to vector<32x128xf32>
    %get3A_302 = arith.constant 0 : index
    %get3A_303 = arith.constant 0 : index
    %get3A_304 = vector.load %arg33[%get3A_302, %get3A_303] : memref<128x128xf32, #tpu.memory_space<vmem>>, vector<128x128xf32>
    %dot_general3A_305 = arith.constant dense<0.000000e+00> : vector<32x128xf32>
    %dot_general3A_306 = tpu.matmul %reduce_sum3A_301, %get3A_304, %dot_general3A_305 {dimension_numbers = #tpu.dot_dimension_numbers<[1], [0], [0], [1], [0, 0, 1, 1], [], []>, transpose_lhs_hint = false} : vector<32x128xf32>, vector<128x128xf32>, vector<32x128xf32> -> vector<32x128xf32>
    %add3A_307 = arith.addf %add3A_209, %dot_general3A_306 : vector<32x128xf32>
    %get3A_308 = arith.constant 0 : index
    %get3A_309 = arith.constant 0 : index
    %get3A_310 = vector.load %arg34[%get3A_308, %get3A_309] : memref<1x128xf32, #tpu.memory_space<vmem>>, vector<1x128xf32>
    %add3A_311 = vector.broadcast %get3A_310 : vector<1x128xf32> to vector<32x128xf32>
    %add3A_312 = arith.addf %add3A_307, %add3A_311 : vector<32x128xf32>
    %get3A_313 = arith.constant 0 : index
    %get3A_314 = arith.constant 0 : index
    %get3A_315 = vector.load %arg35[%get3A_313, %get3A_314] : memref<1x128xf32, #tpu.memory_space<vmem>>, vector<1x128xf32>
    %get3A_316 = arith.constant 0 : index
    %get3A_317 = arith.constant 0 : index
    %get3A_318 = vector.load %arg36[%get3A_316, %get3A_317] : memref<1x128xf32, #tpu.memory_space<vmem>>, vector<1x128xf32>
    %reduce_sum3A_319 = arith.constant dense<0.000000e+00> : vector<32xf32>
    %reduce_sum3A_320 = vector.multi_reduction <add>, %add3A_312, %reduce_sum3A_319 [1] : vector<32x128xf32> to vector<32xf32>
    %broadcast_in_dim3A_321 = vector.shape_cast %reduce_sum3A_320 : vector<32xf32> to vector<32x1xf32>
    %div3A_322 = arith.constant 1.280000e+02 : f32
    %div3A_323 = vector.broadcast %div3A_322 : f32 to vector<32x1xf32>
    %div3A_324 = arith.divf %broadcast_in_dim3A_321, %div3A_323 : vector<32x1xf32>
    %sub3A_325 = vector.broadcast %div3A_324 : vector<32x1xf32> to vector<32x128xf32>
    %sub3A_326 = arith.subf %add3A_312, %sub3A_325 : vector<32x128xf32>
    %mul3A_327 = arith.mulf %sub3A_326, %sub3A_326 : vector<32x128xf32>
    %reduce_sum3A_328 = arith.constant dense<0.000000e+00> : vector<32xf32>
    %reduce_sum3A_329 = vector.multi_reduction <add>, %mul3A_327, %reduce_sum3A_328 [1] : vector<32x128xf32> to vector<32xf32>
    %broadcast_in_dim3A_330 = vector.shape_cast %reduce_sum3A_329 : vector<32xf32> to vector<32x1xf32>
    %div3A_331 = arith.constant 1.280000e+02 : f32
    %div3A_332 = vector.broadcast %div3A_331 : f32 to vector<32x1xf32>
    %div3A_333 = arith.divf %broadcast_in_dim3A_330, %div3A_332 : vector<32x1xf32>
    %add3A_334 = arith.constant 9.99999974E-6 : f32
    %add3A_335 = vector.broadcast %add3A_334 : f32 to vector<32x1xf32>
    %add3A_336 = arith.addf %div3A_333, %add3A_335 : vector<32x1xf32>
    %rsqrt3A_337 = math.rsqrt %add3A_336 : vector<32x1xf32>
    %mul3A_338 = vector.broadcast %rsqrt3A_337 : vector<32x1xf32> to vector<32x128xf32>
    %mul3A_339 = arith.mulf %sub3A_326, %mul3A_338 : vector<32x128xf32>
    %mul3A_340 = vector.broadcast %get3A_315 : vector<1x128xf32> to vector<32x128xf32>
    %mul3A_341 = arith.mulf %mul3A_339, %mul3A_340 : vector<32x128xf32>
    %add3A_342 = vector.broadcast %get3A_318 : vector<1x128xf32> to vector<32x128xf32>
    %add3A_343 = arith.addf %mul3A_341, %add3A_342 : vector<32x128xf32>
    %get3A_344 = arith.constant 0 : index
    %get3A_345 = arith.constant 0 : index
    %get3A_346 = vector.load %arg37[%get3A_344, %get3A_345] : memref<128x512xf32, #tpu.memory_space<vmem>>, vector<128x512xf32>
    %dot_general3A_347 = arith.constant dense<0.000000e+00> : vector<32x512xf32>
    %dot_general3A_348 = tpu.matmul %add3A_343, %get3A_346, %dot_general3A_347 {dimension_numbers = #tpu.dot_dimension_numbers<[1], [0], [0], [1], [0, 0, 1, 1], [], []>, transpose_lhs_hint = false} : vector<32x128xf32>, vector<128x512xf32>, vector<32x512xf32> -> vector<32x512xf32>
    %get3A_349 = arith.constant 0 : index
    %get3A_350 = arith.constant 0 : index
    %get3A_351 = vector.load %arg38[%get3A_349, %get3A_350] : memref<1x512xf32, #tpu.memory_space<vmem>>, vector<1x512xf32>
    %add3A_352 = vector.broadcast %get3A_351 : vector<1x512xf32> to vector<32x512xf32>
    %add3A_353 = arith.addf %dot_general3A_348, %add3A_352 : vector<32x512xf32>
    %max3A_354 = arith.constant 0.000000e+00 : f32
    %max3A_355 = vector.broadcast %max3A_354 : f32 to vector<32x512xf32>
    %max3A_356 = arith.maximumf %add3A_353, %max3A_355 : vector<32x512xf32>
    %get3A_357 = arith.constant 0 : index
    %get3A_358 = arith.constant 0 : index
    %get3A_359 = vector.load %arg39[%get3A_357, %get3A_358] : memref<512x128xf32, #tpu.memory_space<vmem>>, vector<512x128xf32>
    %dot_general3A_360 = arith.constant dense<0.000000e+00> : vector<32x128xf32>
    %dot_general3A_361 = tpu.matmul %max3A_356, %get3A_359, %dot_general3A_360 {dimension_numbers = #tpu.dot_dimension_numbers<[1], [0], [0], [1], [0, 0, 1, 1], [], []>, transpose_lhs_hint = false} : vector<32x512xf32>, vector<512x128xf32>, vector<32x128xf32> -> vector<32x128xf32>
    %get3A_362 = arith.constant 0 : index
    %get3A_363 = arith.constant 0 : index
    %get3A_364 = vector.load %arg40[%get3A_362, %get3A_363] : memref<1x128xf32, #tpu.memory_space<vmem>>, vector<1x128xf32>
    %add3A_365 = vector.broadcast %get3A_364 : vector<1x128xf32> to vector<32x128xf32>
    %add3A_366 = arith.addf %dot_general3A_361, %add3A_365 : vector<32x128xf32>
    %add3A_367 = arith.addf %add3A_343, %add3A_366 : vector<32x128xf32>
    %get3A_368 = arith.constant 0 : index
    %get3A_369 = arith.constant 0 : index
    %get3A_370 = vector.load %arg41[%get3A_368, %get3A_369] : memref<1x128xf32, #tpu.memory_space<vmem>>, vector<1x128xf32>
    %get3A_371 = arith.constant 0 : index
    %get3A_372 = arith.constant 0 : index
    %get3A_373 = vector.load %arg42[%get3A_371, %get3A_372] : memref<1x128xf32, #tpu.memory_space<vmem>>, vector<1x128xf32>
    %reduce_sum3A_374 = arith.constant dense<0.000000e+00> : vector<32xf32>
    %reduce_sum3A_375 = vector.multi_reduction <add>, %add3A_367, %reduce_sum3A_374 [1] : vector<32x128xf32> to vector<32xf32>
    %broadcast_in_dim3A_376 = vector.shape_cast %reduce_sum3A_375 : vector<32xf32> to vector<32x1xf32>
    %div3A_377 = arith.constant 1.280000e+02 : f32
    %div3A_378 = vector.broadcast %div3A_377 : f32 to vector<32x1xf32>
    %div3A_379 = arith.divf %broadcast_in_dim3A_376, %div3A_378 : vector<32x1xf32>
    %sub3A_380 = vector.broadcast %div3A_379 : vector<32x1xf32> to vector<32x128xf32>
    %sub3A_381 = arith.subf %add3A_367, %sub3A_380 : vector<32x128xf32>
    %mul3A_382 = arith.mulf %sub3A_381, %sub3A_381 : vector<32x128xf32>
    %reduce_sum3A_383 = arith.constant dense<0.000000e+00> : vector<32xf32>
    %reduce_sum3A_384 = vector.multi_reduction <add>, %mul3A_382, %reduce_sum3A_383 [1] : vector<32x128xf32> to vector<32xf32>
    %broadcast_in_dim3A_385 = vector.shape_cast %reduce_sum3A_384 : vector<32xf32> to vector<32x1xf32>
    %div3A_386 = arith.constant 1.280000e+02 : f32
    %div3A_387 = vector.broadcast %div3A_386 : f32 to vector<32x1xf32>
    %div3A_388 = arith.divf %broadcast_in_dim3A_385, %div3A_387 : vector<32x1xf32>
    %add3A_389 = arith.constant 9.99999974E-6 : f32
    %add3A_390 = vector.broadcast %add3A_389 : f32 to vector<32x1xf32>
    %add3A_391 = arith.addf %div3A_388, %add3A_390 : vector<32x1xf32>
    %rsqrt3A_392 = math.rsqrt %add3A_391 : vector<32x1xf32>
    %mul3A_393 = vector.broadcast %rsqrt3A_392 : vector<32x1xf32> to vector<32x128xf32>
    %mul3A_394 = arith.mulf %sub3A_381, %mul3A_393 : vector<32x128xf32>
    %mul3A_395 = vector.broadcast %get3A_370 : vector<1x128xf32> to vector<32x128xf32>
    %mul3A_396 = arith.mulf %mul3A_394, %mul3A_395 : vector<32x128xf32>
    %add3A_397 = vector.broadcast %get3A_373 : vector<1x128xf32> to vector<32x128xf32>
    %add3A_398 = arith.addf %mul3A_396, %add3A_397 : vector<32x128xf32>
    %swap3A = arith.constant 0 : index
    %swap3A_399 = arith.constant 0 : index
    %swap3A_400 = arith.constant 0 : index
    %swap3A_401 = vector.load %arg43[%swap3A, %swap3A_399, %swap3A_400] : memref<1x32x128xf32, #tpu.memory_space<vmem>>, vector<1x32x128xf32>
    %swap3A_402 = vector.shape_cast %swap3A_401 : vector<1x32x128xf32> to vector<32x128xf32>
    %swap3A_403 = vector.shape_cast %add3A_398 : vector<32x128xf32> to vector<1x32x128xf32>
    tpu.vector_store %arg43[%swap3A, %swap3A_399, %swap3A_400], %swap3A_403 {strides = array<i32>} : memref<1x32x128xf32, #tpu.memory_space<vmem>>, vector<1x32x128xf32>,
    return
  }
  func.func @transform_0(%arg0: i32) -> (i32, i32, i32) {
    %c0_i32 = arith.constant 0 : i32
    %c0_i32_0 = arith.constant 0 : i32
    %c0_i32_1 = arith.constant 0 : i32
    return %arg0, %c0_i32, %c0_i32_0 : i32, i32, i32
  }
  func.func @transform_1(%arg0: i32) -> (i32, i32) {
    %c0_i32 = arith.constant 0 : i32
    %c0_i32_0 = arith.constant 0 : i32
    %c0_i32_1 = arith.constant 0 : i32
    return %c0_i32, %c0_i32_0 : i32, i32
  }
  func.func @transform_2(%arg0: i32) -> (i32, i32, i32) {
    %c0_i32 = arith.constant 0 : i32
    %c0_i32_0 = arith.constant 0 : i32
    %c0_i32_1 = arith.constant 0 : i32
    return %arg0, %c0_i32, %c0_i32_0 : i32, i32, i32
  }
  func.func @transform_3(%arg0: i32) -> (i32, i32, i32) {
    %c0_i32 = arith.constant 0 : i32
    %c0_i32_0 = arith.constant 0 : i32
    %c0_i32_1 = arith.constant 0 : i32
    return %arg0, %c0_i32, %c0_i32_0 : i32, i32, i32
  }
  func.func @transform_4(%arg0: i32) -> (i32, i32, i32) {
    %c0_i32 = arith.constant 0 : i32
    %c0_i32_0 = arith.constant 0 : i32
    %c0_i32_1 = arith.constant 0 : i32
    return %arg0, %c0_i32, %c0_i32_0 : i32, i32, i32
  }
  func.func @transform_5(%arg0: i32) -> (i32, i32, i32) {
    %c0_i32 = arith.constant 0 : i32
    %c0_i32_0 = arith.constant 0 : i32
    %c0_i32_1 = arith.constant 0 : i32
    return %arg0, %c0_i32, %c0_i32_0 : i32, i32, i32
  }
  func.func @transform_6(%arg0: i32) -> (i32, i32) {
    %c0_i32 = arith.constant 0 : i32
    %c0_i32_0 = arith.constant 0 : i32
    %c0_i32_1 = arith.constant 0 : i32
    return %c0_i32, %c0_i32_0 : i32, i32
  }
  func.func @transform_7(%arg0: i32) -> (i32, i32) {
    %c0_i32 = arith.constant 0 : i32
    %c0_i32_0 = arith.constant 0 : i32
    %c0_i32_1 = arith.constant 0 : i32
    return %c0_i32, %c0_i32_0 : i32, i32
  }
  func.func @transform_8(%arg0: i32) -> (i32, i32) {
    %c0_i32 = arith.constant 0 : i32
    %c0_i32_0 = arith.constant 0 : i32
    %c0_i32_1 = arith.constant 0 : i32
    return %c0_i32, %c0_i32_0 : i32, i32
  }
  func.func @transform_9(%arg0: i32) -> (i32, i32) {
    %c0_i32 = arith.constant 0 : i32
    %c0_i32_0 = arith.constant 0 : i32
    %c0_i32_1 = arith.constant 0 : i32
    return %c0_i32, %c0_i32_0 : i32, i32
  }
  func.func @transform_10(%arg0: i32) -> (i32, i32) {
    %c0_i32 = arith.constant 0 : i32
    %c0_i32_0 = arith.constant 0 : i32
    %c0_i32_1 = arith.constant 0 : i32
    return %c0_i32, %c0_i32_0 : i32, i32
  }
  func.func @transform_11(%arg0: i32) -> (i32, i32) {
    %c0_i32 = arith.constant 0 : i32
    %c0_i32_0 = arith.constant 0 : i32
    %c0_i32_1 = arith.constant 0 : i32
    return %c0_i32, %c0_i32_0 : i32, i32
  }
  func.func @transform_12(%arg0: i32) -> (i32, i32) {
    %c0_i32 = arith.constant 0 : i32
    %c0_i32_0 = arith.constant 0 : i32
    %c0_i32_1 = arith.constant 0 : i32
    return %c0_i32, %c0_i32_0 : i32, i32
  }
  func.func @transform_13(%arg0: i32) -> (i32, i32) {
    %c0_i32 = arith.constant 0 : i32
    %c0_i32_0 = arith.constant 0 : i32
    %c0_i32_1 = arith.constant 0 : i32
    return %c0_i32, %c0_i32_0 : i32, i32
  }
  func.func @transform_14(%arg0: i32) -> (i32, i32) {
    %c0_i32 = arith.constant 0 : i32
    %c0_i32_0 = arith.constant 0 : i32
    %c0_i32_1 = arith.constant 0 : i32
    return %c0_i32, %c0_i32_0 : i32, i32
  }
  func.func @transform_15(%arg0: i32) -> (i32, i32) {
    %c0_i32 = arith.constant 0 : i32
    %c0_i32_0 = arith.constant 0 : i32
    %c0_i32_1 = arith.constant 0 : i32
    return %c0_i32, %c0_i32_0 : i32, i32
  }
  func.func @transform_16(%arg0: i32) -> (i32, i32) {
    %c0_i32 = arith.constant 0 : i32
    %c0_i32_0 = arith.constant 0 : i32
    %c0_i32_1 = arith.constant 0 : i32
    return %c0_i32, %c0_i32_0 : i32, i32
  }
  func.func @transform_17(%arg0: i32) -> (i32, i32) {
    %c0_i32 = arith.constant 0 : i32
    %c0_i32_0 = arith.constant 0 : i32
    %c0_i32_1 = arith.constant 0 : i32
    return %c0_i32, %c0_i32_0 : i32, i32
  }
  func.func @transform_18(%arg0: i32) -> (i32, i32) {
    %c0_i32 = arith.constant 0 : i32
    %c0_i32_0 = arith.constant 0 : i32
    %c0_i32_1 = arith.constant 0 : i32
    return %c0_i32, %c0_i32_0 : i32, i32
  }
  func.func @transform_19(%arg0: i32) -> (i32, i32) {
    %c0_i32 = arith.constant 0 : i32
    %c0_i32_0 = arith.constant 0 : i32
    %c0_i32_1 = arith.constant 0 : i32
    return %c0_i32, %c0_i32_0 : i32, i32
  }
  func.func @transform_20(%arg0: i32) -> (i32, i32) {
    %c0_i32 = arith.constant 0 : i32
    %c0_i32_0 = arith.constant 0 : i32
    %c0_i32_1 = arith.constant 0 : i32
    return %c0_i32, %c0_i32_0 : i32, i32
  }
  func.func @transform_21(%arg0: i32) -> (i32, i32) {
    %c0_i32 = arith.constant 0 : i32
    %c0_i32_0 = arith.constant 0 : i32
    %c0_i32_1 = arith.constant 0 : i32
    return %c0_i32, %c0_i32_0 : i32, i32
  }
  func.func @transform_22(%arg0: i32) -> (i32, i32) {
    %c0_i32 = arith.constant 0 : i32
    %c0_i32_0 = arith.constant 0 : i32
    %c0_i32_1 = arith.constant 0 : i32
    return %c0_i32, %c0_i32_0 : i32, i32
  }
  func.func @transform_23(%arg0: i32) -> (i32, i32) {
    %c0_i32 = arith.constant 0 : i32
    %c0_i32_0 = arith.constant 0 : i32
    %c0_i32_1 = arith.constant 0 : i32
    return %c0_i32, %c0_i32_0 : i32, i32
  }
  func.func @transform_24(%arg0: i32) -> (i32, i32) {
    %c0_i32 = arith.constant 0 : i32
    %c0_i32_0 = arith.constant 0 : i32
    %c0_i32_1 = arith.constant 0 : i32
    return %c0_i32, %c0_i32_0 : i32, i32
  }
  func.func @transform_25(%arg0: i32) -> (i32, i32) {
    %c0_i32 = arith.constant 0 : i32
    %c0_i32_0 = arith.constant 0 : i32
    %c0_i32_1 = arith.constant 0 : i32
    return %c0_i32, %c0_i32_0 : i32, i32
  }
  func.func @transform_26(%arg0: i32) -> (i32, i32) {
    %c0_i32 = arith.constant 0 : i32
    %c0_i32_0 = arith.constant 0 : i32
    %c0_i32_1 = arith.constant 0 : i32
    return %c0_i32, %c0_i32_0 : i32, i32
  }
  func.func @transform_27(%arg0: i32) -> (i32, i32) {
    %c0_i32 = arith.constant 0 : i32
    %c0_i32_0 = arith.constant 0 : i32
    %c0_i32_1 = arith.constant 0 : i32
    return %c0_i32, %c0_i32_0 : i32, i32
  }
  func.func @transform_28(%arg0: i32) -> (i32, i32) {
    %c0_i32 = arith.constant 0 : i32
    %c0_i32_0 = arith.constant 0 : i32
    %c0_i32_1 = arith.constant 0 : i32
    return %c0_i32, %c0_i32_0 : i32, i32
  }
  func.func @transform_29(%arg0: i32) -> (i32, i32) {
    %c0_i32 = arith.constant 0 : i32
    %c0_i32_0 = arith.constant 0 : i32
    %c0_i32_1 = arith.constant 0 : i32
    return %c0_i32, %c0_i32_0 : i32, i32
  }
  func.func @transform_30(%arg0: i32) -> (i32, i32) {
    %c0_i32 = arith.constant 0 : i32
    %c0_i32_0 = arith.constant 0 : i32
    %c0_i32_1 = arith.constant 0 : i32
    return %c0_i32, %c0_i32_0 : i32, i32
  }
  func.func @transform_31(%arg0: i32) -> (i32, i32) {
    %c0_i32 = arith.constant 0 : i32
    %c0_i32_0 = arith.constant 0 : i32
    %c0_i32_1 = arith.constant 0 : i32
    return %c0_i32, %c0_i32_0 : i32, i32
  }
  func.func @transform_32(%arg0: i32) -> (i32, i32) {
    %c0_i32 = arith.constant 0 : i32
    %c0_i32_0 = arith.constant 0 : i32
    %c0_i32_1 = arith.constant 0 : i32
    return %c0_i32, %c0_i32_0 : i32, i32
  }
  func.func @transform_33(%arg0: i32) -> (i32, i32) {
    %c0_i32 = arith.constant 0 : i32
    %c0_i32_0 = arith.constant 0 : i32
    %c0_i32_1 = arith.constant 0 : i32
    return %c0_i32, %c0_i32_0 : i32, i32
  }
  func.func @transform_34(%arg0: i32) -> (i32, i32) {
    %c0_i32 = arith.constant 0 : i32
    %c0_i32_0 = arith.constant 0 : i32
    %c0_i32_1 = arith.constant 0 : i32
    return %c0_i32, %c0_i32_0 : i32, i32
  }
  func.func @transform_35(%arg0: i32) -> (i32, i32) {
    %c0_i32 = arith.constant 0 : i32
    %c0_i32_0 = arith.constant 0 : i32
    %c0_i32_1 = arith.constant 0 : i32
    return %c0_i32, %c0_i32_0 : i32, i32
  }
  func.func @transform_36(%arg0: i32) -> (i32, i32) {
    %c0_i32 = arith.constant 0 : i32
    %c0_i32_0 = arith.constant 0 : i32
    %c0_i32_1 = arith.constant 0 : i32
    return %c0_i32, %c0_i32_0 : i32, i32
  }
  func.func @transform_37(%arg0: i32) -> (i32, i32) {
    %c0_i32 = arith.constant 0 : i32
    %c0_i32_0 = arith.constant 0 : i32
    %c0_i32_1 = arith.constant 0 : i32
    return %c0_i32, %c0_i32_0 : i32, i32
  }
  func.func @transform_38(%arg0: i32) -> (i32, i32) {
    %c0_i32 = arith.constant 0 : i32
    %c0_i32_0 = arith.constant 0 : i32
    %c0_i32_1 = arith.constant 0 : i32
    return %c0_i32, %c0_i32_0 : i32, i32
  }
  func.func @transform_39(%arg0: i32) -> (i32, i32) {
    %c0_i32 = arith.constant 0 : i32
    %c0_i32_0 = arith.constant 0 : i32
    %c0_i32_1 = arith.constant 0 : i32
    return %c0_i32, %c0_i32_0 : i32, i32
  }
  func.func @transform_40(%arg0: i32) -> (i32, i32) {
    %c0_i32 = arith.constant 0 : i32
    %c0_i32_0 = arith.constant 0 : i32
    %c0_i32_1 = arith.constant 0 : i32
    return %c0_i32, %c0_i32_0 : i32, i32
  }
  func.func @transform_41(%arg0: i32) -> (i32, i32) {
    %c0_i32 = arith.constant 0 : i32
    %c0_i32_0 = arith.constant 0 : i32
    %c0_i32_1 = arith.constant 0 : i32
    return %c0_i32, %c0_i32_0 : i32, i32
  }
  func.func @transform_42(%arg0: i32) -> (i32, i32, i32) {
    %c0_i32 = arith.constant 0 : i32
    %c0_i32_0 = arith.constant 0 : i32
    %c0_i32_1 = arith.constant 0 : i32
    return %arg0, %c0_i32, %c0_i32_0 : i32, i32, i32
  }
}

module attributes {stable_mosaic.version = 14 : i64} {
  func.func @_a2s_body(%arg0: i32, %arg1: memref<1x32x128xf32, #tpu.memory_space<vmem>>, %arg2: memref<64x128xf32, #tpu.memory_space<vmem>>, %arg3: memref<1x32x16xi32, #tpu.memory_space<vmem>>, %arg4: memref<1x512x128xf32, #tpu.memory_space<vmem>>, %arg5: memref<1x32x16xi32, #tpu.memory_space<vmem>>, %arg6: memref<1x512x128xf32, #tpu.memory_space<vmem>>, %arg7: memref<128x128xf32, #tpu.memory_space<vmem>>, %arg8: memref<1x128xf32, #tpu.memory_space<vmem>>, %arg9: memref<128x128xf32, #tpu.memory_space<vmem>>, %arg10: memref<1x128xf32, #tpu.memory_space<vmem>>, %arg11: memref<128x128xf32, #tpu.memory_space<vmem>>, %arg12: memref<1x128xf32, #tpu.memory_space<vmem>>, %arg13: memref<128x128xf32, #tpu.memory_space<vmem>>, %arg14: memref<128x128xf32, #tpu.memory_space<vmem>>, %arg15: memref<128x128xf32, #tpu.memory_space<vmem>>, %arg16: memref<1x128xf32, #tpu.memory_space<vmem>>, %arg17: memref<1x128xf32, #tpu.memory_space<vmem>>, %arg18: memref<1x128xf32, #tpu.memory_space<vmem>>, %arg19: memref<128x512xf32, #tpu.memory_space<vmem>>, %arg20: memref<1x512xf32, #tpu.memory_space<vmem>>, %arg21: memref<512x128xf32, #tpu.memory_space<vmem>>, %arg22: memref<1x128xf32, #tpu.memory_space<vmem>>, %arg23: memref<1x128xf32, #tpu.memory_space<vmem>>, %arg24: memref<1x128xf32, #tpu.memory_space<vmem>>, %arg25: memref<128x128xf32, #tpu.memory_space<vmem>>, %arg26: memref<1x128xf32, #tpu.memory_space<vmem>>, %arg27: memref<128x128xf32, #tpu.memory_space<vmem>>, %arg28: memref<1x128xf32, #tpu.memory_space<vmem>>, %arg29: memref<128x128xf32, #tpu.memory_space<vmem>>, %arg30: memref<1x128xf32, #tpu.memory_space<vmem>>, %arg31: memref<128x128xf32, #tpu.memory_space<vmem>>, %arg32: memref<128x128xf32, #tpu.memory_space<vmem>>, %arg33: memref<128x128xf32, #tpu.memory_space<vmem>>, %arg34: memref<1x128xf32, #tpu.memory_space<vmem>>, %arg35: memref<1x128xf32, #tpu.memory_space<vmem>>, %arg36: memref<1x128xf32, #tpu.memory_space<vmem>>, %arg37: memref<128x512xf32, #tpu.memory_space<vmem>>, %arg38: memref<1x512xf32, #tpu.memory_space<vmem>>, %arg39: memref<512x128xf32, #tpu.memory_space<vmem>>, %arg40: memref<1x128xf32, #tpu.memory_space<vmem>>, %arg41: memref<1x128xf32, #tpu.memory_space<vmem>>, %arg42: memref<1x128xf32, #tpu.memory_space<vmem>>, %arg43: memref<1x32x128xf32, #tpu.memory_space<vmem>>) attributes {dimension_semantics = [#tpu.dimension_semantics<arbitrary>], iteration_bounds = array<i64: 50>, scalar_prefetch = 0 : i64, scratch_operands = 0 : i64, tpu.core_type = #tpu.core_type<tc>, window_params = [{transform_indices = @transform_0, window_bounds = array<i64: 1, 32, 128>}, {pipeline_mode = #tpu.pipeline_mode<synchronous>, transform_indices = @transform_1, window_bounds = array<i64: 64, 128>}, {transform_indices = @transform_2, window_bounds = array<i64: 1, 32, 16>}, {transform_indices = @transform_3, window_bounds = array<i64: 1, 512, 128>}, {transform_indices = @transform_4, window_bounds = array<i64: 1, 32, 16>}, {transform_indices = @transform_5, window_bounds = array<i64: 1, 512, 128>}, {pipeline_mode = #tpu.pipeline_mode<synchronous>, transform_indices = @transform_6, window_bounds = array<i64: 128, 128>}, {pipeline_mode = #tpu.pipeline_mode<synchronous>, transform_indices = @transform_7, window_bounds = array<i64: 1, 128>}, {pipeline_mode = #tpu.pipeline_mode<synchronous>, transform_indices = @transform_8, window_bounds = array<i64: 128, 128>}, {pipeline_mode = #tpu.pipeline_mode<synchronous>, transform_indices = @transform_9, window_bounds = array<i64: 1, 128>}, {pipeline_mode = #tpu.pipeline_mode<synchronous>, transform_indices = @transform_10, window_bounds = array<i64: 128, 128>}, {pipeline_mode = #tpu.pipeline_mode<synchronous>, transform_indices = @transform_11, window_bounds = array<i64: 1, 128>}, {pipeline_mode = #tpu.pipeline_mode<synchronous>, transform_indices = @transform_12, window_bounds = array<i64: 128, 128>}, {pipeline_mode = #tpu.pipeline_mode<synchronous>, transform_indices = @transform_13, window_bounds = array<i64: 128, 128>}, {pipeline_mode = #tpu.pipeline_mode<synchronous>, transform_indices = @transform_14, window_bounds = array<i64: 128, 128>}, {pipeline_mode = #tpu.pipeline_mode<synchronous>, transform_indices = @transform_15, window_bounds = array<i64: 1, 128>}, {pipeline_mode = #tpu.pipeline_mode<synchronous>, transform_indices = @transform_16, window_bounds = array<i64: 1, 128>}, {pipeline_mode = #tpu.pipeline_mode<synchronous>, transform_indices = @transform_17, window_bounds = array<i64: 1, 128>}, {pipeline_mode = #tpu.pipeline_mode<synchronous>, transform_indices = @transform_18, window_bounds = array<i64: 128, 512>}, {pipeline_mode = #tpu.pipeline_mode<synchronous>, transform_indices = @transform_19, window_bounds = array<i64: 1, 512>}, {pipeline_mode = #tpu.pipeline_mode<synchronous>, transform_indices = @transform_20, window_bounds = array<i64: 512, 128>}, {pipeline_mode = #tpu.pipeline_mode<synchronous>, transform_indices = @transform_21, window_bounds = array<i64: 1, 128>}, {pipeline_mode = #tpu.pipeline_mode<synchronous>, transform_indices = @transform_22, window_bounds = array<i64: 1, 128>}, {pipeline_mode = #tpu.pipeline_mode<synchronous>, transform_indices = @transform_23, window_bounds = array<i64: 1, 128>}, {pipeline_mode = #tpu.pipeline_mode<synchronous>, transform_indices = @transform_24, window_bounds = array<i64: 128, 128>}, {pipeline_mode = #tpu.pipeline_mode<synchronous>, transform_indices = @transform_25, window_bounds = array<i64: 1, 128>}, {pipeline_mode = #tpu.pipeline_mode<synchronous>, transform_indices = @transform_26, window_bounds = array<i64: 128, 128>}, {pipeline_mode = #tpu.pipeline_mode<synchronous>, transform_indices = @transform_27, window_bounds = array<i64: 1, 128>}, {pipeline_mode = #tpu.pipeline_mode<synchronous>, transform_indices = @transform_28, window_bounds = array<i64: 128, 128>}, {pipeline_mode = #tpu.pipeline_mode<synchronous>, transform_indices = @transform_29, window_bounds = array<i64: 1, 128>}, {pipeline_mode = #tpu.pipeline_mode<synchronous>, transform_indices = @transform_30, window_bounds = array<i64: 128, 128>}, {pipeline_mode = #tpu.pipeline_mode<synchronous>, transform_indices = @transform_31, window_bounds = array<i64: 128, 128>}, {pipeline_mode = #tpu.pipeline_mode<synchronous>, transform_indices = @transform_32, window_bounds = array<i64: 128, 128>}, {pipeline_mode = #tpu.pipeline_mode<synchronous>, transform_indices = @transform_33, window_bounds = array<i64: 1, 128>}, {pipeline_mode = #tpu.pipeline_mode<synchronous>, transform_indices = @transform_34, window_bounds = array<i64: 1, 128>}, {pipeline_mode = #tpu.pipeline_mode<synchronous>, transform_indices = @transform_35, window_bounds = array<i64: 1, 128>}, {pipeline_mode = #tpu.pipeline_mode<synchronous>, transform_indices = @transform_36, window_bounds = array<i64: 128, 512>}, {pipeline_mode = #tpu.pipeline_mode<synchronous>, transform_indices = @transform_37, window_bounds = array<i64: 1, 512>}, {pipeline_mode = #tpu.pipeline_mode<synchronous>, transform_indices = @transform_38, window_bounds = array<i64: 512, 128>}, {pipeline_mode = #tpu.pipeline_mode<synchronous>, transform_indices = @transform_39, window_bounds = array<i64: 1, 128>}, {pipeline_mode = #tpu.pipeline_mode<synchronous>, transform_indices = @transform_40, window_bounds = array<i64: 1, 128>}, {pipeline_mode = #tpu.pipeline_mode<synchronous>, transform_indices = @transform_41, window_bounds = array<i64: 1, 128>}, {transform_indices = @transform_42, window_bounds = array<i64: 1, 32, 128>}]} {
    %iota3A = tpu.iota {dimensions = array<i32: 0>} : vector<128x8xi32>
    %iota3A_0 = tpu.iota {dimensions = array<i32: 1>} : vector<128x8xi32>
    %jit3A = arith.constant 16 : i32
    %div3A = vector.broadcast %jit3A : i32 to vector<128x8xi32>
    %div3A_1 = arith.divsi %iota3A, %div3A : vector<128x8xi32>
    %sign3A = arith.constant 0 : i32
    %sign3A_2 = vector.broadcast %sign3A : i32 to vector<128x8xi32>
    %sign3A_3 = arith.cmpi sgt, %iota3A, %sign3A_2 : vector<128x8xi32>
    %sign3A_4 = arith.extui %sign3A_3 : vector<128x8xi1> to vector<128x8xi32>
    %sign3A_5 = arith.constant 0 : i32
    %sign3A_6 = vector.broadcast %sign3A_5 : i32 to vector<128x8xi32>
    %sign3A_7 = arith.cmpi slt, %iota3A, %sign3A_6 : vector<128x8xi32>
    %sign3A_8 = arith.extui %sign3A_7 : vector<128x8xi1> to vector<128x8xi32>
    %sign3A_9 = arith.subi %sign3A_4, %sign3A_8 : vector<128x8xi32>
    %sign3A_10 = arith.constant 0 : i32
    %sign3A_11 = arith.cmpi sgt, %jit3A, %sign3A_10 : i32
    %sign3A_12 = arith.extui %sign3A_11 : i1 to i32
    %sign3A_13 = arith.constant 0 : i32
    %sign3A_14 = arith.cmpi slt, %jit3A, %sign3A_13 : i32
    %sign3A_15 = arith.extui %sign3A_14 : i1 to i32
    %sign3A_16 = arith.subi %sign3A_12, %sign3A_15 : i32
    %ne3A = vector.broadcast %sign3A_16 : i32 to vector<128x8xi32>
    %ne3A_17 = arith.cmpi ne, %sign3A_9, %ne3A : vector<128x8xi32>
    %rem3A = vector.broadcast %jit3A : i32 to vector<128x8xi32>
    %rem3A_18 = arith.remsi %iota3A, %rem3A : vector<128x8xi32>
    %ne3A_19 = arith.constant 0 : i32
    %ne3A_20 = vector.broadcast %ne3A_19 : i32 to vector<128x8xi32>
    %ne3A_21 = arith.cmpi ne, %rem3A_18, %ne3A_20 : vector<128x8xi32>
    %and3A = arith.andi %ne3A_17, %ne3A_21 : vector<128x8xi1>
    %sub3A = arith.constant 1 : i32
    %sub3A_22 = vector.broadcast %sub3A : i32 to vector<128x8xi32>
    %sub3A_23 = arith.subi %div3A_1, %sub3A_22 : vector<128x8xi32>
    %select_n3A = arith.select %and3A, %sub3A_23, %div3A_1 : vector<128x8xi1>, vector<128x8xi32>
    %eq3A = arith.cmpi eq, %select_n3A, %iota3A_0 : vector<128x8xi32>
    %convert_element_type3A = arith.extui %eq3A : vector<128x8xi1> to vector<128x8xi32>
    %convert_element_type3A_24 = arith.sitofp %convert_element_type3A : vector<128x8xi32> to vector<128x8xf32>
    %get3A = arith.constant 0 : index
    %get3A_25 = arith.constant 0 : index
    %get3A_26 = arith.constant 0 : index
    %get3A_27 = vector.load %arg1[%get3A, %get3A_25, %get3A_26] : memref<1x32x128xf32, #tpu.memory_space<vmem>>, vector<1x32x128xf32>
    %get3A_28 = vector.shape_cast %get3A_27 : vector<1x32x128xf32> to vector<32x128xf32>
    %get3A_29 = arith.constant 0 : index
    %get3A_30 = arith.constant 0 : index
    %get3A_31 = vector.load %arg2[%get3A_29, %get3A_30] : memref<64x128xf32, #tpu.memory_space<vmem>>, vector<64x128xf32>
    %get3A_32 = arith.constant 0 : index
    %get3A_33 = arith.constant 0 : index
    %get3A_34 = arith.constant 0 : index
    %get3A_35 = vector.load %arg3[%get3A_32, %get3A_33, %get3A_34] : memref<1x32x16xi32, #tpu.memory_space<vmem>>, vector<1x32x16xi32>
    %get3A_36 = vector.shape_cast %get3A_35 : vector<1x32x16xi32> to vector<32x16xi32>
    %get3A_37 = arith.constant 0 : index
    %get3A_38 = arith.constant 0 : index
    %get3A_39 = arith.constant 0 : index
    %get3A_40 = vector.load %arg4[%get3A_37, %get3A_38, %get3A_39] : memref<1x512x128xf32, #tpu.memory_space<vmem>>, vector<1x512x128xf32>
    %get3A_41 = vector.shape_cast %get3A_40 : vector<1x512x128xf32> to vector<512x128xf32>
    %broadcast_in_dim3A = vector.shape_cast %get3A_36 : vector<32x16xi32> to vector<32x16x1xi32>
    %iota3A_42 = tpu.iota {dimensions = array<i32: 2>} : vector<32x16x64xi32>
    %eq3A_43 = vector.broadcast %broadcast_in_dim3A : vector<32x16x1xi32> to vector<32x16x64xi32>
    %eq3A_44 = arith.cmpi eq, %eq3A_43, %iota3A_42 : vector<32x16x64xi32>
    %convert_element_type3A_45 = arith.extui %eq3A_44 : vector<32x16x64xi1> to vector<32x16x64xi32>
    %convert_element_type3A_46 = arith.sitofp %convert_element_type3A_45 : vector<32x16x64xi32> to vector<32x16x64xf32>
    %reshape3A = vector.shape_cast %convert_element_type3A_46 : vector<32x16x64xf32> to vector<512x64xf32>
    %dot_general3A = arith.constant dense<0.000000e+00> : vector<512x128xf32>
    %dot_general3A_47 = tpu.matmul %reshape3A, %get3A_31, %dot_general3A {dimension_numbers = #tpu.dot_dimension_numbers<[1], [0], [0], [1], [0, 0, 1, 1], [], []>, transpose_lhs_hint = false} : vector<512x64xf32>, vector<64x128xf32>, vector<512x128xf32> -> vector<512x128xf32>
    %get3A_48 = arith.constant 0 : index
    %get3A_49 = arith.constant 0 : index
    %get3A_50 = vector.load %arg9[%get3A_48, %get3A_49] : memref<128x128xf32, #tpu.memory_space<vmem>>, vector<128x128xf32>
    %dot_general3A_51 = arith.constant dense<0.000000e+00> : vector<512x128xf32>
    %dot_general3A_52 = tpu.matmul %dot_general3A_47, %get3A_50, %dot_general3A_51 {dimension_numbers = #tpu.dot_dimension_numbers<[1], [0], [0], [1], [0, 0, 1, 1], [], []>, transpose_lhs_hint = false} : vector<512x128xf32>, vector<128x128xf32>, vector<512x128xf32> -> vector<512x128xf32>
    %get3A_53 = arith.constant 0 : index
    %get3A_54 = arith.constant 0 : index
    %get3A_55 = vector.load %arg13[%get3A_53, %get3A_54] : memref<128x128xf32, #tpu.memory_space<vmem>>, vector<128x128xf32>
    %dot_general3A_56 = arith.constant dense<0.000000e+00> : vector<512x128xf32>
    %dot_general3A_57 = tpu.matmul %get3A_41, %get3A_55, %dot_general3A_56 {dimension_numbers = #tpu.dot_dimension_numbers<[1], [0], [0], [1], [0, 0, 1, 1], [], []>, transpose_lhs_hint = false} : vector<512x128xf32>, vector<128x128xf32>, vector<512x128xf32> -> vector<512x128xf32>
    %add3A = arith.addf %dot_general3A_52, %dot_general3A_57 : vector<512x128xf32>
    %get3A_58 = arith.constant 0 : index
    %get3A_59 = arith.constant 0 : index
    %get3A_60 = vector.load %arg10[%get3A_58, %get3A_59] : memref<1x128xf32, #tpu.memory_space<vmem>>, vector<1x128xf32>
    %add3A_61 = vector.broadcast %get3A_60 : vector<1x128xf32> to vector<512x128xf32>
    %add3A_62 = arith.addf %add3A, %add3A_61 : vector<512x128xf32>
    %get3A_63 = arith.constant 0 : index
    %get3A_64 = arith.constant 0 : index
    %get3A_65 = vector.load %arg11[%get3A_63, %get3A_64] : memref<128x128xf32, #tpu.memory_space<vmem>>, vector<128x128xf32>
    %dot_general3A_66 = arith.constant dense<0.000000e+00> : vector<512x128xf32>
    %dot_general3A_67 = tpu.matmul %dot_general3A_47, %get3A_65, %dot_general3A_66 {dimension_numbers = #tpu.dot_dimension_numbers<[1], [0], [0], [1], [0, 0, 1, 1], [], []>, transpose_lhs_hint = false} : vector<512x128xf32>, vector<128x128xf32>, vector<512x128xf32> -> vector<512x128xf32>
    %get3A_68 = arith.constant 0 : index
    %get3A_69 = arith.constant 0 : index
    %get3A_70 = vector.load %arg14[%get3A_68, %get3A_69] : memref<128x128xf32, #tpu.memory_space<vmem>>, vector<128x128xf32>
    %dot_general3A_71 = arith.constant dense<0.000000e+00> : vector<512x128xf32>
    %dot_general3A_72 = tpu.matmul %get3A_41, %get3A_70, %dot_general3A_71 {dimension_numbers = #tpu.dot_dimension_numbers<[1], [0], [0], [1], [0, 0, 1, 1], [], []>, transpose_lhs_hint = false} : vector<512x128xf32>, vector<128x128xf32>, vector<512x128xf32> -> vector<512x128xf32>
    %add3A_73 = arith.addf %dot_general3A_67, %dot_general3A_72 : vector<512x128xf32>
    %get3A_74 = arith.constant 0 : index
    %get3A_75 = arith.constant 0 : index
    %get3A_76 = vector.load %arg12[%get3A_74, %get3A_75] : memref<1x128xf32, #tpu.memory_space<vmem>>, vector<1x128xf32>
    %add3A_77 = vector.broadcast %get3A_76 : vector<1x128xf32> to vector<512x128xf32>
    %add3A_78 = arith.addf %add3A_73, %add3A_77 : vector<512x128xf32>
    %reshape3A_79 = vector.shape_cast %add3A_78 : vector<512x128xf32> to vector<32x16x128xf32>
    %get3A_80 = arith.constant 0 : index
    %get3A_81 = arith.constant 0 : index
    %get3A_82 = vector.load %arg7[%get3A_80, %get3A_81] : memref<128x128xf32, #tpu.memory_space<vmem>>, vector<128x128xf32>
    %dot_general3A_83 = arith.constant dense<0.000000e+00> : vector<32x128xf32>
    %dot_general3A_84 = tpu.matmul %get3A_28, %get3A_82, %dot_general3A_83 {dimension_numbers = #tpu.dot_dimension_numbers<[1], [0], [0], [1], [0, 0, 1, 1], [], []>, transpose_lhs_hint = false} : vector<32x128xf32>, vector<128x128xf32>, vector<32x128xf32> -> vector<32x128xf32>
    %get3A_85 = arith.constant 0 : index
    %get3A_86 = arith.constant 0 : index
    %get3A_87 = vector.load %arg8[%get3A_85, %get3A_86] : memref<1x128xf32, #tpu.memory_space<vmem>>, vector<1x128xf32>
    %add3A_88 = vector.broadcast %get3A_87 : vector<1x128xf32> to vector<32x128xf32>
    %add3A_89 = arith.addf %dot_general3A_84, %add3A_88 : vector<32x128xf32>
    %broadcast_in_dim3A_90 = vector.shape_cast %add3A_89 : vector<32x128xf32> to vector<32x1x128xf32>
    %reshape3A_91 = vector.shape_cast %add3A_62 : vector<512x128xf32> to vector<32x16x128xf32>
    %mul3A = vector.broadcast %broadcast_in_dim3A_90 : vector<32x1x128xf32> to vector<32x16x128xf32>
    %mul3A_92 = arith.mulf %mul3A, %reshape3A_91 : vector<32x16x128xf32>
    %reshape3A_93 = vector.shape_cast %mul3A_92 : vector<32x16x128xf32> to vector<512x128xf32>
    %dot_general3A_94 = arith.constant dense<0.000000e+00> : vector<512x8xf32>
    %dot_general3A_95 = tpu.matmul %reshape3A_93, %convert_element_type3A_24, %dot_general3A_94 {dimension_numbers = #tpu.dot_dimension_numbers<[1], [0], [0], [1], [0, 0, 1, 1], [], []>, transpose_lhs_hint = false} : vector<512x128xf32>, vector<128x8xf32>, vector<512x8xf32> -> vector<512x8xf32>
    %reshape3A_96 = vector.shape_cast %dot_general3A_95 : vector<512x8xf32> to vector<32x16x8xf32>
    %mul3A_97 = arith.constant 2.500000e-01 : f32
    %mul3A_98 = vector.broadcast %mul3A_97 : f32 to vector<32x16x8xf32>
    %mul3A_99 = arith.mulf %reshape3A_96, %mul3A_98 : vector<32x16x8xf32>
    %reduce_max3A = arith.constant dense<0xFF800000> : vector<32x8xf32>
    %reduce_max3A_100 = vector.multi_reduction <maximumf>, %mul3A_99, %reduce_max3A [1] : vector<32x16x8xf32> to vector<32x8xf32>
    %broadcast_in_dim3A_101 = vector.shape_cast %reduce_max3A_100 : vector<32x8xf32> to vector<32x1x8xf32>
    %sub3A_102 = vector.broadcast %broadcast_in_dim3A_101 : vector<32x1x8xf32> to vector<32x16x8xf32>
    %sub3A_103 = arith.subf %mul3A_99, %sub3A_102 : vector<32x16x8xf32>
    %exp3A = math.exp %sub3A_103 : vector<32x16x8xf32>
    %reduce_sum3A = arith.constant dense<0.000000e+00> : vector<32x8xf32>
    %reduce_sum3A_104 = vector.multi_reduction <add>, %exp3A, %reduce_sum3A [1] : vector<32x16x8xf32> to vector<32x8xf32>
    %broadcast_in_dim3A_105 = vector.shape_cast %reduce_sum3A_104 : vector<32x8xf32> to vector<32x1x8xf32>
    %div3A_106 = vector.broadcast %broadcast_in_dim3A_105 : vector<32x1x8xf32> to vector<32x16x8xf32>
    %div3A_107 = arith.divf %exp3A, %div3A_106 : vector<32x16x8xf32>
    %reshape3A_108 = vector.shape_cast %div3A_107 : vector<32x16x8xf32> to vector<512x8xf32>
    %transpose3A = tpu.transpose %convert_element_type3A_24, [1, 0] : vector<128x8xf32> -> vector<8x128xf32>
    %dot_general3A_109 = arith.constant dense<0.000000e+00> : vector<512x128xf32>
    %dot_general3A_110 = tpu.matmul %reshape3A_108, %transpose3A, %dot_general3A_109 {dimension_numbers = #tpu.dot_dimension_numbers<[1], [0], [0], [1], [0, 0, 1, 1], [], []>, transpose_lhs_hint = false} : vector<512x8xf32>, vector<8x128xf32>, vector<512x128xf32> -> vector<512x128xf32>
    %reshape3A_111 = vector.shape_cast %dot_general3A_110 : vector<512x128xf32> to vector<32x16x128xf32>
    %mul3A_112 = arith.mulf %reshape3A_111, %reshape3A_79 : vector<32x16x128xf32>
    %reduce_sum3A_113 = arith.constant dense<0.000000e+00> : vector<32x128xf32>
    %reduce_sum3A_114 = vector.multi_reduction <add>, %mul3A_112, %reduce_sum3A_113 [1] : vector<32x16x128xf32> to vector<32x128xf32>
    %get3A_115 = arith.constant 0 : index
    %get3A_116 = arith.constant 0 : index
    %get3A_117 = vector.load %arg15[%get3A_115, %get3A_116] : memref<128x128xf32, #tpu.memory_space<vmem>>, vector<128x128xf32>
    %dot_general3A_118 = arith.constant dense<0.000000e+00> : vector<32x128xf32>
    %dot_general3A_119 = tpu.matmul %reduce_sum3A_114, %get3A_117, %dot_general3A_118 {dimension_numbers = #tpu.dot_dimension_numbers<[1], [0], [0], [1], [0, 0, 1, 1], [], []>, transpose_lhs_hint = false} : vector<32x128xf32>, vector<128x128xf32>, vector<32x128xf32> -> vector<32x128xf32>
    %add3A_120 = arith.addf %get3A_28, %dot_general3A_119 : vector<32x128xf32>
    %get3A_121 = arith.constant 0 : index
    %get3A_122 = arith.constant 0 : index
    %get3A_123 = vector.load %arg16[%get3A_121, %get3A_122] : memref<1x128xf32, #tpu.memory_space<vmem>>, vector<1x128xf32>
    %add3A_124 = vector.broadcast %get3A_123 : vector<1x128xf32> to vector<32x128xf32>
    %add3A_125 = arith.addf %add3A_120, %add3A_124 : vector<32x128xf32>
    %get3A_126 = arith.constant 0 : index
    %get3A_127 = arith.constant 0 : index
    %get3A_128 = vector.load %arg17[%get3A_126, %get3A_127] : memref<1x128xf32, #tpu.memory_space<vmem>>, vector<1x128xf32>
    %get3A_129 = arith.constant 0 : index
    %get3A_130 = arith.constant 0 : index
    %get3A_131 = vector.load %arg18[%get3A_129, %get3A_130] : memref<1x128xf32, #tpu.memory_space<vmem>>, vector<1x128xf32>
    %reduce_sum3A_132 = arith.constant dense<0.000000e+00> : vector<32xf32>
    %reduce_sum3A_133 = vector.multi_reduction <add>, %add3A_125, %reduce_sum3A_132 [1] : vector<32x128xf32> to vector<32xf32>
    %broadcast_in_dim3A_134 = vector.shape_cast %reduce_sum3A_133 : vector<32xf32> to vector<32x1xf32>
    %div3A_135 = arith.constant 1.280000e+02 : f32
    %div3A_136 = vector.broadcast %div3A_135 : f32 to vector<32x1xf32>
    %div3A_137 = arith.divf %broadcast_in_dim3A_134, %div3A_136 : vector<32x1xf32>
    %sub3A_138 = vector.broadcast %div3A_137 : vector<32x1xf32> to vector<32x128xf32>
    %sub3A_139 = arith.subf %add3A_125, %sub3A_138 : vector<32x128xf32>
    %mul3A_140 = arith.mulf %sub3A_139, %sub3A_139 : vector<32x128xf32>
    %reduce_sum3A_141 = arith.constant dense<0.000000e+00> : vector<32xf32>
    %reduce_sum3A_142 = vector.multi_reduction <add>, %mul3A_140, %reduce_sum3A_141 [1] : vector<32x128xf32> to vector<32xf32>
    %broadcast_in_dim3A_143 = vector.shape_cast %reduce_sum3A_142 : vector<32xf32> to vector<32x1xf32>
    %div3A_144 = arith.constant 1.280000e+02 : f32
    %div3A_145 = vector.broadcast %div3A_144 : f32 to vector<32x1xf32>
    %div3A_146 = arith.divf %broadcast_in_dim3A_143, %div3A_145 : vector<32x1xf32>
    %add3A_147 = arith.constant 9.99999974E-6 : f32
    %add3A_148 = vector.broadcast %add3A_147 : f32 to vector<32x1xf32>
    %add3A_149 = arith.addf %div3A_146, %add3A_148 : vector<32x1xf32>
    %rsqrt3A = math.rsqrt %add3A_149 : vector<32x1xf32>
    %mul3A_150 = vector.broadcast %rsqrt3A : vector<32x1xf32> to vector<32x128xf32>
    %mul3A_151 = arith.mulf %sub3A_139, %mul3A_150 : vector<32x128xf32>
    %mul3A_152 = vector.broadcast %get3A_128 : vector<1x128xf32> to vector<32x128xf32>
    %mul3A_153 = arith.mulf %mul3A_151, %mul3A_152 : vector<32x128xf32>
    %add3A_154 = vector.broadcast %get3A_131 : vector<1x128xf32> to vector<32x128xf32>
    %add3A_155 = arith.addf %mul3A_153, %add3A_154 : vector<32x128xf32>
    %get3A_156 = arith.constant 0 : index
    %get3A_157 = arith.constant 0 : index
    %get3A_158 = vector.load %arg19[%get3A_156, %get3A_157] : memref<128x512xf32, #tpu.memory_space<vmem>>, vector<128x512xf32>
    %dot_general3A_159 = arith.constant dense<0.000000e+00> : vector<32x512xf32>
    %dot_general3A_160 = tpu.matmul %add3A_155, %get3A_158, %dot_general3A_159 {dimension_numbers = #tpu.dot_dimension_numbers<[1], [0], [0], [1], [0, 0, 1, 1], [], []>, transpose_lhs_hint = false} : vector<32x128xf32>, vector<128x512xf32>, vector<32x512xf32> -> vector<32x512xf32>
    %get3A_161 = arith.constant 0 : index
    %get3A_162 = arith.constant 0 : index
    %get3A_163 = vector.load %arg20[%get3A_161, %get3A_162] : memref<1x512xf32, #tpu.memory_space<vmem>>, vector<1x512xf32>
    %add3A_164 = vector.broadcast %get3A_163 : vector<1x512xf32> to vector<32x512xf32>
    %add3A_165 = arith.addf %dot_general3A_160, %add3A_164 : vector<32x512xf32>
    %max3A = arith.constant 0.000000e+00 : f32
    %max3A_166 = vector.broadcast %max3A : f32 to vector<32x512xf32>
    %max3A_167 = arith.maximumf %add3A_165, %max3A_166 : vector<32x512xf32>
    %get3A_168 = arith.constant 0 : index
    %get3A_169 = arith.constant 0 : index
    %get3A_170 = vector.load %arg21[%get3A_168, %get3A_169] : memref<512x128xf32, #tpu.memory_space<vmem>>, vector<512x128xf32>
    %dot_general3A_171 = arith.constant dense<0.000000e+00> : vector<32x128xf32>
    %dot_general3A_172 = tpu.matmul %max3A_167, %get3A_170, %dot_general3A_171 {dimension_numbers = #tpu.dot_dimension_numbers<[1], [0], [0], [1], [0, 0, 1, 1], [], []>, transpose_lhs_hint = false} : vector<32x512xf32>, vector<512x128xf32>, vector<32x128xf32> -> vector<32x128xf32>
    %get3A_173 = arith.constant 0 : index
    %get3A_174 = arith.constant 0 : index
    %get3A_175 = vector.load %arg22[%get3A_173, %get3A_174] : memref<1x128xf32, #tpu.memory_space<vmem>>, vector<1x128xf32>
    %add3A_176 = vector.broadcast %get3A_175 : vector<1x128xf32> to vector<32x128xf32>
    %add3A_177 = arith.addf %dot_general3A_172, %add3A_176 : vector<32x128xf32>
    %add3A_178 = arith.addf %add3A_155, %add3A_177 : vector<32x128xf32>
    %get3A_179 = arith.constant 0 : index
    %get3A_180 = arith.constant 0 : index
    %get3A_181 = vector.load %arg23[%get3A_179, %get3A_180] : memref<1x128xf32, #tpu.memory_space<vmem>>, vector<1x128xf32>
    %get3A_182 = arith.constant 0 : index
    %get3A_183 = arith.constant 0 : index
    %get3A_184 = vector.load %arg24[%get3A_182, %get3A_183] : memref<1x128xf32, #tpu.memory_space<vmem>>, vector<1x128xf32>
    %reduce_sum3A_185 = arith.constant dense<0.000000e+00> : vector<32xf32>
    %reduce_sum3A_186 = vector.multi_reduction <add>, %add3A_178, %reduce_sum3A_185 [1] : vector<32x128xf32> to vector<32xf32>
    %broadcast_in_dim3A_187 = vector.shape_cast %reduce_sum3A_186 : vector<32xf32> to vector<32x1xf32>
    %div3A_188 = arith.constant 1.280000e+02 : f32
    %div3A_189 = vector.broadcast %div3A_188 : f32 to vector<32x1xf32>
    %div3A_190 = arith.divf %broadcast_in_dim3A_187, %div3A_189 : vector<32x1xf32>
    %sub3A_191 = vector.broadcast %div3A_190 : vector<32x1xf32> to vector<32x128xf32>
    %sub3A_192 = arith.subf %add3A_178, %sub3A_191 : vector<32x128xf32>
    %mul3A_193 = arith.mulf %sub3A_192, %sub3A_192 : vector<32x128xf32>
    %reduce_sum3A_194 = arith.constant dense<0.000000e+00> : vector<32xf32>
    %reduce_sum3A_195 = vector.multi_reduction <add>, %mul3A_193, %reduce_sum3A_194 [1] : vector<32x128xf32> to vector<32xf32>
    %broadcast_in_dim3A_196 = vector.shape_cast %reduce_sum3A_195 : vector<32xf32> to vector<32x1xf32>
    %div3A_197 = arith.constant 1.280000e+02 : f32
    %div3A_198 = vector.broadcast %div3A_197 : f32 to vector<32x1xf32>
    %div3A_199 = arith.divf %broadcast_in_dim3A_196, %div3A_198 : vector<32x1xf32>
    %add3A_200 = arith.constant 9.99999974E-6 : f32
    %add3A_201 = vector.broadcast %add3A_200 : f32 to vector<32x1xf32>
    %add3A_202 = arith.addf %div3A_199, %add3A_201 : vector<32x1xf32>
    %rsqrt3A_203 = math.rsqrt %add3A_202 : vector<32x1xf32>
    %mul3A_204 = vector.broadcast %rsqrt3A_203 : vector<32x1xf32> to vector<32x128xf32>
    %mul3A_205 = arith.mulf %sub3A_192, %mul3A_204 : vector<32x128xf32>
    %mul3A_206 = vector.broadcast %get3A_181 : vector<1x128xf32> to vector<32x128xf32>
    %mul3A_207 = arith.mulf %mul3A_205, %mul3A_206 : vector<32x128xf32>
    %add3A_208 = vector.broadcast %get3A_184 : vector<1x128xf32> to vector<32x128xf32>
    %add3A_209 = arith.addf %mul3A_207, %add3A_208 : vector<32x128xf32>
    %get3A_210 = arith.constant 0 : index
    %get3A_211 = arith.constant 0 : index
    %get3A_212 = arith.constant 0 : index
    %get3A_213 = vector.load %arg5[%get3A_210, %get3A_211, %get3A_212] : memref<1x32x16xi32, #tpu.memory_space<vmem>>, vector<1x32x16xi32>
    %get3A_214 = vector.shape_cast %get3A_213 : vector<1x32x16xi32> to vector<32x16xi32>
    %get3A_215 = arith.constant 0 : index
    %get3A_216 = arith.constant 0 : index
    %get3A_217 = arith.constant 0 : index
    %get3A_218 = vector.load %arg6[%get3A_215, %get3A_216, %get3A_217] : memref<1x512x128xf32, #tpu.memory_space<vmem>>, vector<1x512x128xf32>
    %get3A_219 = vector.shape_cast %get3A_218 : vector<1x512x128xf32> to vector<512x128xf32>
    %broadcast_in_dim3A_220 = vector.shape_cast %get3A_214 : vector<32x16xi32> to vector<32x16x1xi32>
    %iota3A_221 = tpu.iota {dimensions = array<i32: 2>} : vector<32x16x32xi32>
    %eq3A_222 = vector.broadcast %broadcast_in_dim3A_220 : vector<32x16x1xi32> to vector<32x16x32xi32>
    %eq3A_223 = arith.cmpi eq, %eq3A_222, %iota3A_221 : vector<32x16x32xi32>
    %convert_element_type3A_224 = arith.extui %eq3A_223 : vector<32x16x32xi1> to vector<32x16x32xi32>
    %convert_element_type3A_225 = arith.sitofp %convert_element_type3A_224 : vector<32x16x32xi32> to vector<32x16x32xf32>
    %reshape3A_226 = vector.shape_cast %convert_element_type3A_225 : vector<32x16x32xf32> to vector<512x32xf32>
    %dot_general3A_227 = arith.constant dense<0.000000e+00> : vector<512x128xf32>
    %dot_general3A_228 = tpu.matmul %reshape3A_226, %add3A_209, %dot_general3A_227 {dimension_numbers = #tpu.dot_dimension_numbers<[1], [0], [0], [1], [0, 0, 1, 1], [], []>, transpose_lhs_hint = false} : vector<512x32xf32>, vector<32x128xf32>, vector<512x128xf32> -> vector<512x128xf32>
    %get3A_229 = arith.constant 0 : index
    %get3A_230 = arith.constant 0 : index
    %get3A_231 = vector.load %arg27[%get3A_229, %get3A_230] : memref<128x128xf32, #tpu.memory_space<vmem>>, vector<128x128xf32>
    %dot_general3A_232 = arith.constant dense<0.000000e+00> : vector<512x128xf32>
    %dot_general3A_233 = tpu.matmul %dot_general3A_228, %get3A_231, %dot_general3A_232 {dimension_numbers = #tpu.dot_dimension_numbers<[1], [0], [0], [1], [0, 0, 1, 1], [], []>, transpose_lhs_hint = false} : vector<512x128xf32>, vector<128x128xf32>, vector<512x128xf32> -> vector<512x128xf32>
    %get3A_234 = arith.constant 0 : index
    %get3A_235 = arith.constant 0 : index
    %get3A_236 = vector.load %arg31[%get3A_234, %get3A_235] : memref<128x128xf32, #tpu.memory_space<vmem>>, vector<128x128xf32>
    %dot_general3A_237 = arith.constant dense<0.000000e+00> : vector<512x128xf32>
    %dot_general3A_238 = tpu.matmul %get3A_219, %get3A_236, %dot_general3A_237 {dimension_numbers = #tpu.dot_dimension_numbers<[1], [0], [0], [1], [0, 0, 1, 1], [], []>, transpose_lhs_hint = false} : vector<512x128xf32>, vector<128x128xf32>, vector<512x128xf32> -> vector<512x128xf32>
    %add3A_239 = arith.addf %dot_general3A_233, %dot_general3A_238 : vector<512x128xf32>
    %get3A_240 = arith.constant 0 : index
    %get3A_241 = arith.constant 0 : index
    %get3A_242 = vector.load %arg28[%get3A_240, %get3A_241] : memref<1x128xf32, #tpu.memory_space<vmem>>, vector<1x128xf32>
    %add3A_243 = vector.broadcast %get3A_242 : vector<1x128xf32> to vector<512x128xf32>
    %add3A_244 = arith.addf %add3A_239, %add3A_243 : vector<512x128xf32>
    %get3A_245 = arith.constant 0 : index
    %get3A_246 = arith.constant 0 : index
    %get3A_247 = vector.load %arg29[%get3A_245, %get3A_246] : memref<128x128xf32, #tpu.memory_space<vmem>>, vector<128x128xf32>
    %dot_general3A_248 = arith.constant dense<0.000000e+00> : vector<512x128xf32>
    %dot_general3A_249 = tpu.matmul %dot_general3A_228, %get3A_247, %dot_general3A_248 {dimension_numbers = #tpu.dot_dimension_numbers<[1], [0], [0], [1], [0, 0, 1, 1], [], []>, transpose_lhs_hint = false} : vector<512x128xf32>, vector<128x128xf32>, vector<512x128xf32> -> vector<512x128xf32>
    %get3A_250 = arith.constant 0 : index
    %get3A_251 = arith.constant 0 : index
    %get3A_252 = vector.load %arg32[%get3A_250, %get3A_251] : memref<128x128xf32, #tpu.memory_space<vmem>>, vector<128x128xf32>
    %dot_general3A_253 = arith.constant dense<0.000000e+00> : vector<512x128xf32>
    %dot_general3A_254 = tpu.matmul %get3A_219, %get3A_252, %dot_general3A_253 {dimension_numbers = #tpu.dot_dimension_numbers<[1], [0], [0], [1], [0, 0, 1, 1], [], []>, transpose_lhs_hint = false} : vector<512x128xf32>, vector<128x128xf32>, vector<512x128xf32> -> vector<512x128xf32>
    %add3A_255 = arith.addf %dot_general3A_249, %dot_general3A_254 : vector<512x128xf32>
    %get3A_256 = arith.constant 0 : index
    %get3A_257 = arith.constant 0 : index
    %get3A_258 = vector.load %arg30[%get3A_256, %get3A_257] : memref<1x128xf32, #tpu.memory_space<vmem>>, vector<1x128xf32>
    %add3A_259 = vector.broadcast %get3A_258 : vector<1x128xf32> to vector<512x128xf32>
    %add3A_260 = arith.addf %add3A_255, %add3A_259 : vector<512x128xf32>
    %reshape3A_261 = vector.shape_cast %add3A_260 : vector<512x128xf32> to vector<32x16x128xf32>
    %get3A_262 = arith.constant 0 : index
    %get3A_263 = arith.constant 0 : index
    %get3A_264 = vector.load %arg25[%get3A_262, %get3A_263] : memref<128x128xf32, #tpu.memory_space<vmem>>, vector<128x128xf32>
    %dot_general3A_265 = arith.constant dense<0.000000e+00> : vector<32x128xf32>
    %dot_general3A_266 = tpu.matmul %add3A_209, %get3A_264, %dot_general3A_265 {dimension_numbers = #tpu.dot_dimension_numbers<[1], [0], [0], [1], [0, 0, 1, 1], [], []>, transpose_lhs_hint = false} : vector<32x128xf32>, vector<128x128xf32>, vector<32x128xf32> -> vector<32x128xf32>
    %get3A_267 = arith.constant 0 : index
    %get3A_268 = arith.constant 0 : index
    %get3A_269 = vector.load %arg26[%get3A_267, %get3A_268] : memref<1x128xf32, #tpu.memory_space<vmem>>, vector<1x128xf32>
    %add3A_270 = vector.broadcast %get3A_269 : vector<1x128xf32> to vector<32x128xf32>
    %add3A_271 = arith.addf %dot_general3A_266, %add3A_270 : vector<32x128xf32>
    %broadcast_in_dim3A_272 = vector.shape_cast %add3A_271 : vector<32x128xf32> to vector<32x1x128xf32>
    %reshape3A_273 = vector.shape_cast %add3A_244 : vector<512x128xf32> to vector<32x16x128xf32>
    %mul3A_274 = vector.broadcast %broadcast_in_dim3A_272 : vector<32x1x128xf32> to vector<32x16x128xf32>
    %mul3A_275 = arith.mulf %mul3A_274, %reshape3A_273 : vector<32x16x128xf32>
    %reshape3A_276 = vector.shape_cast %mul3A_275 : vector<32x16x128xf32> to vector<512x128xf32>
    %dot_general3A_277 = arith.constant dense<0.000000e+00> : vector<512x8xf32>
    %dot_general3A_278 = tpu.matmul %reshape3A_276, %convert_element_type3A_24, %dot_general3A_277 {dimension_numbers = #tpu.dot_dimension_numbers<[1], [0], [0], [1], [0, 0, 1, 1], [], []>, transpose_lhs_hint = false} : vector<512x128xf32>, vector<128x8xf32>, vector<512x8xf32> -> vector<512x8xf32>
    %reshape3A_279 = vector.shape_cast %dot_general3A_278 : vector<512x8xf32> to vector<32x16x8xf32>
    %mul3A_280 = arith.constant 2.500000e-01 : f32
    %mul3A_281 = vector.broadcast %mul3A_280 : f32 to vector<32x16x8xf32>
    %mul3A_282 = arith.mulf %reshape3A_279, %mul3A_281 : vector<32x16x8xf32>
    %reduce_max3A_283 = arith.constant dense<0xFF800000> : vector<32x8xf32>
    %reduce_max3A_284 = vector.multi_reduction <maximumf>, %mul3A_282, %reduce_max3A_283 [1] : vector<32x16x8xf32> to vector<32x8xf32>
    %broadcast_in_dim3A_285 = vector.shape_cast %reduce_max3A_284 : vector<32x8xf32> to vector<32x1x8xf32>
    %sub3A_286 = vector.broadcast %broadcast_in_dim3A_285 : vector<32x1x8xf32> to vector<32x16x8xf32>
    %sub3A_287 = arith.subf %mul3A_282, %sub3A_286 : vector<32x16x8xf32>
    %exp3A_288 = math.exp %sub3A_287 : vector<32x16x8xf32>
    %reduce_sum3A_289 = arith.constant dense<0.000000e+00> : vector<32x8xf32>
    %reduce_sum3A_290 = vector.multi_reduction <add>, %exp3A_288, %reduce_sum3A_289 [1] : vector<32x16x8xf32> to vector<32x8xf32>
    %broadcast_in_dim3A_291 = vector.shape_cast %reduce_sum3A_290 : vector<32x8xf32> to vector<32x1x8xf32>
    %div3A_292 = vector.broadcast %broadcast_in_dim3A_291 : vector<32x1x8xf32> to vector<32x16x8xf32>
    %div3A_293 = arith.divf %exp3A_288, %div3A_292 : vector<32x16x8xf32>
    %reshape3A_294 = vector.shape_cast %div3A_293 : vector<32x16x8xf32> to vector<512x8xf32>
    %transpose3A_295 = tpu.transpose %convert_element_type3A_24, [1, 0] : vector<128x8xf32> -> vector<8x128xf32>
    %dot_general3A_296 = arith.constant dense<0.000000e+00> : vector<512x128xf32>
    %dot_general3A_297 = tpu.matmul %reshape3A_294, %transpose3A_295, %dot_general3A_296 {dimension_numbers = #tpu.dot_dimension_numbers<[1], [0], [0], [1], [0, 0, 1, 1], [], []>, transpose_lhs_hint = false} : vector<512x8xf32>, vector<8x128xf32>, vector<512x128xf32> -> vector<512x128xf32>
    %reshape3A_298 = vector.shape_cast %dot_general3A_297 : vector<512x128xf32> to vector<32x16x128xf32>
    %mul3A_299 = arith.mulf %reshape3A_298, %reshape3A_261 : vector<32x16x128xf32>
    %reduce_sum3A_300 = arith.constant dense<0.000000e+00> : vector<32x128xf32>
    %reduce_sum3A_301 = vector.multi_reduction <add>, %mul3A_299, %reduce_sum3A_300 [1] : vector<32x16x128xf32> to vector<32x128xf32>
    %get3A_302 = arith.constant 0 : index
    %get3A_303 = arith.constant 0 : index
    %get3A_304 = vector.load %arg33[%get3A_302, %get3A_303] : memref<128x128xf32, #tpu.memory_space<vmem>>, vector<128x128xf32>
    %dot_general3A_305 = arith.constant dense<0.000000e+00> : vector<32x128xf32>
    %dot_general3A_306 = tpu.matmul %reduce_sum3A_301, %get3A_304, %dot_general3A_305 {dimension_numbers = #tpu.dot_dimension_numbers<[1], [0], [0], [1], [0, 0, 1, 1], [], []>, transpose_lhs_hint = false} : vector<32x128xf32>, vector<128x128xf32>, vector<32x128xf32> -> vector<32x128xf32>
    %add3A_307 = arith.addf %add3A_209, %dot_general3A_306 : vector<32x128xf32>
    %get3A_308 = arith.constant 0 : index
    %get3A_309 = arith.constant 0 : index
    %get3A_310 = vector.load %arg34[%get3A_308, %get3A_309] : memref<1x128xf32, #tpu.memory_space<vmem>>, vector<1x128xf32>
    %add3A_311 = vector.broadcast %get3A_310 : vector<1x128xf32> to vector<32x128xf32>
    %add3A_312 = arith.addf %add3A_307, %add3A_311 : vector<32x128xf32>
    %get3A_313 = arith.constant 0 : index
    %get3A_314 = arith.constant 0 : index
    %get3A_315 = vector.load %arg35[%get3A_313, %get3A_314] : memref<1x128xf32, #tpu.memory_space<vmem>>, vector<1x128xf32>
    %get3A_316 = arith.constant 0 : index
    %get3A_317 = arith.constant 0 : index
    %get3A_318 = vector.load %arg36[%get3A_316, %get3A_317] : memref<1x128xf32, #tpu.memory_space<vmem>>, vector<1x128xf32>
    %reduce_sum3A_319 = arith.constant dense<0.000000e+00> : vector<32xf32>
    %reduce_sum3A_320 = vector.multi_reduction <add>, %add3A_312, %reduce_sum3A_319 [1] : vector<32x128xf32> to vector<32xf32>
    %broadcast_in_dim3A_321 = vector.shape_cast %reduce_sum3A_320 : vector<32xf32> to vector<32x1xf32>
    %div3A_322 = arith.constant 1.280000e+02 : f32
    %div3A_323 = vector.broadcast %div3A_322 : f32 to vector<32x1xf32>
    %div3A_324 = arith.divf %broadcast_in_dim3A_321, %div3A_323 : vector<32x1xf32>
    %sub3A_325 = vector.broadcast %div3A_324 : vector<32x1xf32> to vector<32x128xf32>
    %sub3A_326 = arith.subf %add3A_312, %sub3A_325 : vector<32x128xf32>
    %mul3A_327 = arith.mulf %sub3A_326, %sub3A_326 : vector<32x128xf32>
    %reduce_sum3A_328 = arith.constant dense<0.000000e+00> : vector<32xf32>
    %reduce_sum3A_329 = vector.multi_reduction <add>, %mul3A_327, %reduce_sum3A_328 [1] : vector<32x128xf32> to vector<32xf32>
    %broadcast_in_dim3A_330 = vector.shape_cast %reduce_sum3A_329 : vector<32xf32> to vector<32x1xf32>
    %div3A_331 = arith.constant 1.280000e+02 : f32
    %div3A_332 = vector.broadcast %div3A_331 : f32 to vector<32x1xf32>
    %div3A_333 = arith.divf %broadcast_in_dim3A_330, %div3A_332 : vector<32x1xf32>
    %add3A_334 = arith.constant 9.99999974E-6 : f32
    %add3A_335 = vector.broadcast %add3A_334 : f32 to vector<32x1xf32>
    %add3A_336 = arith.addf %div3A_333, %add3A_335 : vector<32x1xf32>
    %rsqrt3A_337 = math.rsqrt %add3A_336 : vector<32x1xf32>
    %mul3A_338 = vector.broadcast %rsqrt3A_337 : vector<32x1xf32> to vector<32x128xf32>
    %mul3A_339 = arith.mulf %sub3A_326, %mul3A_338 : vector<32x128xf32>
    %mul3A_340 = vector.broadcast %get3A_315 : vector<1x128xf32> to vector<32x128xf32>
    %mul3A_341 = arith.mulf %mul3A_339, %mul3A_340 : vector<32x128xf32>
    %add3A_342 = vector.broadcast %get3A_318 : vector<1x128xf32> to vector<32x128xf32>
    %add3A_343 = arith.addf %mul3A_341, %add3A_342 : vector<32x128xf32>
    %get3A_344 = arith.constant 0 : index
    %get3A_345 = arith.constant 0 : index
    %get3A_346 = vector.load %arg37[%get3A_344, %get3A_345] : memref<128x512xf32, #tpu.memory_space<vmem>>, vector<128x512xf32>
    %dot_general3A_347 = arith.constant dense<0.000000e+00> : vector<32x512xf32>
    %dot_general3A_348 = tpu.matmul %add3A_343, %get3A_346, %dot_general3A_347 {dimension_numbers = #tpu.dot_dimension_numbers<[1], [0], [0], [1], [0, 0, 1, 1], [], []>, transpose_lhs_hint = false} : vector<32x128xf32>, vector<128x512xf32>, vector<32x512xf32> -> vector<32x512xf32>
    %get3A_349 = arith.constant 0 : index
    %get3A_350 = arith.constant 0 : index
    %get3A_351 = vector.load %arg38[%get3A_349, %get3A_350] : memref<1x512xf32, #tpu.memory_space<vmem>>, vector<1x512xf32>
    %add3A_352 = vector.broadcast %get3A_351 : vector<1x512xf32> to vector<32x512xf32>
    %add3A_353 = arith.addf %dot_general3A_348, %add3A_352 : vector<32x512xf32>
    %max3A_354 = arith.constant 0.000000e+00 : f32
    %max3A_355 = vector.broadcast %max3A_354 : f32 to vector<32x512xf32>
    %max3A_356 = arith.maximumf %add3A_353, %max3A_355 : vector<32x512xf32>
    %get3A_357 = arith.constant 0 : index
    %get3A_358 = arith.constant 0 : index
    %get3A_359 = vector.load %arg39[%get3A_357, %get3A_358] : memref<512x128xf32, #tpu.memory_space<vmem>>, vector<512x128xf32>
    %dot_general3A_360 = arith.constant dense<0.000000e+00> : vector<32x128xf32>
    %dot_general3A_361 = tpu.matmul %max3A_356, %get3A_359, %dot_general3A_360 {dimension_numbers = #tpu.dot_dimension_numbers<[1], [0], [0], [1], [0, 0, 1, 1], [], []>, transpose_lhs_hint = false} : vector<32x512xf32>, vector<512x128xf32>, vector<32x128xf32> -> vector<32x128xf32>
    %get3A_362 = arith.constant 0 : index
    %get3A_363 = arith.constant 0 : index
    %get3A_364 = vector.load %arg40[%get3A_362, %get3A_363] : memref<1x128xf32, #tpu.memory_space<vmem>>, vector<1x128xf32>
    %add3A_365 = vector.broadcast %get3A_364 : vector<1x128xf32> to vector<32x128xf32>
    %add3A_366 = arith.addf %dot_general3A_361, %add3A_365 : vector<32x128xf32>
    %add3A_367 = arith.addf %add3A_343, %add3A_366 : vector<32x128xf32>
    %get3A_368 = arith.constant 0 : index
    %get3A_369 = arith.constant 0 : index
    %get3A_370 = vector.load %arg41[%get3A_368, %get3A_369] : memref<1x128xf32, #tpu.memory_space<vmem>>, vector<1x128xf32>
    %get3A_371 = arith.constant 0 : index
    %get3A_372 = arith.constant 0 : index
    %get3A_373 = vector.load %arg42[%get3A_371, %get3A_372] : memref<1x128xf32, #tpu.memory_space<vmem>>, vector<1x128xf32>
    %reduce_sum3A_374 = arith.constant dense<0.000000e+00> : vector<32xf32>
    %reduce_sum3A_375 = vector.multi_reduction <add>, %add3A_367, %reduce_sum3A_374 [1] : vector<32x128xf32> to vector<32xf32>
    %broadcast_in_dim3A_376 = vector.shape_cast %reduce_sum3A_375 : vector<32xf32> to vector<32x1xf32>
    %div3A_377 = arith.constant 1.280000e+02 : f32
    %div3A_378 = vector.broadcast %div3A_377 : f32 to vector<32x1xf32>
    %div3A_379 = arith.divf %broadcast_in_dim3A_376, %div3A_378 : vector<32x1xf32>
    %sub3A_380 = vector.broadcast %div3A_379 : vector<32x1xf32> to vector<32x128xf32>
    %sub3A_381 = arith.subf %add3A_367, %sub3A_380 : vector<32x128xf32>
    %mul3A_382 = arith.mulf %sub3A_381, %sub3A_381 : vector<32x128xf32>
    %reduce_sum3A_383 = arith.constant dense<0.000000e+00> : vector<32xf32>
    %reduce_sum3A_384 = vector.multi_reduction <add>, %mul3A_382, %reduce_sum3A_383 [1] : vector<32x128xf32> to vector<32xf32>
    %broadcast_in_dim3A_385 = vector.shape_cast %reduce_sum3A_384 : vector<32xf32> to vector<32x1xf32>
    %div3A_386 = arith.constant 1.280000e+02 : f32
    %div3A_387 = vector.broadcast %div3A_386 : f32 to vector<32x1xf32>
    %div3A_388 = arith.divf %broadcast_in_dim3A_385, %div3A_387 : vector<32x1xf32>
    %add3A_389 = arith.constant 9.99999974E-6 : f32
    %add3A_390 = vector.broadcast %add3A_389 : f32 to vector<32x1xf32>
    %add3A_391 = arith.addf %div3A_388, %add3A_390 : vector<32x1xf32>
    %rsqrt3A_392 = math.rsqrt %add3A_391 : vector<32x1xf32>
    %mul3A_393 = vector.broadcast %rsqrt3A_392 : vector<32x1xf32> to vector<32x128xf32>
    %mul3A_394 = arith.mulf %sub3A_381, %mul3A_393 : vector<32x128xf32>
    %mul3A_395 = vector.broadcast %get3A_370 : vector<1x128xf32> to vector<32x128xf32>
    %mul3A_396 = arith.mulf %mul3A_394, %mul3A_395 : vector<32x128xf32>
    %add3A_397 = vector.broadcast %get3A_373 : vector<1x128xf32> to vector<32x128xf32>
    %add3A_398 = arith.addf %mul3A_396, %add3A_397 : vector<32x128xf32>
    %swap3A = arith.constant 0 : index
    %swap3A_399 = arith.constant 0 : index
    %swap3A_400 = arith.constant 0 : index
    %swap3A_401 = vector.load %arg43[%swap3A, %swap3A_399, %swap3A_400] : memref<1x32x128xf32, #tpu.memory_space<vmem>>, vector<1x32x128xf32>
    %swap3A_402 = vector.shape_cast %swap3A_401 : vector<1x32x128xf32> to vector<32x128xf32>
    %swap3A_403 = vector.shape_cast %add3A_398 : vector<32x128xf32> to vector<1x32x128xf32>
    tpu.vector_store %arg43[%swap3A, %swap3A_399, %swap3A_400], %swap3A_403 {strides = array<i32>} : memref<1x32x128xf32, #tpu.memory_space<vmem>>, vector<1x32x128xf32>,
    return
  }
  func.func @transform_0(%arg0: i32) -> (i32, i32, i32) {
    %c0_i32 = arith.constant 0 : i32
    %c0_i32_0 = arith.constant 0 : i32
    %c0_i32_1 = arith.constant 0 : i32
    return %arg0, %c0_i32, %c0_i32_0 : i32, i32, i32
  }
  func.func @transform_1(%arg0: i32) -> (i32, i32) {
    %c0_i32 = arith.constant 0 : i32
    %c0_i32_0 = arith.constant 0 : i32
    %c0_i32_1 = arith.constant 0 : i32
    return %c0_i32, %c0_i32_0 : i32, i32
  }
  func.func @transform_2(%arg0: i32) -> (i32, i32, i32) {
    %c0_i32 = arith.constant 0 : i32
    %c0_i32_0 = arith.constant 0 : i32
    %c0_i32_1 = arith.constant 0 : i32
    return %arg0, %c0_i32, %c0_i32_0 : i32, i32, i32
  }
  func.func @transform_3(%arg0: i32) -> (i32, i32, i32) {
    %c0_i32 = arith.constant 0 : i32
    %c0_i32_0 = arith.constant 0 : i32
    %c0_i32_1 = arith.constant 0 : i32
    return %arg0, %c0_i32, %c0_i32_0 : i32, i32, i32
  }
  func.func @transform_4(%arg0: i32) -> (i32, i32, i32) {
    %c0_i32 = arith.constant 0 : i32
    %c0_i32_0 = arith.constant 0 : i32
    %c0_i32_1 = arith.constant 0 : i32
    return %arg0, %c0_i32, %c0_i32_0 : i32, i32, i32
  }
  func.func @transform_5(%arg0: i32) -> (i32, i32, i32) {
    %c0_i32 = arith.constant 0 : i32
    %c0_i32_0 = arith.constant 0 : i32
    %c0_i32_1 = arith.constant 0 : i32
    return %arg0, %c0_i32, %c0_i32_0 : i32, i32, i32
  }
  func.func @transform_6(%arg0: i32) -> (i32, i32) {
    %c0_i32 = arith.constant 0 : i32
    %c0_i32_0 = arith.constant 0 : i32
    %c0_i32_1 = arith.constant 0 : i32
    return %c0_i32, %c0_i32_0 : i32, i32
  }
  func.func @transform_7(%arg0: i32) -> (i32, i32) {
    %c0_i32 = arith.constant 0 : i32
    %c0_i32_0 = arith.constant 0 : i32
    %c0_i32_1 = arith.constant 0 : i32
    return %c0_i32, %c0_i32_0 : i32, i32
  }
  func.func @transform_8(%arg0: i32) -> (i32, i32) {
    %c0_i32 = arith.constant 0 : i32
    %c0_i32_0 = arith.constant 0 : i32
    %c0_i32_1 = arith.constant 0 : i32
    return %c0_i32, %c0_i32_0 : i32, i32
  }
  func.func @transform_9(%arg0: i32) -> (i32, i32) {
    %c0_i32 = arith.constant 0 : i32
    %c0_i32_0 = arith.constant 0 : i32
    %c0_i32_1 = arith.constant 0 : i32
    return %c0_i32, %c0_i32_0 : i32, i32
  }
  func.func @transform_10(%arg0: i32) -> (i32, i32) {
    %c0_i32 = arith.constant 0 : i32
    %c0_i32_0 = arith.constant 0 : i32
    %c0_i32_1 = arith.constant 0 : i32
    return %c0_i32, %c0_i32_0 : i32, i32
  }
  func.func @transform_11(%arg0: i32) -> (i32, i32) {
    %c0_i32 = arith.constant 0 : i32
    %c0_i32_0 = arith.constant 0 : i32
    %c0_i32_1 = arith.constant 0 : i32
    return %c0_i32, %c0_i32_0 : i32, i32
  }
  func.func @transform_12(%arg0: i32) -> (i32, i32) {
    %c0_i32 = arith.constant 0 : i32
    %c0_i32_0 = arith.constant 0 : i32
    %c0_i32_1 = arith.constant 0 : i32
    return %c0_i32, %c0_i32_0 : i32, i32
  }
  func.func @transform_13(%arg0: i32) -> (i32, i32) {
    %c0_i32 = arith.constant 0 : i32
    %c0_i32_0 = arith.constant 0 : i32
    %c0_i32_1 = arith.constant 0 : i32
    return %c0_i32, %c0_i32_0 : i32, i32
  }
  func.func @transform_14(%arg0: i32) -> (i32, i32) {
    %c0_i32 = arith.constant 0 : i32
    %c0_i32_0 = arith.constant 0 : i32
    %c0_i32_1 = arith.constant 0 : i32
    return %c0_i32, %c0_i32_0 : i32, i32
  }
  func.func @transform_15(%arg0: i32) -> (i32, i32) {
    %c0_i32 = arith.constant 0 : i32
    %c0_i32_0 = arith.constant 0 : i32
    %c0_i32_1 = arith.constant 0 : i32
    return %c0_i32, %c0_i32_0 : i32, i32
  }
  func.func @transform_16(%arg0: i32) -> (i32, i32) {
    %c0_i32 = arith.constant 0 : i32
    %c0_i32_0 = arith.constant 0 : i32
    %c0_i32_1 = arith.constant 0 : i32
    return %c0_i32, %c0_i32_0 : i32, i32
  }
  func.func @transform_17(%arg0: i32) -> (i32, i32) {
    %c0_i32 = arith.constant 0 : i32
    %c0_i32_0 = arith.constant 0 : i32
    %c0_i32_1 = arith.constant 0 : i32
    return %c0_i32, %c0_i32_0 : i32, i32
  }
  func.func @transform_18(%arg0: i32) -> (i32, i32) {
    %c0_i32 = arith.constant 0 : i32
    %c0_i32_0 = arith.constant 0 : i32
    %c0_i32_1 = arith.constant 0 : i32
    return %c0_i32, %c0_i32_0 : i32, i32
  }
  func.func @transform_19(%arg0: i32) -> (i32, i32) {
    %c0_i32 = arith.constant 0 : i32
    %c0_i32_0 = arith.constant 0 : i32
    %c0_i32_1 = arith.constant 0 : i32
    return %c0_i32, %c0_i32_0 : i32, i32
  }
  func.func @transform_20(%arg0: i32) -> (i32, i32) {
    %c0_i32 = arith.constant 0 : i32
    %c0_i32_0 = arith.constant 0 : i32
    %c0_i32_1 = arith.constant 0 : i32
    return %c0_i32, %c0_i32_0 : i32, i32
  }
  func.func @transform_21(%arg0: i32) -> (i32, i32) {
    %c0_i32 = arith.constant 0 : i32
    %c0_i32_0 = arith.constant 0 : i32
    %c0_i32_1 = arith.constant 0 : i32
    return %c0_i32, %c0_i32_0 : i32, i32
  }
  func.func @transform_22(%arg0: i32) -> (i32, i32) {
    %c0_i32 = arith.constant 0 : i32
    %c0_i32_0 = arith.constant 0 : i32
    %c0_i32_1 = arith.constant 0 : i32
    return %c0_i32, %c0_i32_0 : i32, i32
  }
  func.func @transform_23(%arg0: i32) -> (i32, i32) {
    %c0_i32 = arith.constant 0 : i32
    %c0_i32_0 = arith.constant 0 : i32
    %c0_i32_1 = arith.constant 0 : i32
    return %c0_i32, %c0_i32_0 : i32, i32
  }
  func.func @transform_24(%arg0: i32) -> (i32, i32) {
    %c0_i32 = arith.constant 0 : i32
    %c0_i32_0 = arith.constant 0 : i32
    %c0_i32_1 = arith.constant 0 : i32
    return %c0_i32, %c0_i32_0 : i32, i32
  }
  func.func @transform_25(%arg0: i32) -> (i32, i32) {
    %c0_i32 = arith.constant 0 : i32
    %c0_i32_0 = arith.constant 0 : i32
    %c0_i32_1 = arith.constant 0 : i32
    return %c0_i32, %c0_i32_0 : i32, i32
  }
  func.func @transform_26(%arg0: i32) -> (i32, i32) {
    %c0_i32 = arith.constant 0 : i32
    %c0_i32_0 = arith.constant 0 : i32
    %c0_i32_1 = arith.constant 0 : i32
    return %c0_i32, %c0_i32_0 : i32, i32
  }
  func.func @transform_27(%arg0: i32) -> (i32, i32) {
    %c0_i32 = arith.constant 0 : i32
    %c0_i32_0 = arith.constant 0 : i32
    %c0_i32_1 = arith.constant 0 : i32
    return %c0_i32, %c0_i32_0 : i32, i32
  }
  func.func @transform_28(%arg0: i32) -> (i32, i32) {
    %c0_i32 = arith.constant 0 : i32
    %c0_i32_0 = arith.constant 0 : i32
    %c0_i32_1 = arith.constant 0 : i32
    return %c0_i32, %c0_i32_0 : i32, i32
  }
  func.func @transform_29(%arg0: i32) -> (i32, i32) {
    %c0_i32 = arith.constant 0 : i32
    %c0_i32_0 = arith.constant 0 : i32
    %c0_i32_1 = arith.constant 0 : i32
    return %c0_i32, %c0_i32_0 : i32, i32
  }
  func.func @transform_30(%arg0: i32) -> (i32, i32) {
    %c0_i32 = arith.constant 0 : i32
    %c0_i32_0 = arith.constant 0 : i32
    %c0_i32_1 = arith.constant 0 : i32
    return %c0_i32, %c0_i32_0 : i32, i32
  }
  func.func @transform_31(%arg0: i32) -> (i32, i32) {
    %c0_i32 = arith.constant 0 : i32
    %c0_i32_0 = arith.constant 0 : i32
    %c0_i32_1 = arith.constant 0 : i32
    return %c0_i32, %c0_i32_0 : i32, i32
  }
  func.func @transform_32(%arg0: i32) -> (i32, i32) {
    %c0_i32 = arith.constant 0 : i32
    %c0_i32_0 = arith.constant 0 : i32
    %c0_i32_1 = arith.constant 0 : i32
    return %c0_i32, %c0_i32_0 : i32, i32
  }
  func.func @transform_33(%arg0: i32) -> (i32, i32) {
    %c0_i32 = arith.constant 0 : i32
    %c0_i32_0 = arith.constant 0 : i32
    %c0_i32_1 = arith.constant 0 : i32
    return %c0_i32, %c0_i32_0 : i32, i32
  }
  func.func @transform_34(%arg0: i32) -> (i32, i32) {
    %c0_i32 = arith.constant 0 : i32
    %c0_i32_0 = arith.constant 0 : i32
    %c0_i32_1 = arith.constant 0 : i32
    return %c0_i32, %c0_i32_0 : i32, i32
  }
  func.func @transform_35(%arg0: i32) -> (i32, i32) {
    %c0_i32 = arith.constant 0 : i32
    %c0_i32_0 = arith.constant 0 : i32
    %c0_i32_1 = arith.constant 0 : i32
    return %c0_i32, %c0_i32_0 : i32, i32
  }
  func.func @transform_36(%arg0: i32) -> (i32, i32) {
    %c0_i32 = arith.constant 0 : i32
    %c0_i32_0 = arith.constant 0 : i32
    %c0_i32_1 = arith.constant 0 : i32
    return %c0_i32, %c0_i32_0 : i32, i32
  }
  func.func @transform_37(%arg0: i32) -> (i32, i32) {
    %c0_i32 = arith.constant 0 : i32
    %c0_i32_0 = arith.constant 0 : i32
    %c0_i32_1 = arith.constant 0 : i32
    return %c0_i32, %c0_i32_0 : i32, i32
  }
  func.func @transform_38(%arg0: i32) -> (i32, i32) {
    %c0_i32 = arith.constant 0 : i32
    %c0_i32_0 = arith.constant 0 : i32
    %c0_i32_1 = arith.constant 0 : i32
    return %c0_i32, %c0_i32_0 : i32, i32
  }
  func.func @transform_39(%arg0: i32) -> (i32, i32) {
    %c0_i32 = arith.constant 0 : i32
    %c0_i32_0 = arith.constant 0 : i32
    %c0_i32_1 = arith.constant 0 : i32
    return %c0_i32, %c0_i32_0 : i32, i32
  }
  func.func @transform_40(%arg0: i32) -> (i32, i32) {
    %c0_i32 = arith.constant 0 : i32
    %c0_i32_0 = arith.constant 0 : i32
    %c0_i32_1 = arith.constant 0 : i32
    return %c0_i32, %c0_i32_0 : i32, i32
  }
  func.func @transform_41(%arg0: i32) -> (i32, i32) {
    %c0_i32 = arith.constant 0 : i32
    %c0_i32_0 = arith.constant 0 : i32
    %c0_i32_1 = arith.constant 0 : i32
    return %c0_i32, %c0_i32_0 : i32, i32
  }
  func.func @transform_42(%arg0: i32) -> (i32, i32, i32) {
    %c0_i32 = arith.constant 0 : i32
    %c0_i32_0 = arith.constant 0 : i32
    %c0_i32_1 = arith.constant 0 : i32
    return %arg0, %c0_i32, %c0_i32_0 : i32, i32, i32
  }
}

</mosaic_0001>

<sc_bundles>
// kernel: gather_offload_async_start.1
scs
__scs_entry_jumppad:
0x0: {  	(pc) =	sbr.rel $0x88, $3  }
0x1: {  	(tag) =	ssettag $0x0;
	lr =	simm.s32 $0x1  }
0x2: {  	[smem:$0x3F03] =	sst lr;
	_ =	strace $0xD0000000  }
0x3: {  	_ = 	snop  }
0x4: {  	_ = 	snop  }
0x5: {  	_ = 	snop  }
0x6: {  	_ = 	snop  }
0x7: {  	_ = 	snop  }
__scs_overlays_trampoline_lowered:
0x8: {  	[smem:$0x3F12] =	sst s0  }
0x9: {  	[smem:$0x3F13] =	sst s1  }
0xa: {  	[smem:$0x3F14] =	sst s2  }
0xb: {  	[smem:$0x3F15] =	sst s3  }
0xc: {  	[smem:$0x3F16] =	sst s4  }
0xd: {  	[smem:$0x3F17] =	sst s5  }
0xe: {  	[smem:$0x3F18] =	sst s6  }
0xf: {  	[smem:$0x3F19] =	sst s7  }
0x10: {  	[smem:$0x3F1A] =	sst s8  }
0x11: {  	[smem:$0x3F1B] =	sst s9;
	s0 =	simm.s32 @!p0 $0x0  }
0x12: {  	s1 =	sld [smem:$0x3F01];
	s0 =	simm.s32 @p0 $0x1  }
0x13: {  	[smem:$0x3F1C] =	sst s0;
	s0 =	simm.s32 @!p1 $0x0  }
0x14: {  	s2 =	sld [smem:$0x3F00];
	s0 =	simm.s32 @p1 $0x1  }
0x15: {  	[smem:$0x3F1D] =	sst s0;
	s0 =	simm.s32 @!p2 $0x0  }
0x16: {  	s3 =	sld [smem:$0x3FDB];
	s0 =	simm.s32 @p2 $0x1  }
0x17: {  	s4 =	simm.s32 $0x1BF5;
	[smem:$0x3F1F] =	sst s0  }
0x18: {  	s0 =	sld [smem:$0x3F02];
	_ =	swait.ge [sflag:s4], $0x0  }
0x19: {  	s7 =	sld [smem:$0x3F03]  }
0x1a: {  	s8 =	sadd.s32 $0xFFFFE003, lr  }
0x1b: {  	s9 =	sadd.s32 $0xFFFFFEF7, lr;
	s5 =	simm.s32 $0xFFFFFFFF;
	p2 =	slt.u32 s8, $0xFFFFF086  }
0x1c: {  	p1 =	slt.u32 s9, $0xF7A;
	s5 =	simm.s32 @!p2 $0x0  }
0x1d: {  	s5 =	simm.s32 @p1 $0x1;
	p0 =	seq.s32 s7, s2  }
0x1e: {  	s7 =	smul.u32 @!p0 $0xF7A, s2;
	p2 =	seq.s32 @!p0 s5, $0x0  }
0x1f: {  	s9 =	smul.u32 $0xF7A, s1;
	s8 =	simm.s32 @!p0 $0x1BF5;
	p2 =	por !p2, p0  }
0x20: {  	[sflag:s8] =	ssyncset.s32 @!p0 $0xFFFFF086;
	s6 =	sadd.s32 @!p0 s3, s7;
	s7 =	simm.s32 @!p0 $0x108  }
0x21: {  	s3 =	sadd.s32 s3, s9;
	s6 =	sadd.s32 @!p0 $0x88, s6;
	s7 =	simm.s32 @p2 $0x1082  }
0x22: {  	[simem:s7], [sflag:s8] =	dma.local @!p0 [hbm:s6], $0xF7A  }
0x23: {  	s9 =	sor.u32 $0xD0000000, s2;
	s6 =	simm.s32 $0x108;
	_ =	swait.ge @!p0 [sflag:s8], $0x0  }
0x24: {  	s3 =	sadd.s32 $0x88, s3;
	s6 =	simm.s32 @!p1 $0x1082;
	[sflag:s4] =	ssyncset.s32 $0xFFFFF086  }
0x25: {  	[simem:s6], [sflag:s4] =	dma.local [hbm:s3], $0xF7A  }
0x26: {  	[smem:$0x3F03] =	sst s1;
	(tag) =	ssettag s2;
	_ =	strace s9  }
0x27: {  	s1 =	sld [smem:$0x3F13]  }
0x28: {  	s2 =	sld [smem:$0x3F14]  }
0x29: {  	s4 =	sld [smem:$0x3F16]  }
0x2a: {  	p0 =	seq.s32 s5, $0x0;
	s5 =	sld [smem:$0x3F17]  }
0x2b: {  	s6 =	sld [smem:$0x3F18]  }
0x2c: {  	s7 =	sld [smem:$0x3F19]  }
0x2d: {  	s3 =	simm.s32 $0x108;
	s8 =	sld [smem:$0x3F1A]  }
0x2e: {  	s3 =	simm.s32 @!p0 $0x1082;
	s9 =	sld [smem:$0x3F1B]  }
0x2f: {  	lr =	sadd.s32 s0, s3;
	s0 =	sld [smem:$0x3F12]  }
0x30: {  	s3 =	sld [smem:$0x3F15]  }
0x31: {  	[smem:$0x3F1E] =	sst s10  }
0x32: {  	s10 =	sld [smem:$0x3F1C];
	_ =	sdelay $0x3  }
0x33: {  	p0 =	seq.s32 s10, $0x1;
	s10 =	sld [smem:$0x3F1E];
	_ =	sdelay $0x3  }
0x34: {  	[smem:$0x3F1E] =	sst s10  }
0x35: {  	s10 =	sld [smem:$0x3F1D];
	_ =	sdelay $0x3  }
0x36: {  	p1 =	seq.s32 s10, $0x1;
	s10 =	sld [smem:$0x3F1E];
	_ =	sdelay $0x3  }
0x37: {  	[smem:$0x3F1E] =	sst s10  }
0x38: {  	s10 =	sld [smem:$0x3F1F]  }
0x39: {  	_ = 	snop;
	(pc) =	sbr.ind lr, $3  }
0x3a: {  	_ = 	snop  }
0x3b: {  	_ = 	snop  }
0x3c: {  	p2 =	seq.s32 s10, $0x1;
	s10 =	sld [smem:$0x3F1E]  }
0x3d: {  	_ =	shalt  }
0x3e: {  	_ =	shalt  }
0x3f: {  	_ =	shalt  }
0x40: {  	_ =	shalt  }
0x41: {  	_ =	shalt  }
0x42: {  	_ =	shalt  }
0x43: {  	_ =	shalt  }
0x44: {  	_ =	shalt  }
0x45: {  	_ =	shalt  }
0x46: {  	_ =	shalt  }
0x47: {  	_ =	shalt  }
0x48: {  	_ =	shalt  }
0x49: {  	_ =	shalt  }
0x4a: {  	_ =	shalt  }
0x4b: {  	_ =	shalt  }
0x4c: {  	_ =	shalt  }
0x4d: {  	_ =	shalt  }
0x4e: {  	_ =	shalt  }
0x4f: {  	_ =	shalt  }
0x50: {  	_ =	shalt  }
0x51: {  	_ =	shalt  }
0x52: {  	_ =	shalt  }
0x53: {  	_ =	shalt  }
0x54: {  	_ =	shalt  }
0x55: {  	_ =	shalt  }
0x56: {  	_ =	shalt  }
0x57: {  	_ =	shalt  }
0x58: {  	_ =	shalt  }
0x59: {  	_ =	shalt  }
0x5a: {  	_ =	shalt  }
0x5b: {  	_ =	shalt  }
0x5c: {  	_ =	shalt  }
0x5d: {  	_ =	shalt  }
0x5e: {  	_ =	shalt  }
0x5f: {  	_ =	shalt  }
0x60: {  	_ =	shalt  }
0x61: {  	_ =	shalt  }
0x62: {  	_ =	shalt  }
0x63: {  	_ =	shalt  }
0x64: {  	_ =	shalt  }
0x65: {  	_ =	shalt  }
0x66: {  	_ =	shalt  }
0x67: {  	_ =	shalt  }
0x68: {  	_ =	shalt  }
0x69: {  	_ =	shalt  }
0x6a: {  	_ =	shalt  }
0x6b: {  	_ =	shalt  }
0x6c: {  	_ =	shalt  }
0x6d: {  	_ =	shalt  }
0x6e: {  	_ =	shalt  }
0x6f: {  	_ =	shalt  }
0x70: {  	_ =	shalt  }
0x71: {  	_ =	shalt  }
0x72: {  	_ =	shalt  }
0x73: {  	_ =	shalt  }
0x74: {  	_ =	shalt  }
0x75: {  	_ =	shalt  }
0x76: {  	_ =	shalt  }
0x77: {  	_ =	shalt  }
0x78: {  	_ =	shalt  }
0x79: {  	_ =	shalt  }
0x7a: {  	_ =	shalt  }
0x7b: {  	_ =	shalt  }
0x7c: {  	_ =	shalt  }
0x7d: {  	_ =	shalt  }
0x7e: {  	_ =	shalt  }
0x7f: {  	_ =	shalt  }
0x80: {  	_ =	shalt  }
0x81: {  	_ =	shalt  }
0x82: {  	_ =	shalt  }
0x83: {  	_ =	shalt  }
0x84: {  	_ =	shalt  }
0x85: {  	_ =	shalt  }
0x86: {  	_ =	shalt  }
0x87: {  	_ =	shalt  }
.Lfunc_end0:
.L_simem_size_0:
called_computation.1_lowered:
.L_overlay_start_0:
0x88: {  	s2 =	sld [smem:$0x3FD9]  }
0x89: {  	s3 =	sld [smem:$0x3FFE];
	_ =	sdelay $0x1  }
0x8a: {  	s1 =	srdreg.scid  }
0x8b: {  	s0 =	sand.u32 $0x1, s1  }
0x8c: {  	s16 =	sshll.u32 s0, $0xA;
	s2 =	sadd.s32 s3, s2  }
0x8d: {  	s2 =	sadd.s32 s2, s16  }
0x8e: {  	[smem:$0x3F2A] =	sst s2  }
0x8f: {  	_ = 	snop  }
0x90: {  	(tm) =	ssettm $0x1  }
0x91: {  	s17 =	sld [smem:$0x3FFB];
	_ =	sdelay $0x3  }
0x92: {  	_ =	strace s17  }
0x93: {  	s2 =	sld [smem:$0x3FFC];
	_ =	sdelay $0x3  }
0x94: {  	_ =	strace s2  }
0x95: {  	s2 =	sld [smem:$0x3FFD];
	_ =	sdelay $0x3  }
0x96: {  	_ =	strace s2  }
0x97: {  	_ =	strace $0x8FFFFFFF  }
0x98: {  	s18 =	sld [smem:$0x3FDB];
	_ =	sdelay $0x1  }
0x99: {  	s19 =	simm.s32 $_scs_section_size  }
0x9a: {  	s4 =	simm.s32 $_size__tile_overlayer_lowered;
	s5 =	simm.s32 $_tile_overlayer_lowered  }
0x9b: {  	s22 =	simm.s32 $0x1BFF;
	s21 =	sshll.u32 s5, $0x1;
	s2 =	sadd.s32 s19, s18  }
0x9c: {  	s6 =	simm.s32 $0x0;
	s20 =	sshll.u32 s4, $0x1;
	s4 =	sadd.s32 s21, s2  }
0x9d: {  	[timem:s6], [sflag:s22] =	dma.local [hbm:s4], s20  }
0x9e: {  	_ =	swait.ge [sflag:s22], s20  }
0x9f: {  	s3 =	ssub.s32 $0x0, s20;
	[sflag:s22] =	ssyncset.done $0x0  }
0xa0: {  	[sflag:s22] =	ssyncadd.s32 s3;
	_ =	sdelay $0x1  }
0xa1: {  	s23 =	simm.s32 $0x1B8B  }
0xa2: {  	_ =	swait.ge [sflag:s23], $0x1  }
0xa3: {  	[sflag:s23] =	ssyncset.done $0x0  }
0xa4: {  	s25 =	simm.s32 $0x1B8E;
	s24 =	sld [smem:$0x3FFE];
	[sflag:s23] =	ssyncadd.s32 $0xFFFFFFFF  }
0xa5: {  	s26 =	simm.s32 $execute0_lowered;
	[smem:$0x3FD2] =	sst s25  }
0xa6: {  	s4 =	sshll.u32 s26, $0x1;
	_ =	strace $0x80000049;
	[dreg:$0x1] =	wrdreg $0xFFFFFFFF  }
0xa7: {  	s28 =	simm.s32 $_size_execute0_lowered;
	s2 =	sadd.s32 s2, s4;
	[dreg:$0x0] =	wrdreg $0x0  }
0xa8: {  	s4 =	sshll.u32 s28, $0x1;
	[dreg:$0x2] =	wrdreg s2  }
0xa9: {  	[dreg:$0x3] =	wrdreg s4  }
0xaa: {  	[dreg:$0x4] =	wrdreg $0xC0  }
0xab: {  	_ =	task [dreg:s6], $0x5FFFF  }
0xac: {  	[dreg:$0x1] =	wrdreg $0xFFFFFFFF  }
0xad: {  	[dreg:$0x0] =	wrdreg $0x60  }
0xae: {  	[dreg:$0x2] =	wrdreg s24  }
0xaf: {  	[dreg:$0x3] =	wrdreg $0xA  }
0xb0: {  	_ =	task.clear_ibuf [dreg:s6], $0x4FFFF;
	_ =	strace $0x90000049  }
0xb1: {  	s29 =	simm.s32 $0xA;
	_ =	strace $0x8000004B  }
0xb2: {  	_ =	swait.ge [sflag:s29], $0x1  }
0xb3: {  	[sflag:s29] =	ssyncadd.s32 $0xFFFFFFFF  }
0xb4: {  	_ =	strace $0x9000004B  }
0xb5: {  	_ =	sfence  }
0xb6: {  	s30 =	sld [smem:$0x0];
	_ =	sdelay $0x2  }
0xb7: {  	s31 =	sshll.u32 s1, $0xD;
	s1 =	sshrl.u32 s1, $0x2  }
0xb8: {  	s3 =	sand.u32 $0x4000, s31;
	s1 =	sadd.s32 s1, s30  }
0xb9: {  	s0 =	sor.u32 s3, s0;
	s1 =	sshll.u32 s1, $0x11  }
0xba: {  	s0 =	sor.u32 s1, s0  }
0xbb: {  	s0 =	sadd.s32 $0x8F2B, s0  }
0xbc: {  	[sflag:s0] =	ssyncadd.remote.s32 $0x1  }
0xbd: {  	_ =	sfence.sel $0xFFFF  }
0xbe: {  	[dreg:$0x0] =	wrdreg $0xFFFFFFFF;
	(pc) =	sbr.abs _section_cstart, $3  }
0xbf: {  	[dreg:$0x1] =	wrdreg $0xFFFFFFFF  }
0xc0: {  	_ =	task.clear_ibuf [dreg:s6], $0x2FFFF;
	_ =	strace $0x9FFFFFFF  }
0xc1: {  	(tm) =	ssettm $0x7FFFFFFF  }
tec
execute0_lowered:
.L_overlay_start_1:
0x0: {  	(tag) =	ssettag $0x1  }
0x1: {  	s8 =	rddreg [dreg:$0x0];
	s1 =	stileid.u32  }
0x2: {  	s2 =	srdreg.scid;
	s0 =	rddreg [dreg:$0x1]  }
0x3: {  	_ =	strace $0x8000004A;
	s5 =	simm.s32 $0x1;
	s9 =	simm.s32 $0x1  }
0x4: {  	s10 =	simm.s32 $0x3;
	s2 =	sand.u32 $0x1, s2;
	s3 =	sshll.u32 s1, $0x1  }
0x5: {  	s13 =	simm.s32 $0x0;
	s12 =	simm.s32 $0x0;
	s6 =	sor.u32 s3, s2  }
0x6: {  	[sflag:s5] =	ssyncpa.u1 $0x0;
	s2 =	sadd.s32 $0x1E800, s8;
	s4 =	smul.u32 $0x280, s6  }
0x7: {  	s3 =	sadd.s32 $0x1B200, s8;
	p0 =	slt.u32 s6, $0x9;
	s6 =	simm.s32 $0x5000  }
.Ltmp0:
0x8: {  	s6 =	simm.s32 @!p0 $0x0;
	s7 =	ssub.s32 $0x6400, s4;
	(pc) =	sbr.rel .LBB2_1-.Ltmp0, $4  }
0x9: {  	s9 =	simm.s32 @!p0 $0x0;
	p0 =	sne.s32 s7, s6;
	s7 =	simm.s32 $0x1  }
0xa: {  	s8 =	sadd.s32 $0x24C00, s8;
	s6 =	simm.s32 $0x2;
	s7 =	simm.s32 @!p0 $0x0  }
0xb: {  	s11 =	smov.u32 s4;
	[sflag:s6] =	ssyncpa.u1 $0x0;
	s7 =	sadd.s32 s9, s7  }
0xc: {  	vm0 =	vmmov $0xffff;
	[sflag:s10] =	ssyncpa.u1 $0x0;
	s10 =	simm.s32 $0x0;
	s9 =	sadd.s32 $0x1, s7  }
.LBB2_4:
0xd: {  	v3 =	vshrl.u32 v0, $0xB;
	v62 =	vshll.u32 v0, $0xC;
	v2 =	vand.u32 $0xF80, v2  }
0xe: {  	v3 =	vand.u32 $0x1F, v3;
	v0 =	vand.u32 $0x3F000, v62;
	v2 =	vsel vm1, $0xFFFFFF80, v2  }
0xf: {  	v3 =	vsel vm1, $0xFFFFFFFF, v3;
	v0 =	vsel vm1, $0xFFFFF000, v0;
	v4 =	vand.u32 $0xFFFFFC00, v2  }
0x10: {  	v0 =	vadd.s32 v0, v4;
	v63 =	vand.u32 $0xFFFFFC00, v3  }
0x11: {  	v2 =	vand.u32 $0x380, v2;
	v0 =	vadd.s32 v63, v0  }
0x12: {  	v3 =	vand.u32 $0x7F, v3;
	v0 =	vor.u32 v2, v0  }
0x13: {  	v0 =	vor.u32 v3, v0;
	_ =	sdelay $0x1  }
0x14: {  	(ifvalue) =	ssetifvalue $0x7FFFFFFF;
	s15 =	sadd.s32 $0x10, s15  }
0x15: {  	[tilespmem:s15], [sflag:$0x1] =	stream.indirect_vreg.gather [hbm4b:s2+s10], $0x1, v1, vm0, $0x4038;
	[tilespmem:$0xA00] =	vst v63  }
0x16: {  	(ifvalue) =	ssetifvalue $0x7FFFFFFF;
	s15 =	sadd.s32 $0x10, s15  }
0x17: {  	[tilespmem:s15], [sflag:$0x1] =	stream.indirect_vreg.gather [hbm4b:s2+s10], $0x1, v0, vm0, $0x4038;
	[tilespmem:$0xA00] =	vst v63  }
0x18: {  	_ =	swait.ge [sflag:s5], $0x280  }
0x19: {  	s30 =	sshrl.u32 s13, $0x3;
	[sflag:s5] =	ssyncset.done $0x0  }
0x1a: {  	s31 =	sand.u32 $0x7, s13;
	s15 =	sadd.s32 s8, s30;
	[sflag:s5] =	ssyncadd.s32 $0xFFFFFD80  }
0x1b: {  	[hbm4b:s15+s31] =	stream.linear.scatter [tilespmem:s14], [sflag:$0x3], $0x280, $0x38;
	[tilespmem:$0xA00] =	vst v63  }
.LBB2_5:
0x1c: {  	s15 =	sadd.s32 $0x5000, s11  }
0x1d: {  	p1 =	sgt.s32 s15, $0x63FF  }
0x1e: {  	s15 =	smov.u32 @p1 s4;
	p1 =	sne.s32 s12, s9  }
.Ltmp1:
0x1f: {  	p0 =	slt.u32 s12, $0x2;
	(pc) =	sbr.rel @!p1 .LBB2_6-.Ltmp1, $4  }
0x20: {  	s14 =	simm.s32 @!p0 $0x3  }
0x21: {  	_ =	swait.ge @!p0 [sflag:s14], $0x280  }
0x22: {  	s16 =	sadd.s32 $0x1, s12;
	s13 =	smov.u32 s11;
	[sflag:s14] =	ssyncset.done @!p0 $0x0  }
0x23: {  	s12 =	smov.u32 s16;
	s11 =	smov.u32 s15;
	[sflag:s14] =	ssyncadd.s32 @!p0 $0xFFFFFD80  }
.LBB2_1:
0x24: {  	p0 =	sge.u32 s12, s7  }
0x25: {  	s14 =	sxor.u32 @!p0 $0x1, s12  }
0x26: {  	s14 =	smul.u32 @!p0 $0xA00, s14  }
0x27: {  	s31 =	sadd.s32 $0xFFFFFFFF, s12;
	s15 =	sshrl.u32 @!p0 s11, $0x3  }
0x28: {  	s16 =	sand.u32 @!p0 $0x7, s11;
	s15 =	sadd.s32 @!p0 s3, s15;
	s14 =	sshra.s32 @!p0 s14, $0x2  }
0x29: {  	[tilespmem:s14], [sflag:$0x2] =	stream.linear.gather @!p0 [hbm4b:s15+s16], $0x280, $0x38;
	[tilespmem:$0xA00] =	vst v63  }
0x2a: {  	p0 =	sge.u32 s31, s7  }
.Ltmp2:
0x2b: {  	_ = 	snop;
	(pc) =	sbr.rel @p0 .LBB2_5-.Ltmp2, $1  }
0x2c: {  	_ =	sdelay $0x3  }
0x2d: {  	s14 =	sand.u32 $0x1, s12  }
0x2e: {  	_ =	swait.ge [sflag:s6], $0x280;
	p0 =	seq.s32 s14, $0x1;
	s14 =	simm.s32 $0x280  }
0x2f: {  	[sflag:s6] =	ssyncset.done $0x0;
	s14 =	simm.s32 @!p0 $0x0  }
0x30: {  	[sflag:s6] =	ssyncadd.s32 $0xFFFFFD80;
	(ifvalue) =	ssetifvalue $0x7FFFFFFF;
	v0 =	vld.msk [tilespmem:s14+$0x0 ss:$0x1], $0xffff;
	_ =	sdelay $0x2  }
0x31: {  	s15 =	sadd.s32 $0x10, s14  }
0x32: {  	v3 =	vld.msk [tilespmem:s15+$0x0 ss:$0x1], $0xffff  }
0x33: {  	vm1 =	veq.s32 v0, $0x80000000;
	v1 =	vshll.u32 v0, $0x1  }
0x34: {  	v2 =	vshrl.u32 v0, $0xB;
	v0 =	vshll.u32 v0, $0xC;
	v1 =	vand.u32 $0xF80, v1  }
0x35: {  	v2 =	vand.u32 $0x1F, v2;
	v0 =	vand.u32 $0x3F000, v0;
	v1 =	vsel vm1, $0xFFFFFF80, v1  }
0x36: {  	v2 =	vsel vm1, $0xFFFFFFFF, v2;
	v0 =	vsel vm1, $0xFFFFF000, v0;
	v4 =	vand.u32 $0xFFFFFC00, v1  }
0x37: {  	v62 =	vshrl.u32 v3, $0xB;
	v61 =	vand.u32 $0xFFFFFC00, v2;
	v0 =	vadd.s32 v0, v4  }
0x38: {  	vm1 =	veq.s32 v3, $0x80000000;
	v1 =	vand.u32 $0x380, v1;
	v0 =	vadd.s32 v61, v0  }
0x39: {  	v2 =	vand.u32 $0x7F, v2;
	v0 =	vor.u32 v1, v0;
	v1 =	vshll.u32 v3, $0x1  }
0x3a: {  	s15 =	sadd.s32 $0x10, s15;
	v4 =	vand.u32 $0x1F, v62;
	v3 =	vshll.u32 v3, $0xC;
	v1 =	vand.u32 $0xF80, v1  }
0x3b: {  	v2 =	vor.u32 v2, v0;
	v0 =	vld.msk [tilespmem:s15+$0x0 ss:$0x1], $0xffff;
	v3 =	vand.u32 $0x3F000, v3;
	v1 =	vsel vm1, $0xFFFFFF80, v1  }
0x3c: {  	v4 =	vsel vm1, $0xFFFFFFFF, v4;
	v3 =	vsel vm1, $0xFFFFF000, v3;
	v5 =	vand.u32 $0xFFFFFC00, v1  }
0x3d: {  	v63 =	vand.u32 $0xFFFFFC00, v4;
	v3 =	vadd.s32 v3, v5  }
0x3e: {  	s16 =	simm.s32 $0x20;
	s14 =	sor.u32 $0x500, s14;
	v1 =	vand.u32 $0x380, v1;
	v3 =	vadd.s32 v63, v3  }
0x3f: {  	s17 =	sadd.s32 $0x10, s15;
	v4 =	vand.u32 $0x7F, v4;
	(ifvalue) =	ssetifvalue $0x7FFFFFFF;
	s15 =	smov.u32 s14;
	v1 =	vor.u32 v1, v3  }
0x40: {  	[tilespmem:s14], [sflag:$0x1] =	stream.indirect_vreg.gather [hbm4b:s2+s10], $0x1, v2, vm0, $0x4038;
	vm1 =	veq.s32 v0, $0x80000000;
	v2 =	vshll.u32 v0, $0x1;
	v1 =	vor.u32 v4, v1;
	[tilespmem:$0xA00] =	vst v63  }
.LBB2_3:
0x41: {  	s16 =	sadd.s32 $0x10, s16;
	v3 =	vshrl.u32 v0, $0xB;
	v4 =	vshll.u32 v0, $0xC;
	v0 =	vld.msk [tilespmem:s17+$0x0 ss:$0x1], $0xffff;
	v2 =	vand.u32 $0xF80, v2  }
0x42: {  	p0 =	slt.u32 s16, $0x270;
	v3 =	vand.u32 $0x1F, v3;
	v4 =	vand.u32 $0x3F000, v4;
	v2 =	vsel vm1, $0xFFFFFF80, v2  }
.Ltmp3:
0x43: {  	v3 =	vsel vm1, $0xFFFFFFFF, v3;
	v4 =	vsel vm1, $0xFFFFF000, v4;
	v5 =	vand.u32 $0xFFFFFC00, v2;
	(pc) =	sbr.rel @p0 .LBB2_3-.Ltmp3, $4  }
0x44: {  	s15 =	sadd.s32 $0x10, s15;
	v4 =	vadd.s32 v4, v5;
	v5 =	vand.u32 $0xFFFFFC00, v3;
	(ifvalue) =	ssetifvalue $0x7FFFFFFF  }
0x45: {  	v2 =	vand.u32 $0x380, v2;
	v4 =	vadd.s32 v5, v4;
	[tilespmem:s15], [sflag:$0x1] =	stream.indirect_vreg.gather [hbm4b:s2+s10], $0x1, v1, vm0, $0x4038;
	[tilespmem:$0xA00] =	vst v63  }
0x46: {  	v1 =	vand.u32 $0x7F, v3;
	v3 =	vor.u32 v2, v4  }
0x47: {  	s17 =	sadd.s32 $0x10, s17;
	vm1 =	veq.s32 v0, $0x80000000;
	v2 =	vshll.u32 v0, $0x1;
	v1 =	vor.u32 v1, v3  }
.Ltmp4:
0x48: {  	_ = 	snop;
	(pc) =	sbr.rel .LBB2_4-.Ltmp4, $1  }
0x49: {  	_ =	sdelay $0x3  }
.LBB2_6:
0x4a: {  	_ =	sfence.sel $0x180000  }
0x4b: {  	s2 =	simm.s32 $0x2;
	[bflag:$0x0] =	sbarrier.arrive $0xFFFF  }
0x4c: {  	s30 =	simm.s32 $0x3;
	[sflag:s2] =	ssyncpa.u1 $0x1  }
0x4d: {  	s31 =	simm.s32 $0x1;
	[sflag:s30] =	ssyncpa.u1 $0x1  }
0x4e: {  	[sflag:s31] =	ssyncpa.u1 $0x1  }
0x4f: {  	p0 =	sne.s32 s1, $0x0;
	_ =	strace $0x9000004A  }
0x50: {  	s0 =	sadd.s32 @!p0 $0x100000, s0;
	[bflag:$0x2] =	sbarrier.arrive $0xFFFF  }
0x51: {  	[sflag:s0] =	ssyncadd.tile.s32 @!p0 $0x1;
	_ =	shalt  }
.Lfunc_end2:
_tile_overlayer_lowered:
.L_overlay_start_2:
0x52: {  	(tag) =	ssettag $0x2  }
0x53: {  	s0 =	rddreg [dreg:$0x0];
	s2 =	stileid.u32  }
0x54: {  	s1 =	rddreg [dreg:$0x1];
	p0 =	sne.s32 s2, $0x0  }
0x55: {  	s3 =	rddreg [dreg:$0x2];
	[bflag:$0x3] =	sbarrier.arrive $0xFFFF;
	s2 =	simm.s32 @!p0 $0x1C01  }
0x56: {  	[timem:s3], [sflag:s2] =	dma.local @!p0 [hbm:s0], s1  }
0x57: {  	s0 =	simm.s32 @!p0 $0x1  }
0x58: {  	_ =	swait.ge @!p0 [sflag:s0], s1  }
0x59: {  	s1 =	ssub.s32 @!p0 $0x0, s1;
	[sflag:s0] =	ssyncset.done @!p0 $0x0  }
0x5a: {  	[sflag:s0] =	ssyncadd.s32 @!p0 s1  }
0x5b: {  	[bflag:$0x3] =	sbarrier.arrive $0xFFFF  }
0x5c: {  	_ =	shalt  }

// kernel: gather_offload_async_start
scs
__scs_entry_jumppad:
0x0: {  	(pc) =	sbr.rel $0x88, $3  }
0x1: {  	(tag) =	ssettag $0x0;
	lr =	simm.s32 $0x1  }
0x2: {  	[smem:$0x3F03] =	sst lr;
	_ =	strace $0xD0000000  }
0x3: {  	_ = 	snop  }
0x4: {  	_ = 	snop  }
0x5: {  	_ = 	snop  }
0x6: {  	_ = 	snop  }
0x7: {  	_ = 	snop  }
__scs_overlays_trampoline_lowered:
0x8: {  	[smem:$0x3F12] =	sst s0  }
0x9: {  	[smem:$0x3F13] =	sst s1  }
0xa: {  	[smem:$0x3F14] =	sst s2  }
0xb: {  	[smem:$0x3F15] =	sst s3  }
0xc: {  	[smem:$0x3F16] =	sst s4  }
0xd: {  	[smem:$0x3F17] =	sst s5  }
0xe: {  	[smem:$0x3F18] =	sst s6  }
0xf: {  	[smem:$0x3F19] =	sst s7  }
0x10: {  	[smem:$0x3F1A] =	sst s8  }
0x11: {  	[smem:$0x3F1B] =	sst s9;
	s0 =	simm.s32 @!p0 $0x0  }
0x12: {  	s1 =	sld [smem:$0x3F01];
	s0 =	simm.s32 @p0 $0x1  }
0x13: {  	[smem:$0x3F1C] =	sst s0;
	s0 =	simm.s32 @!p1 $0x0  }
0x14: {  	s2 =	sld [smem:$0x3F00];
	s0 =	simm.s32 @p1 $0x1  }
0x15: {  	[smem:$0x3F1D] =	sst s0;
	s0 =	simm.s32 @!p2 $0x0  }
0x16: {  	s3 =	sld [smem:$0x3FDB];
	s0 =	simm.s32 @p2 $0x1  }
0x17: {  	s4 =	simm.s32 $0x1BF5;
	[smem:$0x3F1F] =	sst s0  }
0x18: {  	s0 =	sld [smem:$0x3F02];
	_ =	swait.ge [sflag:s4], $0x0  }
0x19: {  	s7 =	sld [smem:$0x3F03]  }
0x1a: {  	s8 =	sadd.s32 $0xFFFFE003, lr  }
0x1b: {  	s9 =	sadd.s32 $0xFFFFFEF7, lr;
	s5 =	simm.s32 $0xFFFFFFFF;
	p2 =	slt.u32 s8, $0xFFFFF086  }
0x1c: {  	p1 =	slt.u32 s9, $0xF7A;
	s5 =	simm.s32 @!p2 $0x0  }
0x1d: {  	s5 =	simm.s32 @p1 $0x1;
	p0 =	seq.s32 s7, s2  }
0x1e: {  	s7 =	smul.u32 @!p0 $0xF7A, s2;
	p2 =	seq.s32 @!p0 s5, $0x0  }
0x1f: {  	s9 =	smul.u32 $0xF7A, s1;
	s8 =	simm.s32 @!p0 $0x1BF5;
	p2 =	por !p2, p0  }
0x20: {  	[sflag:s8] =	ssyncset.s32 @!p0 $0xFFFFF086;
	s6 =	sadd.s32 @!p0 s3, s7;
	s7 =	simm.s32 @!p0 $0x108  }
0x21: {  	s3 =	sadd.s32 s3, s9;
	s6 =	sadd.s32 @!p0 $0x88, s6;
	s7 =	simm.s32 @p2 $0x1082  }
0x22: {  	[simem:s7], [sflag:s8] =	dma.local @!p0 [hbm:s6], $0xF7A  }
0x23: {  	s9 =	sor.u32 $0xD0000000, s2;
	s6 =	simm.s32 $0x108;
	_ =	swait.ge @!p0 [sflag:s8], $0x0  }
0x24: {  	s3 =	sadd.s32 $0x88, s3;
	s6 =	simm.s32 @!p1 $0x1082;
	[sflag:s4] =	ssyncset.s32 $0xFFFFF086  }
0x25: {  	[simem:s6], [sflag:s4] =	dma.local [hbm:s3], $0xF7A  }
0x26: {  	[smem:$0x3F03] =	sst s1;
	(tag) =	ssettag s2;
	_ =	strace s9  }
0x27: {  	s1 =	sld [smem:$0x3F13]  }
0x28: {  	s2 =	sld [smem:$0x3F14]  }
0x29: {  	s4 =	sld [smem:$0x3F16]  }
0x2a: {  	p0 =	seq.s32 s5, $0x0;
	s5 =	sld [smem:$0x3F17]  }
0x2b: {  	s6 =	sld [smem:$0x3F18]  }
0x2c: {  	s7 =	sld [smem:$0x3F19]  }
0x2d: {  	s3 =	simm.s32 $0x108;
	s8 =	sld [smem:$0x3F1A]  }
0x2e: {  	s3 =	simm.s32 @!p0 $0x1082;
	s9 =	sld [smem:$0x3F1B]  }
0x2f: {  	lr =	sadd.s32 s0, s3;
	s0 =	sld [smem:$0x3F12]  }
0x30: {  	s3 =	sld [smem:$0x3F15]  }
0x31: {  	[smem:$0x3F1E] =	sst s10  }
0x32: {  	s10 =	sld [smem:$0x3F1C];
	_ =	sdelay $0x3  }
0x33: {  	p0 =	seq.s32 s10, $0x1;
	s10 =	sld [smem:$0x3F1E];
	_ =	sdelay $0x3  }
0x34: {  	[smem:$0x3F1E] =	sst s10  }
0x35: {  	s10 =	sld [smem:$0x3F1D];
	_ =	sdelay $0x3  }
0x36: {  	p1 =	seq.s32 s10, $0x1;
	s10 =	sld [smem:$0x3F1E];
	_ =	sdelay $0x3  }
0x37: {  	[smem:$0x3F1E] =	sst s10  }
0x38: {  	s10 =	sld [smem:$0x3F1F]  }
0x39: {  	_ = 	snop;
	(pc) =	sbr.ind lr, $3  }
0x3a: {  	_ = 	snop  }
0x3b: {  	_ = 	snop  }
0x3c: {  	p2 =	seq.s32 s10, $0x1;
	s10 =	sld [smem:$0x3F1E]  }
0x3d: {  	_ =	shalt  }
0x3e: {  	_ =	shalt  }
0x3f: {  	_ =	shalt  }
0x40: {  	_ =	shalt  }
0x41: {  	_ =	shalt  }
0x42: {  	_ =	shalt  }
0x43: {  	_ =	shalt  }
0x44: {  	_ =	shalt  }
0x45: {  	_ =	shalt  }
0x46: {  	_ =	shalt  }
0x47: {  	_ =	shalt  }
0x48: {  	_ =	shalt  }
0x49: {  	_ =	shalt  }
0x4a: {  	_ =	shalt  }
0x4b: {  	_ =	shalt  }
0x4c: {  	_ =	shalt  }
0x4d: {  	_ =	shalt  }
0x4e: {  	_ =	shalt  }
0x4f: {  	_ =	shalt  }
0x50: {  	_ =	shalt  }
0x51: {  	_ =	shalt  }
0x52: {  	_ =	shalt  }
0x53: {  	_ =	shalt  }
0x54: {  	_ =	shalt  }
0x55: {  	_ =	shalt  }
0x56: {  	_ =	shalt  }
0x57: {  	_ =	shalt  }
0x58: {  	_ =	shalt  }
0x59: {  	_ =	shalt  }
0x5a: {  	_ =	shalt  }
0x5b: {  	_ =	shalt  }
0x5c: {  	_ =	shalt  }
0x5d: {  	_ =	shalt  }
0x5e: {  	_ =	shalt  }
0x5f: {  	_ =	shalt  }
0x60: {  	_ =	shalt  }
0x61: {  	_ =	shalt  }
0x62: {  	_ =	shalt  }
0x63: {  	_ =	shalt  }
0x64: {  	_ =	shalt  }
0x65: {  	_ =	shalt  }
0x66: {  	_ =	shalt  }
0x67: {  	_ =	shalt  }
0x68: {  	_ =	shalt  }
0x69: {  	_ =	shalt  }
0x6a: {  	_ =	shalt  }
0x6b: {  	_ =	shalt  }
0x6c: {  	_ =	shalt  }
0x6d: {  	_ =	shalt  }
0x6e: {  	_ =	shalt  }
0x6f: {  	_ =	shalt  }
0x70: {  	_ =	shalt  }
0x71: {  	_ =	shalt  }
0x72: {  	_ =	shalt  }
0x73: {  	_ =	shalt  }
0x74: {  	_ =	shalt  }
0x75: {  	_ =	shalt  }
0x76: {  	_ =	shalt  }
0x77: {  	_ =	shalt  }
0x78: {  	_ =	shalt  }
0x79: {  	_ =	shalt  }
0x7a: {  	_ =	shalt  }
0x7b: {  	_ =	shalt  }
0x7c: {  	_ =	shalt  }
0x7d: {  	_ =	shalt  }
0x7e: {  	_ =	shalt  }
0x7f: {  	_ =	shalt  }
0x80: {  	_ =	shalt  }
0x81: {  	_ =	shalt  }
0x82: {  	_ =	shalt  }
0x83: {  	_ =	shalt  }
0x84: {  	_ =	shalt  }
0x85: {  	_ =	shalt  }
0x86: {  	_ =	shalt  }
0x87: {  	_ =	shalt  }
.Lfunc_end0:
.L_simem_size_0:
called_computation_lowered:
.L_overlay_start_0:
0x88: {  	s2 =	sld [smem:$0x3FD9]  }
0x89: {  	s3 =	sld [smem:$0x3FFE];
	_ =	sdelay $0x1  }
0x8a: {  	s1 =	srdreg.scid  }
0x8b: {  	s0 =	sand.u32 $0x1, s1  }
0x8c: {  	s17 =	sshll.u32 s0, $0xA;
	s2 =	sadd.s32 s3, s2  }
0x8d: {  	s2 =	sadd.s32 s2, s17  }
0x8e: {  	[smem:$0x3F2A] =	sst s2  }
0x8f: {  	_ = 	snop  }
0x90: {  	(tm) =	ssettm $0x1  }
0x91: {  	s18 =	sld [smem:$0x3FFB];
	_ =	sdelay $0x3  }
0x92: {  	_ =	strace s18  }
0x93: {  	s2 =	sld [smem:$0x3FFC];
	_ =	sdelay $0x3  }
0x94: {  	_ =	strace s2  }
0x95: {  	s2 =	sld [smem:$0x3FFD];
	_ =	sdelay $0x3  }
0x96: {  	_ =	strace s2  }
0x97: {  	_ =	strace $0x8FFFFFFF  }
0x98: {  	s19 =	sld [smem:$0x3FDB];
	_ =	sdelay $0x1  }
0x99: {  	s20 =	simm.s32 $_scs_section_size  }
0x9a: {  	s4 =	simm.s32 $_size__tile_overlayer_lowered;
	s5 =	simm.s32 $_tile_overlayer_lowered  }
0x9b: {  	s6 =	simm.s32 $0x1BFF;
	s21 =	sshll.u32 s5, $0x1;
	s3 =	sadd.s32 s20, s19  }
0x9c: {  	s22 =	simm.s32 $0x0;
	s4 =	sshll.u32 s4, $0x1;
	s5 =	sadd.s32 s21, s3  }
0x9d: {  	[timem:s22], [sflag:s6] =	dma.local [hbm:s5], s4  }
0x9e: {  	_ =	swait.ge [sflag:s6], s4  }
0x9f: {  	s4 =	ssub.s32 $0x0, s4;
	[sflag:s6] =	ssyncset.done $0x0  }
0xa0: {  	[sflag:s6] =	ssyncadd.s32 s4;
	_ =	sdelay $0x1  }
0xa1: {  	s23 =	simm.s32 $0x1B8B  }
0xa2: {  	_ =	swait.ge [sflag:s23], $0x1  }
0xa3: {  	[sflag:s23] =	ssyncset.done $0x0  }
0xa4: {  	[sflag:s23] =	ssyncadd.s32 $0xFFFFFFFF  }
0xa5: {  	s4 =	sld [smem:$0x0]  }
0xa6: {  	s5 =	sand.u32 $0xFFFFFFFE, s1  }
0xa7: {  	p0 =	sne.s32 s1, s5  }
0xa8: {  	s5 =	sshll.u32 @p0 s5, $0xE  }
0xa9: {  	s5 =	sadd.s32 @p0 $0x11B8D, s5;
	s6 =	sshll.u32 @p0 s4, $0x11  }
0xaa: {  	s5 =	sor.u32 @p0 s6, s5  }
0xab: {  	[sflag:s5] =	ssyncadd.remote.s32 @p0 $0x1;
	_ =	sdelay $0x1  }
0xac: {  	s5 =	simm.s32 @p0 $0x1B8D  }
0xad: {  	_ =	swait.eq @p0 [sflag:s5], $0x1  }
0xae: {  	[sflag:s5] =	ssyncadd.s32 @p0 $0xFFFFFFFF  }
0xaf: {  	s6 =	sshll.u32 @!p0 s1, $0xE  }
0xb0: {  	s6 =	sor.u32 @!p0 $0x4000, s6;
	s5 =	simm.s32 @!p0 $0x1B8D  }
0xb1: {  	s4 =	sshll.u32 @!p0 s4, $0x11;
	s6 =	sadd.s32 @!p0 $0x11B8D, s6;
	_ =	swait.eq @!p0 [sflag:s5], $0x1  }
0xb2: {  	s4 =	sor.u32 @!p0 s4, s6;
	[sflag:s5] =	ssyncadd.s32 @!p0 $0xFFFFFFFF  }
0xb3: {  	s25 =	simm.s32 $0x1B8E;
	s24 =	sld [smem:$0x3FFE];
	[sflag:s4] =	ssyncadd.remote.s32 @!p0 $0x1  }
0xb4: {  	s26 =	simm.s32 $execute0_lowered;
	[smem:$0x3FD2] =	sst s25  }
0xb5: {  	s5 =	sshll.u32 s26, $0x1;
	_ =	strace $0x8000004C;
	[dreg:$0x1] =	wrdreg $0xFFFFFFFF  }
0xb6: {  	s28 =	simm.s32 $_size_execute0_lowered;
	s3 =	sadd.s32 s3, s5;
	[dreg:$0x0] =	wrdreg $0x0  }
0xb7: {  	s5 =	sshll.u32 s28, $0x1;
	[dreg:$0x2] =	wrdreg s3  }
0xb8: {  	[dreg:$0x3] =	wrdreg s5  }
0xb9: {  	[dreg:$0x4] =	wrdreg $0xC0  }
0xba: {  	_ =	task [dreg:s22], $0x5FFFF  }
0xbb: {  	[dreg:$0x1] =	wrdreg $0xFFFFFFFF  }
0xbc: {  	[dreg:$0x0] =	wrdreg $0x60  }
0xbd: {  	[dreg:$0x2] =	wrdreg s24  }
0xbe: {  	[dreg:$0x3] =	wrdreg $0x9  }
0xbf: {  	_ =	task.clear_ibuf [dreg:s22], $0x4FFFF;
	_ =	strace $0x9000004C  }
0xc0: {  	s29 =	simm.s32 $0x9;
	_ =	strace $0x8000004E  }
0xc1: {  	_ =	swait.ge [sflag:s29], $0x1  }
0xc2: {  	[sflag:s29] =	ssyncadd.s32 $0xFFFFFFFF  }
0xc3: {  	_ =	strace $0x9000004E  }
0xc4: {  	_ =	sfence  }
0xc5: {  	s30 =	sld [smem:$0x0];
	_ =	sdelay $0x2  }
0xc6: {  	s31 =	sshll.u32 s1, $0xD;
	s1 =	sshrl.u32 s1, $0x2  }
0xc7: {  	s4 =	sand.u32 $0x4000, s31;
	s1 =	sadd.s32 s1, s30  }
0xc8: {  	s0 =	sor.u32 s4, s0;
	s1 =	sshll.u32 s1, $0x11  }
0xc9: {  	s0 =	sor.u32 s1, s0  }
0xca: {  	s0 =	sadd.s32 $0x8F2B, s0  }
0xcb: {  	[sflag:s0] =	ssyncadd.remote.s32 $0x1  }
0xcc: {  	_ =	sfence.sel $0xFFFF  }
0xcd: {  	[dreg:$0x0] =	wrdreg $0xFFFFFFFF;
	(pc) =	sbr.abs _section_cstart, $3  }
0xce: {  	[dreg:$0x1] =	wrdreg $0xFFFFFFFF  }
0xcf: {  	_ =	task.clear_ibuf [dreg:s22], $0x2FFFF;
	_ =	strace $0x9FFFFFFF  }
0xd0: {  	(tm) =	ssettm $0x7FFFFFFF  }
0xd1: {  	_ =	shalt  }
tec
execute0_lowered:
.L_overlay_start_1:
0x0: {  	(tag) =	ssettag $0x1  }
0x1: {  	s0 =	srdreg.scid  }
0x2: {  	s1 =	sshll.u32 s0, $0x4  }
0x3: {  	s0 =	stileid.u32;
	s1 =	sand.u32 $0x10, s1  }
0x4: {  	s2 =	sor.u32 s0, s1  }
0x5: {  	s1 =	sshrl.u32 s1, $0x4;
	s3 =	smin.u32 s2, $0x10;
	s2 =	sshll.u32 s2, $0x1  }
0x6: {  	s1 =	sxor.u32 $0x3, s1;
	s2 =	sadd.s32 s3, s2  }
0x7: {  	s1 =	sadd.s32 s1, s2  }
0x8: {  	s1 =	smul.u32 $0x140, s1  }
0x9: {  	s2 =	smul.u32 $0x140, s2  }
0xa: {  	s3 =	smin.u32 s1, $0x6400  }
0xb: {  	s7 =	ssub.s32 s3, s2  }
0xc: {  	p0 =	sgt.s32 s7, $0x0  }
0xd: {  	s7 =	simm.s32 @!p0 $0x0  }
0xe: {  	s4 =	smul.u32 $0xCCCD, s7  }
0xf: {  	s9 =	rddreg [dreg:$0x0];
	s6 =	simm.s32 $0x1;
	s11 =	simm.s32 $0x3  }
0x10: {  	s13 =	simm.s32 $0x0;
	s12 =	simm.s32 $0x0;
	s8 =	sshrl.u32 s4, $0x18  }
0x11: {  	s1 =	rddreg [dreg:$0x1];
	_ =	strace $0x8000004D;
	s10 =	smul.u32 $0x140, s8  }
.Ltmp0:
0x12: {  	s5 =	sadd.s32 $0x1B200, s9;
	[sflag:s6] =	ssyncpa.u1 $0x0;
	(pc) =	sbr.rel .LBB2_1-.Ltmp0, $4  }
0x13: {  	s4 =	sadd.s32 $0x19D600, s9;
	p0 =	sne.s32 s7, s10;
	s10 =	simm.s32 $0x1  }
0x14: {  	s9 =	sadd.s32 $0x265600, s9;
	s7 =	simm.s32 $0x2;
	s10 =	simm.s32 @!p0 $0x0  }
0x15: {  	[sflag:s7] =	ssyncpa.u1 $0x0;
	p0 =	por $0x0, $0x0;
	s8 =	sadd.s32 s8, s10  }
0x16: {  	vm0 =	vmmov $0xff;
	vm1 =	vcmask $0x3F20;
	[sflag:s11] =	ssyncpa.u1 $0x0;
	s11 =	smov.u32 s2;
	s10 =	sadd.s32 $0x1, s8  }
.LBB2_6:
0x17: {  	[hbm:s17] =	stream.linear.scatter [tilespmem:s14], [sflag:$0x3], $0x400, $0x38;
	[tilespmem:$0x14280] =	vst v63  }
.LBB2_7:
0x18: {  	s13 =	sadd.s32 $0x140, s11  }
0x19: {  	s15 =	smov.u32 s2;
	p2 =	slt.s32 s13, s3  }
0x1a: {  	s15 =	smov.u32 @p2 s13;
	p2 =	sne.s32 s12, s10  }
.Ltmp1:
0x1b: {  	p1 =	slt.u32 s12, $0x2;
	(pc) =	sbr.rel @!p2 .LBB2_8-.Ltmp1, $4  }
0x1c: {  	s14 =	simm.s32 @!p1 $0x3  }
0x1d: {  	s16 =	sadd.s32 $0x1, s12;
	_ =	swait.ge @!p1 [sflag:s14], $0xA000  }
0x1e: {  	p0 =	por !p0, !p0;
	s13 =	smov.u32 s11;
	[sflag:s14] =	ssyncset.done @!p1 $0x0  }
0x1f: {  	s12 =	smov.u32 s16;
	s11 =	smov.u32 s15;
	[sflag:s14] =	ssyncadd.s32 @!p1 $0xFFFF6000  }
.LBB2_1:
0x20: {  	p1 =	sge.u32 s12, s8  }
0x21: {  	s14 =	sxor.u32 @!p1 $0xFFFFFFFF, s12  }
0x22: {  	s14 =	sand.u32 @!p1 $0x1, s14  }
0x23: {  	s14 =	smul.u32 @!p1 $0x500, s14  }
0x24: {  	s31 =	sadd.s32 $0xFFFFFFFF, s12;
	s15 =	sshrl.u32 @!p1 s11, $0x3  }
0x25: {  	s16 =	sand.u32 @!p1 $0x7, s11;
	s15 =	sadd.s32 @!p1 s5, s15;
	s14 =	sshrl.u32 @!p1 s14, $0x2  }
0x26: {  	[tilespmem:s14], [sflag:$0x2] =	stream.linear.gather @!p1 [hbm4b:s15+s16], $0x140, $0x38;
	[tilespmem:$0x14280] =	vst v63  }
0x27: {  	p1 =	sge.u32 s31, s8  }
.Ltmp2:
0x28: {  	_ = 	snop;
	(pc) =	sbr.rel @p1 .LBB2_7-.Ltmp2, $1  }
0x29: {  	_ =	sdelay $0x3  }
0x2a: {  	s14 =	simm.s32 $0x1  }
0x2b: {  	s14 =	simm.s32 @!p0 $0x0  }
0x2c: {  	s15 =	smul.u32 $0x500, s14  }
0x2d: {  	_ =	swait.ge [sflag:s7], $0x140  }
0x2e: {  	[sflag:s7] =	ssyncset.done $0x0;
	s16 =	sshrl.u32 s15, $0x2  }
0x2f: {  	[sflag:s7] =	ssyncadd.s32 $0xFFFFFEC0;
	s15 =	sadd.s32 $0x0, s16  }
0x30: {  	v0 =	vld.msk [tilespmem:s15+$0x0 ss:$0x1], $0xffff;
	_ =	sdelay $0x4  }
0x31: {  	vm2 =	veq.s32 v0, $0x80000000  }
0x32: {  	v1 =	vshll.u32 v0, $0x11;
	v2 =	vshll.u32 v0, $0x6;
	v0 =	vshrl.u32 v0, $0x4  }
0x33: {  	v1 =	vand.u32 $0x7E0000, v1;
	v2 =	vand.u32 $0x1F000, v2;
	v0 =	vand.u32 $0xF80, v0  }
0x34: {  	v1 =	vor.u32 v2, v1;
	v0 =	vsel vm2, $0xFFFFFF80, v0  }
0x35: {  	v1 =	vsel vm2, $0xFFFDF000, v1;
	v2 =	vand.u32 $0xFFFFFC00, v0  }
0x36: {  	v0 =	vand.u32 $0x380, v0;
	v1 =	vadd.s32 v2, v1  }
0x37: {  	v0 =	vor.u32 v0, v1  }
0x38: {  	v0 =	vshrl.u32 v0, $0x3  }
0x39: {  	s14 =	smul.u32 $0x28000, s14;
	_ =	sdelay $0x1  }
0x3a: {  	s14 =	sshrl.u32 s14, $0x2  }
0x3b: {  	s14 =	sor.u32 $0x280, s14  }
0x3c: {  	[tilespmem:s14], [sflag:$0x1] =	stream.indirect_vreg.gather [hbm:s4], $0x80, v0, vm0, $0x38;
	[tilespmem:$0x14280] =	vst v63  }
0x3d: {  	s17 =	sadd.s32 $0x10, s16;
	s15 =	sadd.s32 $0x400, s14  }
0x3e: {  	[tilespmem:s15], [sflag:$0x1] =	stream.indirect_vreg.gather [hbm:s4], $0x80, v0, vm1, $0x38;
	[tilespmem:$0x14280] =	vst v63  }
0x3f: {  	s18 =	simm.s32 $0x80;
	v0 =	vld.msk [tilespmem:s17+$0x0 ss:$0x1], $0xffff;
	s17 =	smov.u32 s14  }
.LBB2_3:
0x40: {  	p1 =	sne.s32 s18, $0x4C0;
	_ =	sdelay $0x4  }
0x41: {  	vm2 =	veq.s32 v0, $0x80000000  }
0x42: {  	v1 =	vshll.u32 v0, $0x11;
	v2 =	vshll.u32 v0, $0x6;
	v0 =	vshrl.u32 v0, $0x4  }
0x43: {  	v1 =	vand.u32 $0x7E0000, v1;
	v2 =	vand.u32 $0x1F000, v2;
	v0 =	vand.u32 $0xF80, v0  }
0x44: {  	v1 =	vor.u32 v2, v1;
	v0 =	vsel vm2, $0xFFFFFF80, v0  }
0x45: {  	v1 =	vsel vm2, $0xFFFDF000, v1;
	v2 =	vand.u32 $0xFFFFFC00, v0  }
0x46: {  	v0 =	vand.u32 $0x380, v0;
	v1 =	vadd.s32 v2, v1  }
0x47: {  	v0 =	vor.u32 v0, v1  }
0x48: {  	v0 =	vshrl.u32 v0, $0x3;
	_ =	sdelay $0x3  }
.Ltmp3:
0x49: {  	s19 =	sshra.s32 s18, $0x2;
	s17 =	sadd.s32 $0x800, s17;
	(pc) =	sbr.rel @p1 .LBB2_3-.Ltmp3, $4  }
0x4a: {  	[tilespmem:s17], [sflag:$0x1] =	stream.indirect_vreg.gather [hbm:s4], $0x80, v0, vm0, $0x38;
	[tilespmem:$0x14280] =	vst v63  }
0x4b: {  	s19 =	sadd.s32 s19, s16;
	s20 =	sadd.s32 $0x400, s17  }
0x4c: {  	[tilespmem:s20], [sflag:$0x1] =	stream.indirect_vreg.gather [hbm:s4], $0x80, v0, vm1, $0x38;
	[tilespmem:$0x14280] =	vst v63  }
0x4d: {  	s18 =	sadd.s32 $0x40, s18;
	v0 =	vld.msk [tilespmem:s19+$0x0 ss:$0x1], $0xffff  }
0x4e: {  	_ =	sdelay $0x3  }
0x4f: {  	vm2 =	veq.s32 v0, $0x80000000  }
0x50: {  	v1 =	vshll.u32 v0, $0x11;
	v2 =	vshll.u32 v0, $0x6;
	v62 =	vshrl.u32 v0, $0x4  }
0x51: {  	v1 =	vand.u32 $0x7E0000, v1;
	v2 =	vand.u32 $0x1F000, v2;
	v0 =	vand.u32 $0xF80, v62  }
0x52: {  	v1 =	vor.u32 v2, v1;
	v0 =	vsel vm2, $0xFFFFFF80, v0  }
0x53: {  	v1 =	vsel vm2, $0xFFFDF000, v1;
	v63 =	vand.u32 $0xFFFFFC00, v0  }
0x54: {  	v0 =	vand.u32 $0x380, v0;
	v1 =	vadd.s32 v63, v1  }
0x55: {  	v0 =	vor.u32 v0, v1  }
0x56: {  	v0 =	vshrl.u32 v0, $0x3;
	_ =	sdelay $0x3  }
0x57: {  	s16 =	sadd.s32 $0x800, s17  }
0x58: {  	[tilespmem:s16], [sflag:$0x1] =	stream.indirect_vreg.gather [hbm:s4], $0x80, v0, vm0, $0x38;
	[tilespmem:$0x14280] =	vst v63  }
0x59: {  	s16 =	sadd.s32 $0x400, s16  }
0x5a: {  	[tilespmem:s16], [sflag:$0x1] =	stream.indirect_vreg.gather [hbm:s4], $0x80, v0, vm1, $0x38;
	[tilespmem:$0x14280] =	vst v63  }
0x5b: {  	s13 =	sshll.u32 s13, $0x4;
	_ =	swait.ge [sflag:s6], $0xA000  }
0x5c: {  	s13 =	sadd.s32 s13, s9;
	[sflag:s6] =	ssyncset.done $0x0  }
0x5d: {  	s17 =	sadd.s32 $0x0, s13;
	s16 =	simm.s32 $0x80;
	[sflag:s6] =	ssyncadd.s32 $0xFFFF6000  }
.LBB2_5:
0x5e: {  	[hbm:s17] =	stream.linear.scatter [tilespmem:s14], [sflag:$0x3], $0x400, $0x38;
	[tilespmem:$0x14280] =	vst v63  }
0x5f: {  	s17 =	smov.u32 s16;
	s14 =	smov.u32 s15;
	p1 =	sne.s32 s16, $0x1380  }
.Ltmp4:
0x60: {  	s16 =	sadd.s32 $0x80, s16;
	(pc) =	sbr.rel @p1 .LBB2_5-.Ltmp4, $2  }
0x61: {  	_ =	sdelay $0x2  }
0x62: {  	s15 =	sadd.s32 $0x400, s15;
	s17 =	sadd.s32 s17, s13  }
.Ltmp5:
0x63: {  	_ = 	snop;
	(pc) =	sbr.rel .LBB2_6-.Ltmp5, $1  }
0x64: {  	_ =	sdelay $0x3  }
.LBB2_8:
0x65: {  	_ =	sfence.sel $0x180000  }
0x66: {  	s2 =	simm.s32 $0x2;
	[bflag:$0x0] =	sbarrier.arrive $0xFFFF  }
0x67: {  	s30 =	simm.s32 $0x3;
	[sflag:s2] =	ssyncpa.u1 $0x1  }
0x68: {  	s31 =	simm.s32 $0x1;
	[sflag:s30] =	ssyncpa.u1 $0x1  }
0x69: {  	[sflag:s31] =	ssyncpa.u1 $0x1  }
0x6a: {  	p0 =	sne.s32 s0, $0x0;
	_ =	strace $0x9000004D  }
0x6b: {  	s0 =	sadd.s32 @!p0 $0x100000, s1;
	[bflag:$0x2] =	sbarrier.arrive $0xFFFF  }
0x6c: {  	[sflag:s0] =	ssyncadd.tile.s32 @!p0 $0x1;
	_ =	shalt  }
.Lfunc_end2:
_tile_overlayer_lowered:
.L_overlay_start_2:
0x6d: {  	(tag) =	ssettag $0x2  }
0x6e: {  	s0 =	rddreg [dreg:$0x0];
	s2 =	stileid.u32  }
0x6f: {  	s1 =	rddreg [dreg:$0x1];
	p0 =	sne.s32 s2, $0x0  }
0x70: {  	s3 =	rddreg [dreg:$0x2];
	[bflag:$0x3] =	sbarrier.arrive $0xFFFF;
	s2 =	simm.s32 @!p0 $0x1C01  }
0x71: {  	[timem:s3], [sflag:s2] =	dma.local @!p0 [hbm:s0], s1  }
0x72: {  	s0 =	simm.s32 @!p0 $0x1  }
0x73: {  	_ =	swait.ge @!p0 [sflag:s0], s1  }
0x74: {  	s1 =	ssub.s32 @!p0 $0x0, s1;
	[sflag:s0] =	ssyncset.done @!p0 $0x0  }
0x75: {  	[sflag:s0] =	ssyncadd.s32 @!p0 s1  }
0x76: {  	[bflag:$0x3] =	sbarrier.arrive $0xFFFF  }
0x77: {  	_ =	shalt  }

// kernel: kernel.9.cloned.1.call-start
scs
__scs_entry_jumppad:
0x0: {  	(pc) =	sbr.rel $0x88, $3  }
0x1: {  	(tag) =	ssettag $0x0;
	lr =	simm.s32 $0x1  }
0x2: {  	[smem:$0x3F03] =	sst lr;
	_ =	strace $0xD0000000  }
0x3: {  	_ = 	snop  }
0x4: {  	_ = 	snop  }
0x5: {  	_ = 	snop  }
0x6: {  	_ = 	snop  }
0x7: {  	_ = 	snop  }
__scs_overlays_trampoline_lowered:
0x8: {  	[smem:$0x3F12] =	sst s0  }
0x9: {  	[smem:$0x3F13] =	sst s1  }
0xa: {  	[smem:$0x3F14] =	sst s2  }
0xb: {  	[smem:$0x3F15] =	sst s3  }
0xc: {  	[smem:$0x3F16] =	sst s4  }
0xd: {  	[smem:$0x3F17] =	sst s5  }
0xe: {  	[smem:$0x3F18] =	sst s6  }
0xf: {  	[smem:$0x3F19] =	sst s7  }
0x10: {  	[smem:$0x3F1A] =	sst s8  }
0x11: {  	[smem:$0x3F1B] =	sst s9;
	s0 =	simm.s32 @!p0 $0x0  }
0x12: {  	s1 =	sld [smem:$0x3F01];
	s0 =	simm.s32 @p0 $0x1  }
0x13: {  	[smem:$0x3F1C] =	sst s0;
	s0 =	simm.s32 @!p1 $0x0  }
0x14: {  	s2 =	sld [smem:$0x3F00];
	s0 =	simm.s32 @p1 $0x1  }
0x15: {  	[smem:$0x3F1D] =	sst s0;
	s0 =	simm.s32 @!p2 $0x0  }
0x16: {  	s3 =	sld [smem:$0x3FDB];
	s0 =	simm.s32 @p2 $0x1  }
0x17: {  	s4 =	simm.s32 $0x1BF5;
	[smem:$0x3F1F] =	sst s0  }
0x18: {  	s0 =	sld [smem:$0x3F02];
	_ =	swait.ge [sflag:s4], $0x0  }
0x19: {  	s7 =	sld [smem:$0x3F03]  }
0x1a: {  	s8 =	sadd.s32 $0xFFFFE003, lr  }
0x1b: {  	s9 =	sadd.s32 $0xFFFFFEF7, lr;
	s5 =	simm.s32 $0xFFFFFFFF;
	p2 =	slt.u32 s8, $0xFFFFF086  }
0x1c: {  	p1 =	slt.u32 s9, $0xF7A;
	s5 =	simm.s32 @!p2 $0x0  }
0x1d: {  	s5 =	simm.s32 @p1 $0x1;
	p0 =	seq.s32 s7, s2  }
0x1e: {  	s7 =	smul.u32 @!p0 $0xF7A, s2;
	p2 =	seq.s32 @!p0 s5, $0x0  }
0x1f: {  	s9 =	smul.u32 $0xF7A, s1;
	s8 =	simm.s32 @!p0 $0x1BF5;
	p2 =	por !p2, p0  }
0x20: {  	[sflag:s8] =	ssyncset.s32 @!p0 $0xFFFFF086;
	s6 =	sadd.s32 @!p0 s3, s7;
	s7 =	simm.s32 @!p0 $0x108  }
0x21: {  	s3 =	sadd.s32 s3, s9;
	s6 =	sadd.s32 @!p0 $0x88, s6;
	s7 =	simm.s32 @p2 $0x1082  }
0x22: {  	[simem:s7], [sflag:s8] =	dma.local @!p0 [hbm:s6], $0xF7A  }
0x23: {  	s9 =	sor.u32 $0xD0000000, s2;
	s6 =	simm.s32 $0x108;
	_ =	swait.ge @!p0 [sflag:s8], $0x0  }
0x24: {  	s3 =	sadd.s32 $0x88, s3;
	s6 =	simm.s32 @!p1 $0x1082;
	[sflag:s4] =	ssyncset.s32 $0xFFFFF086  }
0x25: {  	[simem:s6], [sflag:s4] =	dma.local [hbm:s3], $0xF7A  }
0x26: {  	[smem:$0x3F03] =	sst s1;
	(tag) =	ssettag s2;
	_ =	strace s9  }
0x27: {  	s1 =	sld [smem:$0x3F13]  }
0x28: {  	s2 =	sld [smem:$0x3F14]  }
0x29: {  	s4 =	sld [smem:$0x3F16]  }
0x2a: {  	p0 =	seq.s32 s5, $0x0;
	s5 =	sld [smem:$0x3F17]  }
0x2b: {  	s6 =	sld [smem:$0x3F18]  }
0x2c: {  	s7 =	sld [smem:$0x3F19]  }
0x2d: {  	s3 =	simm.s32 $0x108;
	s8 =	sld [smem:$0x3F1A]  }
0x2e: {  	s3 =	simm.s32 @!p0 $0x1082;
	s9 =	sld [smem:$0x3F1B]  }
0x2f: {  	lr =	sadd.s32 s0, s3;
	s0 =	sld [smem:$0x3F12]  }
0x30: {  	s3 =	sld [smem:$0x3F15]  }
0x31: {  	[smem:$0x3F1E] =	sst s10  }
0x32: {  	s10 =	sld [smem:$0x3F1C];
	_ =	sdelay $0x3  }
0x33: {  	p0 =	seq.s32 s10, $0x1;
	s10 =	sld [smem:$0x3F1E];
	_ =	sdelay $0x3  }
0x34: {  	[smem:$0x3F1E] =	sst s10  }
0x35: {  	s10 =	sld [smem:$0x3F1D];
	_ =	sdelay $0x3  }
0x36: {  	p1 =	seq.s32 s10, $0x1;
	s10 =	sld [smem:$0x3F1E];
	_ =	sdelay $0x3  }
0x37: {  	[smem:$0x3F1E] =	sst s10  }
0x38: {  	s10 =	sld [smem:$0x3F1F]  }
0x39: {  	_ = 	snop;
	(pc) =	sbr.ind lr, $3  }
0x3a: {  	_ = 	snop  }
0x3b: {  	_ = 	snop  }
0x3c: {  	p2 =	seq.s32 s10, $0x1;
	s10 =	sld [smem:$0x3F1E]  }
0x3d: {  	_ =	shalt  }
0x3e: {  	_ =	shalt  }
0x3f: {  	_ =	shalt  }
0x40: {  	_ =	shalt  }
0x41: {  	_ =	shalt  }
0x42: {  	_ =	shalt  }
0x43: {  	_ =	shalt  }
0x44: {  	_ =	shalt  }
0x45: {  	_ =	shalt  }
0x46: {  	_ =	shalt  }
0x47: {  	_ =	shalt  }
0x48: {  	_ =	shalt  }
0x49: {  	_ =	shalt  }
0x4a: {  	_ =	shalt  }
0x4b: {  	_ =	shalt  }
0x4c: {  	_ =	shalt  }
0x4d: {  	_ =	shalt  }
0x4e: {  	_ =	shalt  }
0x4f: {  	_ =	shalt  }
0x50: {  	_ =	shalt  }
0x51: {  	_ =	shalt  }
0x52: {  	_ =	shalt  }
0x53: {  	_ =	shalt  }
0x54: {  	_ =	shalt  }
0x55: {  	_ =	shalt  }
0x56: {  	_ =	shalt  }
0x57: {  	_ =	shalt  }
0x58: {  	_ =	shalt  }
0x59: {  	_ =	shalt  }
0x5a: {  	_ =	shalt  }
0x5b: {  	_ =	shalt  }
0x5c: {  	_ =	shalt  }
0x5d: {  	_ =	shalt  }
0x5e: {  	_ =	shalt  }
0x5f: {  	_ =	shalt  }
0x60: {  	_ =	shalt  }
0x61: {  	_ =	shalt  }
0x62: {  	_ =	shalt  }
0x63: {  	_ =	shalt  }
0x64: {  	_ =	shalt  }
0x65: {  	_ =	shalt  }
0x66: {  	_ =	shalt  }
0x67: {  	_ =	shalt  }
0x68: {  	_ =	shalt  }
0x69: {  	_ =	shalt  }
0x6a: {  	_ =	shalt  }
0x6b: {  	_ =	shalt  }
0x6c: {  	_ =	shalt  }
0x6d: {  	_ =	shalt  }
0x6e: {  	_ =	shalt  }
0x6f: {  	_ =	shalt  }
0x70: {  	_ =	shalt  }
0x71: {  	_ =	shalt  }
0x72: {  	_ =	shalt  }
0x73: {  	_ =	shalt  }
0x74: {  	_ =	shalt  }
0x75: {  	_ =	shalt  }
0x76: {  	_ =	shalt  }
0x77: {  	_ =	shalt  }
0x78: {  	_ =	shalt  }
0x79: {  	_ =	shalt  }
0x7a: {  	_ =	shalt  }
0x7b: {  	_ =	shalt  }
0x7c: {  	_ =	shalt  }
0x7d: {  	_ =	shalt  }
0x7e: {  	_ =	shalt  }
0x7f: {  	_ =	shalt  }
0x80: {  	_ =	shalt  }
0x81: {  	_ =	shalt  }
0x82: {  	_ =	shalt  }
0x83: {  	_ =	shalt  }
0x84: {  	_ =	shalt  }
0x85: {  	_ =	shalt  }
0x86: {  	_ =	shalt  }
0x87: {  	_ =	shalt  }
.Lfunc_end0:
.L_simem_size_0:
called_computation.2_lowered:
.L_overlay_start_0:
0x88: {  	s2 =	sld [smem:$0x3FD9]  }
0x89: {  	s3 =	sld [smem:$0x3FFE];
	_ =	sdelay $0x1  }
0x8a: {  	s1 =	srdreg.scid  }
0x8b: {  	s0 =	sand.u32 $0x1, s1  }
0x8c: {  	s16 =	sshll.u32 s0, $0xA;
	s2 =	sadd.s32 s3, s2  }
0x8d: {  	s2 =	sadd.s32 s2, s16  }
0x8e: {  	[smem:$0x3F2A] =	sst s2  }
0x8f: {  	_ = 	snop  }
0x90: {  	(tm) =	ssettm $0x1  }
0x91: {  	s17 =	sld [smem:$0x3FFB];
	_ =	sdelay $0x3  }
0x92: {  	_ =	strace s17  }
0x93: {  	s2 =	sld [smem:$0x3FFC];
	_ =	sdelay $0x3  }
0x94: {  	_ =	strace s2  }
0x95: {  	s2 =	sld [smem:$0x3FFD];
	_ =	sdelay $0x3  }
0x96: {  	_ =	strace s2  }
0x97: {  	_ =	strace $0x8FFFFFFF  }
0x98: {  	s18 =	sld [smem:$0x3FDB];
	_ =	sdelay $0x1  }
0x99: {  	s19 =	simm.s32 $_scs_section_size  }
0x9a: {  	s4 =	simm.s32 $_size__tile_overlayer_lowered;
	s5 =	simm.s32 $_tile_overlayer_lowered  }
0x9b: {  	s22 =	simm.s32 $0x1BFF;
	s21 =	sshll.u32 s5, $0x1;
	s2 =	sadd.s32 s19, s18  }
0x9c: {  	s6 =	simm.s32 $0x0;
	s20 =	sshll.u32 s4, $0x1;
	s4 =	sadd.s32 s21, s2  }
0x9d: {  	[timem:s6], [sflag:s22] =	dma.local [hbm:s4], s20  }
0x9e: {  	_ =	swait.ge [sflag:s22], s20  }
0x9f: {  	s3 =	ssub.s32 $0x0, s20;
	[sflag:s22] =	ssyncset.done $0x0  }
0xa0: {  	[sflag:s22] =	ssyncadd.s32 s3;
	_ =	sdelay $0x1  }
0xa1: {  	s23 =	simm.s32 $0x1B8B  }
0xa2: {  	_ =	swait.ge [sflag:s23], $0x1  }
0xa3: {  	[sflag:s23] =	ssyncset.done $0x0  }
0xa4: {  	s25 =	simm.s32 $0x1B8E;
	s24 =	sld [smem:$0x3FFE];
	[sflag:s23] =	ssyncadd.s32 $0xFFFFFFFF  }
0xa5: {  	s26 =	simm.s32 $execute0_lowered;
	[smem:$0x3FD2] =	sst s25  }
0xa6: {  	s4 =	sshll.u32 s26, $0x1;
	_ =	strace $0x80000046;
	[dreg:$0x1] =	wrdreg $0xFFFFFFFF  }
0xa7: {  	s28 =	simm.s32 $_size_execute0_lowered;
	s2 =	sadd.s32 s2, s4;
	[dreg:$0x0] =	wrdreg $0x0  }
0xa8: {  	s4 =	sshll.u32 s28, $0x1;
	[dreg:$0x2] =	wrdreg s2  }
0xa9: {  	[dreg:$0x3] =	wrdreg s4  }
0xaa: {  	[dreg:$0x4] =	wrdreg $0xC0  }
0xab: {  	_ =	task [dreg:s6], $0x5FFFF  }
0xac: {  	[dreg:$0x1] =	wrdreg $0xFFFFFFFF  }
0xad: {  	[dreg:$0x0] =	wrdreg $0x60  }
0xae: {  	[dreg:$0x2] =	wrdreg s24  }
0xaf: {  	[dreg:$0x3] =	wrdreg $0x9  }
0xb0: {  	_ =	task.clear_ibuf [dreg:s6], $0x4FFFF;
	_ =	strace $0x90000046  }
0xb1: {  	s29 =	simm.s32 $0x9;
	_ =	strace $0x80000048  }
0xb2: {  	_ =	swait.ge [sflag:s29], $0x1  }
0xb3: {  	[sflag:s29] =	ssyncadd.s32 $0xFFFFFFFF  }
0xb4: {  	_ =	strace $0x90000048  }
0xb5: {  	_ =	sfence  }
0xb6: {  	s30 =	sld [smem:$0x0];
	_ =	sdelay $0x2  }
0xb7: {  	s31 =	sshll.u32 s1, $0xD;
	s1 =	sshrl.u32 s1, $0x2  }
0xb8: {  	s3 =	sand.u32 $0x4000, s31;
	s1 =	sadd.s32 s1, s30  }
0xb9: {  	s0 =	sor.u32 s3, s0;
	s1 =	sshll.u32 s1, $0x11  }
0xba: {  	s0 =	sor.u32 s1, s0  }
0xbb: {  	s0 =	sadd.s32 $0x8F2B, s0  }
0xbc: {  	[sflag:s0] =	ssyncadd.remote.s32 $0x1  }
0xbd: {  	_ =	sfence.sel $0xFFFF  }
0xbe: {  	[dreg:$0x0] =	wrdreg $0xFFFFFFFF;
	(pc) =	sbr.abs _section_cstart, $3  }
0xbf: {  	[dreg:$0x1] =	wrdreg $0xFFFFFFFF  }
0xc0: {  	_ =	task.clear_ibuf [dreg:s6], $0x2FFFF;
	_ =	strace $0x9FFFFFFF  }
0xc1: {  	(tm) =	ssettm $0x7FFFFFFF  }
tec
execute0_lowered:
.L_overlay_start_1:
0x0: {  	(tag) =	ssettag $0x1  }
0x1: {  	v0 =	vimm.s32 $0xFEDCBA98;
	v1 =	vimm.s32 $0x76543210  }
0x2: {  	v2 =	vimm.s32 $0xBA98FEDC;
	v3 =	vimm.s32 $0x32107654;
	v4 =	vimm.s32 $0xDCFE98BA  }
0x3: {  	v5 =	vimm.s32 $0x54761032;
	v6 =	vimm.s32 $0xEFCDAB89;
	v7 =	vimm.s32 $0x67452301  }
0x4: {  	v0 =	vunpack.c.l.s4.s8 v0;
	v1 =	vunpack.c.l.s4.s8 v1;
	v2 =	vunpack.c.l.s4.s8 v2  }
0x5: {  	s1 =	srdreg.scid;
	v3 =	vunpack.c.l.s4.s8 v3;
	v4 =	vunpack.c.l.s4.s8 v4;
	v5 =	vunpack.c.l.s4.s8 v5  }
0x6: {  	s0 =	stileid.u32;
	s4 =	rddreg [dreg:$0x0];
	s2 =	simm.s32 $0x0;
	v6 =	vunpack.c.l.s4.s8 v6;
	v7 =	vunpack.c.l.s4.s8 v7;
	v0 =	vunpack.c.0.s8.s32 v0  }
0x7: {  	s8 =	simm.s32 $0x1;
	s3 =	sand.u32 $0x1, s1;
	s30 =	sshll.u32 s0, $0x1;
	v2 =	vunpack.c.0.s8.s32 v2;
	v3 =	vunpack.c.0.s8.s32 v3;
	v4 =	vunpack.c.0.s8.s32 v4  }
0x8: {  	s9 =	simm.s32 $0x1C00;
	s10 =	simm.s32 $0x3800;
	s1 =	sor.u32 s3, s30;
	v5 =	vunpack.c.0.s8.s32 v5;
	v6 =	vunpack.c.0.s8.s32 v6;
	v7 =	vunpack.c.0.s8.s32 v7  }
0x9: {  	s11 =	simm.s32 $0x5400;
	s3 =	ssub.s32 $0x2, s3;
	s5 =	smul.u32 $0x380, s1;
	v1 =	vunpack.c.0.s8.s32 v1;
	v2 =	vcombine.low v3, v2  }
0xa: {  	s12 =	simm.s32 $0x0;
	[smem:$0x7FF] =	sst s2;
	s31 =	sshrl.u32 s3, $0x1;
	v0 =	vand.u32 $0xF, v0;
	v3 =	vcombine.low v5, v4;
	v4 =	vcombine.low v7, v6  }
0xb: {  	s1 =	rddreg [dreg:$0x1];
	s7 =	ssub.s32 s3, s31;
	s6 =	sadd.s32 s5, s4;
	v0 =	vcombine.low v0, v1;
	v1 =	vand.u32 $0xF, v2  }
0xc: {  	_ =	strace $0x80000047;
	s7 =	smax.u32 s7, $0x1;
	s3 =	sadd.s32 $0xDC00, s6;
	v2 =	vand.u32 $0xF, v3;
	v3 =	vand.u32 $0xF, v4;
	v4 =	vlaneseq.u32  }
0xd: {  	s4 =	sadd.s32 $0x14C00, s6;
	s5 =	sadd.s32 $0x22C00, s6;
	s6 =	sadd.s32 $0x1BC00, s6;
	v5 =	vor.u32 $0x30, v4;
	v6 =	vor.u32 $0x20, v4;
	v7 =	vor.u32 $0x10, v4  }
.LBB2_1:
0xe: {  	[tilespmem:s2], [sflag:$0x1] =	stream.linear.gather [hbm4b:s3+s2], $0x1900, $0x38;
	[tilespmem:$0x7000] =	vst v63  }
0xf: {  	_ =	swait.ge [sflag:s8], $0x1900  }
0x10: {  	[sflag:s8] =	ssyncset.done $0x0  }
0x11: {  	[sflag:s8] =	ssyncadd.s32 $0xFFFFE700  }
0x12: {  	[tilespmem:s9], [sflag:$0x1] =	stream.linear.gather [hbm4b:s4+s2], $0x1900, $0x38;
	[tilespmem:$0x7000] =	vst v63  }
0x13: {  	_ =	swait.ge [sflag:s8], $0x1900  }
0x14: {  	[sflag:s8] =	ssyncset.done $0x0  }
0x15: {  	s13 =	simm.s32 $0x0;
	[sflag:s8] =	ssyncadd.s32 $0xFFFFE700  }
.LBB2_2:
0x16: {  	s14 =	sshll.u32 s13, $0x7  }
0x17: {  	v9 =	vld [tilespmem:s14+$0x0]  }
0x18: {  	v11 =	vld [tilespmem:s14+$0x10]  }
0x19: {  	v12 =	vld [tilespmem:s14+$0x20]  }
0x1a: {  	v8 =	vld [tilespmem:s14+$0x30];
	_ =	sdelay $0x2  }
0x1b: {  	v10 =	vmin.f32 v9, v11  }
0x1c: {  	v10 =	vmin.f32 v10, v12  }
0x1d: {  	v10 =	vmin.f32 v10, v8  }
0x1e: {  	v13 =	vperm.xlane v10, v0;
	_ =	sdelay $0x1  }
0x1f: {  	v10 =	vmin.f32 v10, v13  }
0x20: {  	v13 =	vperm.xlane v10, v1;
	_ =	sdelay $0x1  }
0x21: {  	v10 =	vmin.f32 v10, v13  }
0x22: {  	v13 =	vperm.xlane v10, v2;
	_ =	sdelay $0x1  }
0x23: {  	v10 =	vmin.f32 v10, v13  }
0x24: {  	v13 =	vperm.xlane v10, v3;
	_ =	sdelay $0x1  }
0x25: {  	v10 =	vmin.f32 v10, v13  }
0x26: {  	vm0 =	veq.f32 v8, v10  }
0x27: {  	vm1 =	veq.f32 v12, v10;
	v13 =	vnsel vm0, $0x7FFF, v5  }
0x28: {  	vm0 =	veq.f32 v11, v10;
	v13 =	vsel vm1, v6, v13  }
0x29: {  	vm1 =	veq.f32 v9, v10;
	v10 =	vsel vm0, v7, v13  }
0x2a: {  	v10 =	vsel vm1, v4, v10  }
0x2b: {  	v13 =	vperm.xlane v10, v0;
	_ =	sdelay $0x1  }
0x2c: {  	vm0 =	vlt.s32 v10, v13  }
0x2d: {  	v10 =	vsel vm0, v10, v13  }
0x2e: {  	v13 =	vperm.xlane v10, v1;
	_ =	sdelay $0x1  }
0x2f: {  	vm0 =	vlt.s32 v10, v13  }
0x30: {  	v10 =	vsel vm0, v10, v13  }
0x31: {  	v13 =	vperm.xlane v10, v2;
	_ =	sdelay $0x1  }
0x32: {  	vm0 =	vlt.s32 v10, v13  }
0x33: {  	v10 =	vsel vm0, v10, v13  }
0x34: {  	v13 =	vperm.xlane v10, v3  }
0x35: {  	s15 =	simm.s32 $0x0  }
0x36: {  	v14 =	vmov s15;
	vm0 =	vlt.s32 v10, v13  }
0x37: {  	v15 =	vimm.s32 $0x0;
	v16 =	vsel vm0, v10, v13;
	vm0 =	veq.s32 v14, v4  }
0x38: {  	vm1 =	veq.s32 v16, v4;
	vm2 =	veq.s32 v16, v7;
	vm3 =	veq.s32 v16, v6  }
0x39: {  	v10 =	vsel vm1, $0x7F61B1E6, v9;
	v11 =	vsel vm2, $0x7F61B1E6, v11;
	v12 =	vsel vm3, $0x7F61B1E6, v12  }
0x3a: {  	s16 =	simm.s32 $0x2;
	s15 =	simm.s32 $0x1;
	v9 =	vsel vm0, v16, v15;
	vm0 =	veq.s32 v16, v5;
	v13 =	vmin.f32 v10, v11  }
.LBB2_3:
0x3b: {  	p0 =	sne.s32 s16, $0xF;
	v13 =	vmin.f32 v13, v12;
	v8 =	vsel vm0, $0x7F61B1E6, v8  }
0x3c: {  	v13 =	vmin.f32 v13, v8  }
0x3d: {  	v14 =	vperm.xlane v13, v0;
	_ =	sdelay $0x1  }
0x3e: {  	v13 =	vmin.f32 v13, v14  }
0x3f: {  	v14 =	vperm.xlane v13, v1;
	_ =	sdelay $0x1  }
0x40: {  	v13 =	vmin.f32 v13, v14  }
0x41: {  	v14 =	vperm.xlane v13, v2;
	_ =	sdelay $0x1  }
0x42: {  	v13 =	vmin.f32 v13, v14  }
0x43: {  	v14 =	vperm.xlane v13, v3;
	_ =	sdelay $0x1  }
0x44: {  	v13 =	vmin.f32 v13, v14  }
0x45: {  	vm0 =	veq.f32 v8, v13  }
0x46: {  	vm1 =	veq.f32 v12, v13;
	v14 =	vnsel vm0, $0x7FFF, v5  }
0x47: {  	vm0 =	veq.f32 v11, v13;
	v14 =	vsel vm1, v6, v14  }
0x48: {  	vm1 =	veq.f32 v10, v13;
	v13 =	vsel vm0, v7, v14  }
0x49: {  	v13 =	vsel vm1, v4, v13  }
0x4a: {  	v14 =	vperm.xlane v13, v0;
	_ =	sdelay $0x1  }
0x4b: {  	vm0 =	vlt.s32 v13, v14  }
0x4c: {  	v13 =	vsel vm0, v13, v14  }
0x4d: {  	v14 =	vperm.xlane v13, v1;
	_ =	sdelay $0x1  }
0x4e: {  	vm0 =	vlt.s32 v13, v14  }
0x4f: {  	v13 =	vsel vm0, v13, v14  }
0x50: {  	v14 =	vperm.xlane v13, v2;
	_ =	sdelay $0x1  }
0x51: {  	vm0 =	vlt.s32 v13, v14  }
0x52: {  	v13 =	vsel vm0, v13, v14  }
0x53: {  	v14 =	vperm.xlane v13, v3;
	_ =	sdelay $0x1  }
.Ltmp0:
0x54: {  	v15 =	vmov s15;
	s15 =	smov.u32 s16;
	vm0 =	vlt.s32 v13, v14;
	(pc) =	sbr.rel @p0 .LBB2_3-.Ltmp0, $4  }
0x55: {  	v14 =	vsel vm0, v13, v14;
	vm0 =	veq.s32 v15, v4  }
0x56: {  	vm1 =	veq.s32 v14, v4;
	vm2 =	veq.s32 v14, v7;
	vm3 =	veq.s32 v14, v6  }
0x57: {  	v10 =	vsel vm1, $0x7F61B1E6, v10;
	v11 =	vsel vm2, $0x7F61B1E6, v11;
	v12 =	vsel vm3, $0x7F61B1E6, v12  }
0x58: {  	s16 =	sadd.s32 $0x1, s16;
	v9 =	vsel vm0, v14, v9;
	vm0 =	veq.s32 v14, v5;
	v13 =	vmin.f32 v10, v11  }
0x59: {  	v13 =	vmin.f32 v13, v12;
	v8 =	vsel vm0, $0x7F61B1E6, v8  }
0x5a: {  	v13 =	vmin.f32 v13, v8  }
0x5b: {  	v14 =	vperm.xlane v13, v0;
	_ =	sdelay $0x1  }
0x5c: {  	v13 =	vmin.f32 v13, v14  }
0x5d: {  	v14 =	vperm.xlane v13, v1;
	_ =	sdelay $0x1  }
0x5e: {  	v13 =	vmin.f32 v13, v14  }
0x5f: {  	v14 =	vperm.xlane v13, v2;
	_ =	sdelay $0x1  }
0x60: {  	v13 =	vmin.f32 v13, v14  }
0x61: {  	v14 =	vperm.xlane v13, v3;
	_ =	sdelay $0x1  }
0x62: {  	v13 =	vmin.f32 v13, v14  }
0x63: {  	vm0 =	veq.f32 v8, v13  }
0x64: {  	vm1 =	veq.f32 v12, v13;
	v8 =	vnsel vm0, $0x7FFF, v5  }
0x65: {  	vm12 =	veq.f32 v11, v13;
	v8 =	vsel vm1, v6, v8  }
0x66: {  	vm13 =	veq.f32 v10, v13;
	v8 =	vsel vm12, v7, v8  }
0x67: {  	v8 =	vsel vm13, v4, v8  }
0x68: {  	v62 =	vperm.xlane v8, v0;
	_ =	sdelay $0x1  }
0x69: {  	vm14 =	vlt.s32 v8, v62  }
0x6a: {  	v8 =	vsel vm14, v8, v62  }
0x6b: {  	v10 =	vperm.xlane v8, v1;
	_ =	sdelay $0x1  }
0x6c: {  	vm0 =	vlt.s32 v8, v10  }
0x6d: {  	v8 =	vsel vm0, v8, v10  }
0x6e: {  	v10 =	vperm.xlane v8, v2;
	_ =	sdelay $0x1  }
0x6f: {  	vm0 =	vlt.s32 v8, v10  }
0x70: {  	s13 =	sadd.s32 $0x1, s13;
	v8 =	vsel vm0, v8, v10  }
0x71: {  	p0 =	sne.s32 s13, $0x32;
	v10 =	vperm.xlane v8, v3  }
.Ltmp1:
0x72: {  	_ = 	snop;
	(pc) =	sbr.rel @p0 .LBB2_2-.Ltmp1, $4  }
0x73: {  	v63 =	vmov s15;
	vm0 =	vlt.s32 v8, v10  }
0x74: {  	vm15 =	veq.s32 v63, v4;
	v8 =	vsel vm0, v8, v10  }
0x75: {  	v8 =	vsel vm15, v8, v9  }
0x76: {  	[tilespmem:s14+$0x3800] =	vst v8;
	s14 =	simm.s32 $0x0  }
.LBB2_5:
0x77: {  	s13 =	sshll.u32 s14, $0x7  }
0x78: {  	v9 =	vld [tilespmem:s13+$0x1C00]  }
0x79: {  	v10 =	vld [tilespmem:s13+$0x1C10];
	_ =	sdelay $0x4  }
0x7a: {  	v8 =	vimm.s32 $0x0;
	s16 =	simm.s32 $0x1;
	s15 =	simm.s32 $0x0;
	v11 =	vmin.f32 v9, v10  }
.LBB2_6:
0x7b: {  	p0 =	sne.s32 s16, $0xF;
	v12 =	vperm.xlane v11, v0;
	_ =	sdelay $0x1  }
0x7c: {  	v11 =	vmin.f32 v11, v12  }
0x7d: {  	v12 =	vperm.xlane v11, v1;
	_ =	sdelay $0x1  }
0x7e: {  	v11 =	vmin.f32 v11, v12  }
0x7f: {  	v12 =	vperm.xlane v11, v2;
	_ =	sdelay $0x1  }
0x80: {  	v11 =	vmin.f32 v11, v12  }
0x81: {  	v12 =	vperm.xlane v11, v3;
	_ =	sdelay $0x1  }
0x82: {  	v11 =	vmin.f32 v11, v12  }
0x83: {  	vm0 =	veq.f32 v10, v11  }
0x84: {  	vm1 =	veq.f32 v9, v11;
	v11 =	vnsel vm0, $0x7FFF, v7  }
0x85: {  	v11 =	vsel vm1, v4, v11  }
0x86: {  	v12 =	vperm.xlane v11, v0;
	_ =	sdelay $0x1  }
0x87: {  	vm0 =	vlt.s32 v11, v12  }
0x88: {  	v11 =	vsel vm0, v11, v12  }
0x89: {  	v12 =	vperm.xlane v11, v1;
	_ =	sdelay $0x1  }
0x8a: {  	vm0 =	vlt.s32 v11, v12  }
0x8b: {  	v11 =	vsel vm0, v11, v12  }
0x8c: {  	v12 =	vperm.xlane v11, v2;
	_ =	sdelay $0x1  }
0x8d: {  	vm0 =	vlt.s32 v11, v12  }
0x8e: {  	v11 =	vsel vm0, v11, v12  }
0x8f: {  	v12 =	vperm.xlane v11, v3;
	_ =	sdelay $0x1  }
.Ltmp2:
0x90: {  	v13 =	vmov s15;
	s15 =	smov.u32 s16;
	vm0 =	vlt.s32 v11, v12;
	(pc) =	sbr.rel @p0 .LBB2_6-.Ltmp2, $4  }
0x91: {  	v11 =	vsel vm0, v11, v12;
	vm0 =	veq.s32 v13, v4  }
0x92: {  	v8 =	vsel vm0, v11, v8;
	vm0 =	veq.s32 v11, v4;
	vm1 =	veq.s32 v11, v7  }
0x93: {  	v9 =	vsel vm0, $0x7F61B1E6, v9;
	v10 =	vsel vm1, $0x7F61B1E6, v10  }
0x94: {  	s16 =	sadd.s32 $0x1, s16;
	v11 =	vmin.f32 v9, v10  }
0x95: {  	v12 =	vperm.xlane v11, v0;
	_ =	sdelay $0x1  }
0x96: {  	v11 =	vmin.f32 v11, v12  }
0x97: {  	v12 =	vperm.xlane v11, v1;
	_ =	sdelay $0x1  }
0x98: {  	v11 =	vmin.f32 v11, v12  }
0x99: {  	v12 =	vperm.xlane v11, v2;
	_ =	sdelay $0x1  }
0x9a: {  	v11 =	vmin.f32 v11, v12  }
0x9b: {  	v12 =	vperm.xlane v11, v3;
	_ =	sdelay $0x1  }
0x9c: {  	v11 =	vmin.f32 v11, v12  }
0x9d: {  	vm0 =	veq.f32 v10, v11  }
0x9e: {  	vm1 =	veq.f32 v9, v11;
	v61 =	vnsel vm0, $0x7FFF, v7  }
0x9f: {  	v9 =	vsel vm1, v4, v61  }
0xa0: {  	v62 =	vperm.xlane v9, v0;
	_ =	sdelay $0x1  }
0xa1: {  	vm14 =	vlt.s32 v9, v62  }
0xa2: {  	v9 =	vsel vm14, v9, v62  }
0xa3: {  	v10 =	vperm.xlane v9, v1;
	_ =	sdelay $0x1  }
0xa4: {  	vm0 =	vlt.s32 v9, v10  }
0xa5: {  	v9 =	vsel vm0, v9, v10  }
0xa6: {  	v10 =	vperm.xlane v9, v2;
	_ =	sdelay $0x1  }
0xa7: {  	vm0 =	vlt.s32 v9, v10  }
0xa8: {  	s14 =	sadd.s32 $0x1, s14;
	v9 =	vsel vm0, v9, v10  }
0xa9: {  	p0 =	sne.s32 s14, $0x32;
	v10 =	vperm.xlane v9, v3  }
.Ltmp3:
0xaa: {  	_ = 	snop;
	(pc) =	sbr.rel @p0 .LBB2_5-.Ltmp3, $4  }
0xab: {  	v63 =	vmov s15;
	vm0 =	vlt.s32 v9, v10  }
0xac: {  	vm15 =	veq.s32 v63, v4;
	v9 =	vsel vm0, v9, v10  }
0xad: {  	v8 =	vsel vm15, v9, v8  }
0xae: {  	[tilespmem:s13+$0x5400] =	vst v8  }
0xaf: {  	[hbm4b:s5+s2] =	stream.linear.scatter [tilespmem:s10], [sflag:$0x1], $0x1900, $0x38;
	[tilespmem:$0x7000] =	vst v63  }
0xb0: {  	s12 =	sadd.s32 $0x1, s12;
	_ =	swait.ge [sflag:s8], $0x1900  }
0xb1: {  	p0 =	sne.s32 s12, s7;
	[sflag:s8] =	ssyncset.done $0x0  }
.Ltmp4:
0xb2: {  	[sflag:s8] =	ssyncadd.s32 $0xFFFFE700;
	(pc) =	sbr.rel @p0 .LBB2_1-.Ltmp4, $4  }
0xb3: {  	[hbm4b:s6+s2] =	stream.linear.scatter [tilespmem:s11], [sflag:$0x1], $0x1900, $0x38;
	[tilespmem:$0x7000] =	vst v63  }
0xb4: {  	_ =	swait.ge [sflag:s8], $0x1900  }
0xb5: {  	[sflag:s8] =	ssyncset.done $0x0  }
0xb6: {  	[sflag:s8] =	ssyncadd.s32 $0xFFFFE700  }
0xb7: {  	_ =	sfence.sel $0x180000  }
0xb8: {  	[bflag:$0x0] =	sbarrier.arrive $0xFFFF  }
0xb9: {  	p0 =	sne.s32 s0, $0x0;
	_ =	strace $0x90000047  }
0xba: {  	s0 =	sadd.s32 @!p0 $0x100000, s1;
	[bflag:$0x2] =	sbarrier.arrive $0xFFFF  }
0xbb: {  	[sflag:s0] =	ssyncadd.tile.s32 @!p0 $0x1;
	_ =	shalt  }
.Lfunc_end2:
_tile_overlayer_lowered:
.L_overlay_start_2:
0xbc: {  	(tag) =	ssettag $0x2  }
0xbd: {  	s0 =	rddreg [dreg:$0x0];
	s2 =	stileid.u32  }
0xbe: {  	s1 =	rddreg [dreg:$0x1];
	p0 =	sne.s32 s2, $0x0  }
0xbf: {  	s3 =	rddreg [dreg:$0x2];
	[bflag:$0x3] =	sbarrier.arrive $0xFFFF;
	s2 =	simm.s32 @!p0 $0x1C01  }
0xc0: {  	[timem:s3], [sflag:s2] =	dma.local @!p0 [hbm:s0], s1  }
0xc1: {  	s0 =	simm.s32 @!p0 $0x1  }
0xc2: {  	_ =	swait.ge @!p0 [sflag:s0], s1  }
0xc3: {  	s1 =	ssub.s32 @!p0 $0x0, s1;
	[sflag:s0] =	ssyncset.done @!p0 $0x0  }
0xc4: {  	[sflag:s0] =	ssyncadd.s32 @!p0 s1  }
0xc5: {  	[bflag:$0x3] =	sbarrier.arrive $0xFFFF  }
0xc6: {  	_ =	shalt  }

</sc_bundles>
